<compile_context>
chip_gen: v7x
topology: tpu7x:2x2x1
jax: 0.10.2.dev20260603
libtpu: 0.0.44.dev20260713+nightly
codegen_flags: <defaults>
</compile_context>

<pallas_src>
import dataclasses
import functools

import jax
import jax.numpy as jnp
from jax import lax
from jax.experimental import pallas as pl
from jax.experimental.pallas import tpu as pltpu
from jax.experimental.pallas import tpu_sc as plsc

N = 10000
E = 320000
D = 128
NSC = 2
NSUB = 16
NW = NSC * NSUB
CH = 80
K = 25
BUF = 3
NG = 5
NCH = NG * K
EPW = NCH * CH
NP = 10240
STRIPE = NP // NSUB
CHB = CH * D * 4


def _sc_aggregate(feature, ei4, zrows):
    mesh = plsc.VectorSubcoreMesh(core_axis_name="c", subcore_axis_name="s")
    cp = pltpu.CompilerParams()
    if "needs_layout_passes" in pltpu.CompilerParams.__dataclass_fields__:
        cp = dataclasses.replace(cp, needs_layout_passes=False)

    @functools.partial(
        pl.kernel,
        mesh=mesh,
        compiler_params=cp,
        out_type=(jax.ShapeDtypeStruct((NSC, NP, D), jnp.float32),
                  jax.ShapeDtypeStruct((NW, NP), jnp.float32)),
        scratch_types=[
            pltpu.VMEM_SHARED((NP, D), jnp.float32),
            pltpu.VMEM((K, CH), jnp.int32),
            pltpu.VMEM((K, CH), jnp.int32),
            pltpu.VMEM((BUF, CH, D), jnp.float32),
            pltpu.VMEM((NP,), jnp.float32),
        ] + [pltpu.SemaphoreType.DMA] * (2 * BUF),
    )
    def k(f_hbm, ei_hbm, z_hbm, sums_hbm, cnt_hbm, acc_sh, src_v, dst_v,
          rows_v, hist_v, *all_sems):
        sems = all_sems[:BUF]
        ssems = all_sems[BUF:]
        cid = lax.axis_index("c")
        sid = lax.axis_index("s")
        wid = cid * NSUB + sid
        base = wid * EPW

        pltpu.sync_copy(z_hbm, acc_sh.at[pl.ds(sid * STRIPE, STRIPE)])

        @pl.loop(0, NP, step=16)
        def _(i):
            hist_v[pl.ds(i, 16)] = jnp.zeros((16,), jnp.float32)

        plsc.subcore_barrier()
        ones16 = jnp.ones((16,), jnp.float32)

        @pl.loop(0, NG)
        def _(g):
            pltpu.sync_copy(ei_hbm.at[0, wid, g], src_v)
            pltpu.sync_copy(ei_hbm.at[1, wid, g], dst_v)
            for p in range(min(BUF - 1, K)):
                pltpu.async_copy(f_hbm.at[src_v.at[p]], rows_v.at[p], sems[p])
            for c in range(K):
                b = c % BUF
                for j in range(CH // 16):
                    iv = dst_v[c, pl.ds(j * 16, 16)]
                    plsc.addupdate_scatter(hist_v, [iv], ones16)
                pltpu.make_async_copy(f_hbm.at[src_v.at[c]],
                                      rows_v.at[b], sems[b]).wait()
                pltpu.async_copy(rows_v.at[b], acc_sh.at[dst_v.at[c]],
                                 ssems[b], add=True)
                ahead = c + BUF - 1
                if ahead < K:
                    ba = ahead % BUF
                    if c >= 1:
                        pltpu.make_async_copy(
                            rows_v.at[ba], acc_sh.at[dst_v.at[c - 1]],
                            ssems[ba]).wait()
                    pltpu.async_copy(f_hbm.at[src_v.at[ahead]],
                                     rows_v.at[ba], sems[ba])
            for x in range(max(0, K - BUF), K):
                pltpu.make_async_copy(rows_v.at[x % BUF],
                                      acc_sh.at[dst_v.at[x]],
                                      ssems[x % BUF]).wait()

        pltpu.sync_copy(hist_v, cnt_hbm.at[wid])
        plsc.subcore_barrier()
        pltpu.sync_copy(acc_sh.at[pl.ds(sid * STRIPE, STRIPE)],
                        sums_hbm.at[cid, pl.ds(sid * STRIPE, STRIPE)])

    return k(feature, ei4, zrows)


def _tc_epilogue(acc, cparts, feature, W, b2):
    def body(acc_ref, c_ref, f_ref, w_ref, b_ref, o_ref):
        sums = acc_ref[0, :N, :] + acc_ref[1, :N, :]
        ones_w = jnp.ones((NW, 1), jnp.float32)
        cnt = lax.dot_general(c_ref[...], ones_w,
                              (((0,), (0,)), ((), ())),
                              precision=lax.Precision.HIGHEST,
                              preferred_element_type=jnp.float32)[:N]
        agg = sums / jnp.maximum(cnt, 1.0)
        h = (jnp.dot(agg, w_ref[:D, :], preferred_element_type=jnp.float32)
             + jnp.dot(f_ref[...], w_ref[D:, :], preferred_element_type=jnp.float32)
             + b_ref[...])
        nrm2 = jnp.sum(h * h, axis=1, keepdims=True)
        o_ref[...] = h * lax.rsqrt(jnp.maximum(nrm2, 1e-24))

    return pl.pallas_call(
        body,
        out_shape=jax.ShapeDtypeStruct((N, D), jnp.float32),
    )(acc, cparts, feature, W, b2)


def kernel(feature, edge_index, W, b):
    zrows = jnp.zeros((STRIPE, D), jnp.float32)
    acc, cparts = _sc_aggregate(
        feature, edge_index.reshape(2, NW, NG, K, CH), zrows)
    return _tc_epilogue(acc, cparts, feature, W, b.reshape(1, D))

# --- scband reference (transcript-rebuilt; emitter-appended) ---
"""Pipeline reference for scband-signconv-39994735460363 (READ-ONLY COPY).

The authoritative reference and input builder live on the scoring server;
editing this copy changes nothing except your own understanding.
"""

import jax, jax.numpy as jnp
import numpy as np

N = 10000
E = 320000
D = 128
D_OUT = 128

def setup_inputs(seed: int = 0) -> dict:
    key = jax.random.key(seed)
    k1, k2, k3 = jax.random.split(key, 3)
    feature = jax.random.normal(k1, (N, D), dtype=jnp.float32)
    edge_index = jax.random.randint(k2, (2, E), 0, N, dtype=jnp.int32)
    # Linear layer params: in_channels = 2*D (cat of aggregated + raw feat), out = D_OUT
    W = jax.random.normal(k3, (2 * D, D_OUT), dtype=jnp.float32) * 0.05
    b = jnp.zeros((D_OUT,), dtype=jnp.float32)
    return {"feature": feature, "edge_index": edge_index, "W": W, "b": b}

def reference(feature, edge_index, W, b):
    # SIGNConv.forward_base with norm=True (mean aggregation), norm_embed=True
    src = edge_index[0]
    dst = edge_index[1]
    msgs = feature[src]                                    # copy_u gather
    sums = jax.ops.segment_sum(msgs, dst, num_segments=N)  # scatter-add at dst
    counts = jax.ops.segment_sum(jnp.ones((E,), dtype=feature.dtype), dst, num_segments=N)
    agg = sums / jnp.maximum(counts, 1.0)[:, None]         # fn.mean; 0 for isolated nodes
    out = jnp.concatenate([agg, feature], axis=1)          # th.cat([out, feature], 1)
    out = out @ W + b                                      # linear_layer
    # F.normalize(out, p=2, dim=-1) with default eps=1e-12
    nrm = jnp.linalg.norm(out, axis=-1, keepdims=True)
    out = out / jnp.maximum(nrm, 1e-12)
    return out

if __name__ == "__main__":
    import jax
    _d = setup_inputs()
    print(jax.jit(kernel)(*tuple(_d.values())))

</pallas_src>

<mosaic_0001>
#map = affine_map<(d0, d1) -> (0, 0)>
#map1 = affine_map<(d0, d1) -> (0, 0, 0, 0, 0)>
#map2 = affine_map<(d0, d1) -> (0, 0, 0)>
module attributes {stable_mosaic.version = 14 : i64} {
  func.func @k(%arg0: i32, %arg1: i32, %arg2: memref<10000x128xf32, #tpu.memory_space<hbm>>, %arg3: memref<2x32x5x25x80xi32, #tpu.memory_space<hbm>>, %arg4: memref<640x128xf32, #tpu.memory_space<hbm>>, %arg5: memref<2x10240x128xf32, #tpu.memory_space<hbm>>, %arg6: memref<32x10240xf32, #tpu.memory_space<hbm>>, %arg7: memref<10240x128xf32, #tpu.memory_space<vmem_shared>>, %arg8: memref<25x80xi32, #tpu.memory_space<vmem>>, %arg9: memref<25x80xi32, #tpu.memory_space<vmem>>, %arg10: memref<3x80x128xf32, #tpu.memory_space<vmem>>, %arg11: memref<10240xf32, #tpu.memory_space<vmem>>, %arg12: memref<!tpu.dma_semaphore, #tpu.memory_space<semaphore_mem>>, %arg13: memref<!tpu.dma_semaphore, #tpu.memory_space<semaphore_mem>>, %arg14: memref<!tpu.dma_semaphore, #tpu.memory_space<semaphore_mem>>, %arg15: memref<!tpu.dma_semaphore, #tpu.memory_space<semaphore_mem>>, %arg16: memref<!tpu.dma_semaphore, #tpu.memory_space<semaphore_mem>>, %arg17: memref<!tpu.dma_semaphore, #tpu.memory_space<semaphore_mem>>) attributes {dimension_semantics = [#tpu.dimension_semantics<core_parallel>, #tpu.dimension_semantics<subcore_parallel>], iteration_bounds = array<i64: 2, 16>, scalar_prefetch = 0 : i64, scratch_operands = 11 : i64, tpu.core_type = #tpu.core_type<sc_vector_subcore>, window_params = [{transform_indices = #map}, {transform_indices = #map1}, {transform_indices = #map}, {transform_indices = #map2}, {transform_indices = #map}]} {
    %mul3A = arith.constant 16 : i32
    %mul3A_0 = arith.muli %arg0, %mul3A : i32
    %add3A = arith.addi %mul3A_0, %arg1 : i32
    %mul3A_1 = arith.constant 10000 : i32
    %mul3A_2 = arith.muli %add3A, %mul3A_1 : i32
    %mul3A_3 = arith.constant 640 : i32
    %mul3A_4 = arith.muli %arg1, %mul3A_3 : i32
    "tpu.region"() ({
      %run_scoped3A = tpu.sem_alloc : memref<!tpu.dma_semaphore, #tpu.memory_space<semaphore_mem>>
      %dma_start3A = arith.constant 0 : i32
      %dma_start3A_20 = tpu.memref_slice %arg7[%mul3A_4, %dma_start3A] : memref<10240x128xf32, #tpu.memory_space<vmem_shared>> -> memref<640x128xf32, #tpu.memory_space<vmem_shared>>
      tpu.enqueue_dma source(%arg4 : memref<640x128xf32, #tpu.memory_space<hbm>>) target(%dma_start3A_20 : memref<640x128xf32, #tpu.memory_space<vmem_shared>>) target_semaphore(%run_scoped3A : memref<!tpu.dma_semaphore, #tpu.memory_space<semaphore_mem>>)
      %dma_wait3A = arith.constant 0 : i32
      %dma_wait3A_21 = tpu.memref_slice %arg7[%mul3A_4, %dma_wait3A] : memref<10240x128xf32, #tpu.memory_space<vmem_shared>> -> memref<640x128xf32, #tpu.memory_space<vmem_shared>>
      tpu.wait_dma2 semaphore(%run_scoped3A : memref<!tpu.dma_semaphore, #tpu.memory_space<semaphore_mem>>) src(%arg4 : memref<640x128xf32, #tpu.memory_space<hbm>>) dst(%dma_wait3A_21 : memref<640x128xf32, #tpu.memory_space<vmem_shared>>)
      tpu.yield
    }) : () -> ()
    %scan3A = arith.constant 0 : i32
    %scan3A_5 = arith.constant 640 : i32
    %scan3A_6 = arith.addi %scan3A, %scan3A_5 : i32
    %scan3A_7 = arith.constant 1 : i32
    scf.for %scan3A_20 = %scan3A to %scan3A_6 step %scan3A_7  : i32 {
      %mul3A_21 = arith.constant 16 : i32
      %mul3A_22 = arith.muli %scan3A_20, %mul3A_21 : i32
      %add3A_23 = arith.constant 0 : i32
      %add3A_24 = arith.addi %add3A_23, %mul3A_22 : i32
      %broadcast_in_dim3A_25 = arith.constant 0.000000e+00 : f32
      %broadcast_in_dim3A_26 = vector.broadcast %broadcast_in_dim3A_25 : f32 to vector<16xf32>
      %swap3A = arith.index_cast %add3A_24 : i32 to index
      %swap3A_27 = tpu.vector_load %arg11[%swap3A] {strides = array<i32>} : memref<10240xf32, #tpu.memory_space<vmem>>, vector<16xf32>,
      tpu.vector_store %arg11[%swap3A], %broadcast_in_dim3A_26 {strides = array<i32>} : memref<10240xf32, #tpu.memory_space<vmem>>, vector<16xf32>,
    }
    %scan3A_8 = arith.constant 640 : i32
    %barrier3A = arith.constant 0 : index
    tpu.barrier barrier_id(%barrier3A)
    %broadcast_in_dim3A = arith.constant 1.000000e+00 : f32
    %broadcast_in_dim3A_9 = vector.broadcast %broadcast_in_dim3A : f32 to vector<16xf32>
    %scan3A_10 = arith.constant 0 : i32
    %scan3A_11 = arith.constant 5 : i32
    %scan3A_12 = arith.addi %scan3A_10, %scan3A_11 : i32
    %scan3A_13 = arith.constant 1 : i32
    scf.for %scan3A_20 = %scan3A_10 to %scan3A_12 step %scan3A_13  : i32 {
      %mul3A_21 = arith.constant 1 : i32
      %mul3A_22 = arith.muli %scan3A_20, %mul3A_21 : i32
      %add3A_23 = arith.constant 0 : i32
      %add3A_24 = arith.addi %add3A_23, %mul3A_22 : i32
      %run_scoped3A = arith.constant 0 : i32
      "tpu.region"() ({
        %run_scoped3A_1723 = tpu.sem_alloc : memref<!tpu.dma_semaphore, #tpu.memory_space<semaphore_mem>>
        %dma_start3A_1724 = arith.constant 0 : i32
        %dma_start3A_1725 = arith.constant 0 : i32
        %dma_start3A_1726 = tpu.memref_slice %arg3[%run_scoped3A, %add3A, %add3A_24, %dma_start3A_1724, %dma_start3A_1725] : memref<2x32x5x25x80xi32, #tpu.memory_space<hbm>> -> memref<1x1x1x25x80xi32, #tpu.memory_space<hbm>>
        %dma_start3A_1727 = tpu.memref_squeeze %dma_start3A_1726 : memref<1x1x1x25x80xi32, #tpu.memory_space<hbm>> -> memref<25x80xi32, #tpu.memory_space<hbm>>
        %dma_start3A_1728 = arith.constant 0 : i32
        %dma_start3A_1729 = arith.constant 0 : i32
        %dma_start3A_1730 = tpu.memref_slice %arg3[%run_scoped3A, %add3A, %add3A_24, %dma_start3A_1728, %dma_start3A_1729] : memref<2x32x5x25x80xi32, #tpu.memory_space<hbm>> -> memref<1x1x1x25x80xi32, #tpu.memory_space<hbm>>
        %dma_start3A_1731 = tpu.memref_squeeze %dma_start3A_1730 : memref<1x1x1x25x80xi32, #tpu.memory_space<hbm>> -> memref<25x80xi32, #tpu.memory_space<hbm>>
        tpu.enqueue_dma source(%dma_start3A_1731 : memref<25x80xi32, #tpu.memory_space<hbm>>) target(%arg8 : memref<25x80xi32, #tpu.memory_space<vmem>>) target_semaphore(%run_scoped3A_1723 : memref<!tpu.dma_semaphore, #tpu.memory_space<semaphore_mem>>)
        %dma_wait3A_1732 = arith.constant 0 : i32
        %dma_wait3A_1733 = arith.constant 0 : i32
        %dma_wait3A_1734 = tpu.memref_slice %arg3[%run_scoped3A, %add3A, %add3A_24, %dma_wait3A_1732, %dma_wait3A_1733] : memref<2x32x5x25x80xi32, #tpu.memory_space<hbm>> -> memref<1x1x1x25x80xi32, #tpu.memory_space<hbm>>
        %dma_wait3A_1735 = tpu.memref_squeeze %dma_wait3A_1734 : memref<1x1x1x25x80xi32, #tpu.memory_space<hbm>> -> memref<25x80xi32, #tpu.memory_space<hbm>>
        %dma_wait3A_1736 = arith.constant 0 : i32
        %dma_wait3A_1737 = arith.constant 0 : i32
        %dma_wait3A_1738 = tpu.memref_slice %arg3[%run_scoped3A, %add3A, %add3A_24, %dma_wait3A_1736, %dma_wait3A_1737] : memref<2x32x5x25x80xi32, #tpu.memory_space<hbm>> -> memref<1x1x1x25x80xi32, #tpu.memory_space<hbm>>
        %dma_wait3A_1739 = tpu.memref_squeeze %dma_wait3A_1738 : memref<1x1x1x25x80xi32, #tpu.memory_space<hbm>> -> memref<25x80xi32, #tpu.memory_space<hbm>>
        tpu.wait_dma2 semaphore(%run_scoped3A_1723 : memref<!tpu.dma_semaphore, #tpu.memory_space<semaphore_mem>>) src(%dma_wait3A_1739 : memref<25x80xi32, #tpu.memory_space<hbm>>) dst(%arg8 : memref<25x80xi32, #tpu.memory_space<vmem>>)
        tpu.yield
      }) : () -> ()
      %run_scoped3A_25 = arith.constant 1 : i32
      "tpu.region"() ({
        %run_scoped3A_1723 = tpu.sem_alloc : memref<!tpu.dma_semaphore, #tpu.memory_space<semaphore_mem>>
        %dma_start3A_1724 = arith.constant 0 : i32
        %dma_start3A_1725 = arith.constant 0 : i32
        %dma_start3A_1726 = tpu.memref_slice %arg3[%run_scoped3A_25, %add3A, %add3A_24, %dma_start3A_1724, %dma_start3A_1725] : memref<2x32x5x25x80xi32, #tpu.memory_space<hbm>> -> memref<1x1x1x25x80xi32, #tpu.memory_space<hbm>>
        %dma_start3A_1727 = tpu.memref_squeeze %dma_start3A_1726 : memref<1x1x1x25x80xi32, #tpu.memory_space<hbm>> -> memref<25x80xi32, #tpu.memory_space<hbm>>
        %dma_start3A_1728 = arith.constant 0 : i32
        %dma_start3A_1729 = arith.constant 0 : i32
        %dma_start3A_1730 = tpu.memref_slice %arg3[%run_scoped3A_25, %add3A, %add3A_24, %dma_start3A_1728, %dma_start3A_1729] : memref<2x32x5x25x80xi32, #tpu.memory_space<hbm>> -> memref<1x1x1x25x80xi32, #tpu.memory_space<hbm>>
        %dma_start3A_1731 = tpu.memref_squeeze %dma_start3A_1730 : memref<1x1x1x25x80xi32, #tpu.memory_space<hbm>> -> memref<25x80xi32, #tpu.memory_space<hbm>>
        tpu.enqueue_dma source(%dma_start3A_1731 : memref<25x80xi32, #tpu.memory_space<hbm>>) target(%arg9 : memref<25x80xi32, #tpu.memory_space<vmem>>) target_semaphore(%run_scoped3A_1723 : memref<!tpu.dma_semaphore, #tpu.memory_space<semaphore_mem>>)
        %dma_wait3A_1732 = arith.constant 0 : i32
        %dma_wait3A_1733 = arith.constant 0 : i32
        %dma_wait3A_1734 = tpu.memref_slice %arg3[%run_scoped3A_25, %add3A, %add3A_24, %dma_wait3A_1732, %dma_wait3A_1733] : memref<2x32x5x25x80xi32, #tpu.memory_space<hbm>> -> memref<1x1x1x25x80xi32, #tpu.memory_space<hbm>>
        %dma_wait3A_1735 = tpu.memref_squeeze %dma_wait3A_1734 : memref<1x1x1x25x80xi32, #tpu.memory_space<hbm>> -> memref<25x80xi32, #tpu.memory_space<hbm>>
        %dma_wait3A_1736 = arith.constant 0 : i32
        %dma_wait3A_1737 = arith.constant 0 : i32
        %dma_wait3A_1738 = tpu.memref_slice %arg3[%run_scoped3A_25, %add3A, %add3A_24, %dma_wait3A_1736, %dma_wait3A_1737] : memref<2x32x5x25x80xi32, #tpu.memory_space<hbm>> -> memref<1x1x1x25x80xi32, #tpu.memory_space<hbm>>
        %dma_wait3A_1739 = tpu.memref_squeeze %dma_wait3A_1738 : memref<1x1x1x25x80xi32, #tpu.memory_space<hbm>> -> memref<25x80xi32, #tpu.memory_space<hbm>>
        tpu.wait_dma2 semaphore(%run_scoped3A_1723 : memref<!tpu.dma_semaphore, #tpu.memory_space<semaphore_mem>>) src(%dma_wait3A_1739 : memref<25x80xi32, #tpu.memory_space<hbm>>) dst(%arg9 : memref<25x80xi32, #tpu.memory_space<vmem>>)
        tpu.yield
      }) : () -> ()
      %dma_start3A = arith.constant 0 : i32
      %dma_start3A_26 = arith.constant 0 : i32
      %dma_start3A_27 = arith.constant 0 : i32
      %dma_start3A_28 = arith.constant 0 : i32
      %dma_start3A_29 = tpu.memref_slice %arg10[%dma_start3A_26, %dma_start3A_27, %dma_start3A_28] : memref<3x80x128xf32, #tpu.memory_space<vmem>> -> memref<1x80x128xf32, #tpu.memory_space<vmem>>
      %dma_start3A_30 = tpu.memref_squeeze %dma_start3A_29 : memref<1x80x128xf32, #tpu.memory_space<vmem>> -> memref<80x128xf32, #tpu.memory_space<vmem>>
      %dma_start3A_31 = arith.constant 0 : i32
      %dma_start3A_32 = tpu.memref_slice %arg8[%dma_start3A, %dma_start3A_31] : memref<25x80xi32, #tpu.memory_space<vmem>> -> memref<1x80xi32, #tpu.memory_space<vmem>>
      %dma_start3A_33 = tpu.memref_squeeze %dma_start3A_32 : memref<1x80xi32, #tpu.memory_space<vmem>> -> memref<80xi32, #tpu.memory_space<vmem>>
      %dma_start3A_34 = arith.constant 0 : i32
      %dma_start3A_35 = arith.constant 0 : i32
      %dma_start3A_36 = tpu.memref_slice %arg2[%dma_start3A_34, %dma_start3A_35] : memref<10000x128xf32, #tpu.memory_space<hbm>> -> memref<10000x128xf32, #tpu.memory_space<hbm>>
      tpu.enqueue_indirect_dma source(%dma_start3A_36 : memref<10000x128xf32, #tpu.memory_space<hbm>>) target(%dma_start3A_30 : memref<80x128xf32, #tpu.memory_space<vmem>>) offsets(%dma_start3A_33 : memref<80xi32, #tpu.memory_space<vmem>>) semaphore(%arg12 : memref<!tpu.dma_semaphore, #tpu.memory_space<semaphore_mem>>)
      %dma_start3A_37 = arith.constant 1 : i32
      %dma_start3A_38 = arith.constant 1 : i32
      %dma_start3A_39 = arith.constant 0 : i32
      %dma_start3A_40 = arith.constant 0 : i32
      %dma_start3A_41 = tpu.memref_slice %arg10[%dma_start3A_38, %dma_start3A_39, %dma_start3A_40] : memref<3x80x128xf32, #tpu.memory_space<vmem>> -> memref<1x80x128xf32, #tpu.memory_space<vmem>>
      %dma_start3A_42 = tpu.memref_squeeze %dma_start3A_41 : memref<1x80x128xf32, #tpu.memory_space<vmem>> -> memref<80x128xf32, #tpu.memory_space<vmem>>
      %dma_start3A_43 = arith.constant 0 : i32
      %dma_start3A_44 = tpu.memref_slice %arg8[%dma_start3A_37, %dma_start3A_43] : memref<25x80xi32, #tpu.memory_space<vmem>> -> memref<1x80xi32, #tpu.memory_space<vmem>>
      %dma_start3A_45 = tpu.memref_squeeze %dma_start3A_44 : memref<1x80xi32, #tpu.memory_space<vmem>> -> memref<80xi32, #tpu.memory_space<vmem>>
      %dma_start3A_46 = arith.constant 0 : i32
      %dma_start3A_47 = arith.constant 0 : i32
      %dma_start3A_48 = tpu.memref_slice %arg2[%dma_start3A_46, %dma_start3A_47] : memref<10000x128xf32, #tpu.memory_space<hbm>> -> memref<10000x128xf32, #tpu.memory_space<hbm>>
      tpu.enqueue_indirect_dma source(%dma_start3A_48 : memref<10000x128xf32, #tpu.memory_space<hbm>>) target(%dma_start3A_42 : memref<80x128xf32, #tpu.memory_space<vmem>>) offsets(%dma_start3A_45 : memref<80xi32, #tpu.memory_space<vmem>>) semaphore(%arg13 : memref<!tpu.dma_semaphore, #tpu.memory_space<semaphore_mem>>)
      %get3A = arith.constant 0 : i32
      %get3A_49 = arith.index_cast %get3A : i32 to index
      %get3A_50 = arith.constant 0 : index
      %get3A_51 = tpu.vector_load %arg9[%get3A_49, %get3A_50] {strides = array<i32>} : memref<25x80xi32, #tpu.memory_space<vmem>>, vector<16xi32>,
      tpu.vector_store_idx %arg11[%get3A_51], %broadcast_in_dim3A_9 {add = true} : memref<10240xf32, #tpu.memory_space<vmem>>[vector<16xi32>], vector<16xf32>,
      %get3A_52 = arith.constant 0 : i32
      %get3A_53 = arith.index_cast %get3A_52 : i32 to index
      %get3A_54 = arith.constant 16 : index
      %get3A_55 = tpu.vector_load %arg9[%get3A_53, %get3A_54] {strides = array<i32>} : memref<25x80xi32, #tpu.memory_space<vmem>>, vector<16xi32>,
      tpu.vector_store_idx %arg11[%get3A_55], %broadcast_in_dim3A_9 {add = true} : memref<10240xf32, #tpu.memory_space<vmem>>[vector<16xi32>], vector<16xf32>,
      %get3A_56 = arith.constant 0 : i32
      %get3A_57 = arith.index_cast %get3A_56 : i32 to index
      %get3A_58 = arith.constant 32 : index
      %get3A_59 = tpu.vector_load %arg9[%get3A_57, %get3A_58] {strides = array<i32>} : memref<25x80xi32, #tpu.memory_space<vmem>>, vector<16xi32>,
      tpu.vector_store_idx %arg11[%get3A_59], %broadcast_in_dim3A_9 {add = true} : memref<10240xf32, #tpu.memory_space<vmem>>[vector<16xi32>], vector<16xf32>,
      %get3A_60 = arith.constant 0 : i32
      %get3A_61 = arith.index_cast %get3A_60 : i32 to index
      %get3A_62 = arith.constant 48 : index
      %get3A_63 = tpu.vector_load %arg9[%get3A_61, %get3A_62] {strides = array<i32>} : memref<25x80xi32, #tpu.memory_space<vmem>>, vector<16xi32>,
      tpu.vector_store_idx %arg11[%get3A_63], %broadcast_in_dim3A_9 {add = true} : memref<10240xf32, #tpu.memory_space<vmem>>[vector<16xi32>], vector<16xf32>,
      %get3A_64 = arith.constant 0 : i32
      %get3A_65 = arith.index_cast %get3A_64 : i32 to index
      %get3A_66 = arith.constant 64 : index
      %get3A_67 = tpu.vector_load %arg9[%get3A_65, %get3A_66] {strides = array<i32>} : memref<25x80xi32, #tpu.memory_space<vmem>>, vector<16xi32>,
      tpu.vector_store_idx %arg11[%get3A_67], %broadcast_in_dim3A_9 {add = true} : memref<10240xf32, #tpu.memory_space<vmem>>[vector<16xi32>], vector<16xf32>,
      %dma_wait3A = arith.constant 0 : i32
      %dma_wait3A_68 = arith.constant 0 : i32
      %dma_wait3A_69 = arith.constant 0 : i32
      %dma_wait3A_70 = arith.constant 0 : i32
      %dma_wait3A_71 = tpu.memref_slice %arg10[%dma_wait3A_68, %dma_wait3A_69, %dma_wait3A_70] : memref<3x80x128xf32, #tpu.memory_space<vmem>> -> memref<1x80x128xf32, #tpu.memory_space<vmem>>
      %dma_wait3A_72 = tpu.memref_squeeze %dma_wait3A_71 : memref<1x80x128xf32, #tpu.memory_space<vmem>> -> memref<80x128xf32, #tpu.memory_space<vmem>>
      %dma_wait3A_73 = arith.constant 0 : i32
      %dma_wait3A_74 = tpu.memref_slice %arg8[%dma_wait3A, %dma_wait3A_73] : memref<25x80xi32, #tpu.memory_space<vmem>> -> memref<1x80xi32, #tpu.memory_space<vmem>>
      %dma_wait3A_75 = tpu.memref_squeeze %dma_wait3A_74 : memref<1x80xi32, #tpu.memory_space<vmem>> -> memref<80xi32, #tpu.memory_space<vmem>>
      %dma_wait3A_76 = arith.constant 0 : i32
      %dma_wait3A_77 = arith.constant 0 : i32
      %dma_wait3A_78 = tpu.memref_slice %arg2[%dma_wait3A_76, %dma_wait3A_77] : memref<10000x128xf32, #tpu.memory_space<hbm>> -> memref<10000x128xf32, #tpu.memory_space<hbm>>
      tpu.wait_indirect_dma semaphore(%arg12 : memref<!tpu.dma_semaphore, #tpu.memory_space<semaphore_mem>>) src(%dma_wait3A_78 : memref<10000x128xf32, #tpu.memory_space<hbm>>) dst(%dma_wait3A_72 : memref<80x128xf32, #tpu.memory_space<vmem>>)
      %dma_start3A_79 = arith.constant 0 : i32
      %dma_start3A_80 = arith.constant 0 : i32
      %dma_start3A_81 = arith.constant 0 : i32
      %dma_start3A_82 = arith.constant 0 : i32
      %dma_start3A_83 = tpu.memref_slice %arg10[%dma_start3A_79, %dma_start3A_81, %dma_start3A_82] : memref<3x80x128xf32, #tpu.memory_space<vmem>> -> memref<1x80x128xf32, #tpu.memory_space<vmem>>
      %dma_start3A_84 = tpu.memref_squeeze %dma_start3A_83 : memref<1x80x128xf32, #tpu.memory_space<vmem>> -> memref<80x128xf32, #tpu.memory_space<vmem>>
      %dma_start3A_85 = arith.constant 0 : i32
      %dma_start3A_86 = tpu.memref_slice %arg9[%dma_start3A_80, %dma_start3A_85] : memref<25x80xi32, #tpu.memory_space<vmem>> -> memref<1x80xi32, #tpu.memory_space<vmem>>
      %dma_start3A_87 = tpu.memref_squeeze %dma_start3A_86 : memref<1x80xi32, #tpu.memory_space<vmem>> -> memref<80xi32, #tpu.memory_space<vmem>>
      %dma_start3A_88 = arith.constant 0 : i32
      %dma_start3A_89 = arith.constant 0 : i32
      %dma_start3A_90 = tpu.memref_slice %arg7[%dma_start3A_88, %dma_start3A_89] : memref<10240x128xf32, #tpu.memory_space<vmem_shared>> -> memref<10240x128xf32, #tpu.memory_space<vmem_shared>>
      tpu.enqueue_indirect_dma source(%dma_start3A_84 : memref<80x128xf32, #tpu.memory_space<vmem>>) target(%dma_start3A_90 : memref<10240x128xf32, #tpu.memory_space<vmem_shared>>) offsets(%dma_start3A_87 : memref<80xi32, #tpu.memory_space<vmem>>) semaphore(%arg15 : memref<!tpu.dma_semaphore, #tpu.memory_space<semaphore_mem>>) {add = true}
      %dma_start3A_91 = arith.constant 2 : i32
      %dma_start3A_92 = arith.constant 2 : i32
      %dma_start3A_93 = arith.constant 0 : i32
      %dma_start3A_94 = arith.constant 0 : i32
      %dma_start3A_95 = tpu.memref_slice %arg10[%dma_start3A_92, %dma_start3A_93, %dma_start3A_94] : memref<3x80x128xf32, #tpu.memory_space<vmem>> -> memref<1x80x128xf32, #tpu.memory_space<vmem>>
      %dma_start3A_96 = tpu.memref_squeeze %dma_start3A_95 : memref<1x80x128xf32, #tpu.memory_space<vmem>> -> memref<80x128xf32, #tpu.memory_space<vmem>>
      %dma_start3A_97 = arith.constant 0 : i32
      %dma_start3A_98 = tpu.memref_slice %arg8[%dma_start3A_91, %dma_start3A_97] : memref<25x80xi32, #tpu.memory_space<vmem>> -> memref<1x80xi32, #tpu.memory_space<vmem>>
      %dma_start3A_99 = tpu.memref_squeeze %dma_start3A_98 : memref<1x80xi32, #tpu.memory_space<vmem>> -> memref<80xi32, #tpu.memory_space<vmem>>
      %dma_start3A_100 = arith.constant 0 : i32
      %dma_start3A_101 = arith.constant 0 : i32
      %dma_start3A_102 = tpu.memref_slice %arg2[%dma_start3A_100, %dma_start3A_101] : memref<10000x128xf32, #tpu.memory_space<hbm>> -> memref<10000x128xf32, #tpu.memory_space<hbm>>
      tpu.enqueue_indirect_dma source(%dma_start3A_102 : memref<10000x128xf32, #tpu.memory_space<hbm>>) target(%dma_start3A_96 : memref<80x128xf32, #tpu.memory_space<vmem>>) offsets(%dma_start3A_99 : memref<80xi32, #tpu.memory_space<vmem>>) semaphore(%arg14 : memref<!tpu.dma_semaphore, #tpu.memory_space<semaphore_mem>>)
      %get3A_103 = arith.constant 1 : i32
      %get3A_104 = arith.index_cast %get3A_103 : i32 to index
      %get3A_105 = arith.constant 0 : index
      %get3A_106 = tpu.vector_load %arg9[%get3A_104, %get3A_105] {strides = array<i32>} : memref<25x80xi32, #tpu.memory_space<vmem>>, vector<16xi32>,
      tpu.vector_store_idx %arg11[%get3A_106], %broadcast_in_dim3A_9 {add = true} : memref<10240xf32, #tpu.memory_space<vmem>>[vector<16xi32>], vector<16xf32>,
      %get3A_107 = arith.constant 1 : i32
      %get3A_108 = arith.index_cast %get3A_107 : i32 to index
      %get3A_109 = arith.constant 16 : index
      %get3A_110 = tpu.vector_load %arg9[%get3A_108, %get3A_109] {strides = array<i32>} : memref<25x80xi32, #tpu.memory_space<vmem>>, vector<16xi32>,
      tpu.vector_store_idx %arg11[%get3A_110], %broadcast_in_dim3A_9 {add = true} : memref<10240xf32, #tpu.memory_space<vmem>>[vector<16xi32>], vector<16xf32>,
      %get3A_111 = arith.constant 1 : i32
      %get3A_112 = arith.index_cast %get3A_111 : i32 to index
      %get3A_113 = arith.constant 32 : index
      %get3A_114 = tpu.vector_load %arg9[%get3A_112, %get3A_113] {strides = array<i32>} : memref<25x80xi32, #tpu.memory_space<vmem>>, vector<16xi32>,
      tpu.vector_store_idx %arg11[%get3A_114], %broadcast_in_dim3A_9 {add = true} : memref<10240xf32, #tpu.memory_space<vmem>>[vector<16xi32>], vector<16xf32>,
      %get3A_115 = arith.constant 1 : i32
      %get3A_116 = arith.index_cast %get3A_115 : i32 to index
      %get3A_117 = arith.constant 48 : index
      %get3A_118 = tpu.vector_load %arg9[%get3A_116, %get3A_117] {strides = array<i32>} : memref<25x80xi32, #tpu.memory_space<vmem>>, vector<16xi32>,
      tpu.vector_store_idx %arg11[%get3A_118], %broadcast_in_dim3A_9 {add = true} : memref<10240xf32, #tpu.memory_space<vmem>>[vector<16xi32>], vector<16xf32>,
      %get3A_119 = arith.constant 1 : i32
      %get3A_120 = arith.index_cast %get3A_119 : i32 to index
      %get3A_121 = arith.constant 64 : index
      %get3A_122 = tpu.vector_load %arg9[%get3A_120, %get3A_121] {strides = array<i32>} : memref<25x80xi32, #tpu.memory_space<vmem>>, vector<16xi32>,
      tpu.vector_store_idx %arg11[%get3A_122], %broadcast_in_dim3A_9 {add = true} : memref<10240xf32, #tpu.memory_space<vmem>>[vector<16xi32>], vector<16xf32>,
      %dma_wait3A_123 = arith.constant 1 : i32
      %dma_wait3A_124 = arith.constant 1 : i32
      %dma_wait3A_125 = arith.constant 0 : i32
      %dma_wait3A_126 = arith.constant 0 : i32
      %dma_wait3A_127 = tpu.memref_slice %arg10[%dma_wait3A_124, %dma_wait3A_125, %dma_wait3A_126] : memref<3x80x128xf32, #tpu.memory_space<vmem>> -> memref<1x80x128xf32, #tpu.memory_space<vmem>>
      %dma_wait3A_128 = tpu.memref_squeeze %dma_wait3A_127 : memref<1x80x128xf32, #tpu.memory_space<vmem>> -> memref<80x128xf32, #tpu.memory_space<vmem>>
      %dma_wait3A_129 = arith.constant 0 : i32
      %dma_wait3A_130 = tpu.memref_slice %arg8[%dma_wait3A_123, %dma_wait3A_129] : memref<25x80xi32, #tpu.memory_space<vmem>> -> memref<1x80xi32, #tpu.memory_space<vmem>>
      %dma_wait3A_131 = tpu.memref_squeeze %dma_wait3A_130 : memref<1x80xi32, #tpu.memory_space<vmem>> -> memref<80xi32, #tpu.memory_space<vmem>>
      %dma_wait3A_132 = arith.constant 0 : i32
      %dma_wait3A_133 = arith.constant 0 : i32
      %dma_wait3A_134 = tpu.memref_slice %arg2[%dma_wait3A_132, %dma_wait3A_133] : memref<10000x128xf32, #tpu.memory_space<hbm>> -> memref<10000x128xf32, #tpu.memory_space<hbm>>
      tpu.wait_indirect_dma semaphore(%arg13 : memref<!tpu.dma_semaphore, #tpu.memory_space<semaphore_mem>>) src(%dma_wait3A_134 : memref<10000x128xf32, #tpu.memory_space<hbm>>) dst(%dma_wait3A_128 : memref<80x128xf32, #tpu.memory_space<vmem>>)
      %dma_start3A_135 = arith.constant 1 : i32
      %dma_start3A_136 = arith.constant 1 : i32
      %dma_start3A_137 = arith.constant 0 : i32
      %dma_start3A_138 = arith.constant 0 : i32
      %dma_start3A_139 = tpu.memref_slice %arg10[%dma_start3A_135, %dma_start3A_137, %dma_start3A_138] : memref<3x80x128xf32, #tpu.memory_space<vmem>> -> memref<1x80x128xf32, #tpu.memory_space<vmem>>
      %dma_start3A_140 = tpu.memref_squeeze %dma_start3A_139 : memref<1x80x128xf32, #tpu.memory_space<vmem>> -> memref<80x128xf32, #tpu.memory_space<vmem>>
      %dma_start3A_141 = arith.constant 0 : i32
      %dma_start3A_142 = tpu.memref_slice %arg9[%dma_start3A_136, %dma_start3A_141] : memref<25x80xi32, #tpu.memory_space<vmem>> -> memref<1x80xi32, #tpu.memory_space<vmem>>
      %dma_start3A_143 = tpu.memref_squeeze %dma_start3A_142 : memref<1x80xi32, #tpu.memory_space<vmem>> -> memref<80xi32, #tpu.memory_space<vmem>>
      %dma_start3A_144 = arith.constant 0 : i32
      %dma_start3A_145 = arith.constant 0 : i32
      %dma_start3A_146 = tpu.memref_slice %arg7[%dma_start3A_144, %dma_start3A_145] : memref<10240x128xf32, #tpu.memory_space<vmem_shared>> -> memref<10240x128xf32, #tpu.memory_space<vmem_shared>>
      tpu.enqueue_indirect_dma source(%dma_start3A_140 : memref<80x128xf32, #tpu.memory_space<vmem>>) target(%dma_start3A_146 : memref<10240x128xf32, #tpu.memory_space<vmem_shared>>) offsets(%dma_start3A_143 : memref<80xi32, #tpu.memory_space<vmem>>) semaphore(%arg16 : memref<!tpu.dma_semaphore, #tpu.memory_space<semaphore_mem>>) {add = true}
      %dma_wait3A_147 = arith.constant 0 : i32
      %dma_wait3A_148 = arith.constant 0 : i32
      %dma_wait3A_149 = arith.constant 0 : i32
      %dma_wait3A_150 = arith.constant 0 : i32
      %dma_wait3A_151 = tpu.memref_slice %arg10[%dma_wait3A_147, %dma_wait3A_149, %dma_wait3A_150] : memref<3x80x128xf32, #tpu.memory_space<vmem>> -> memref<1x80x128xf32, #tpu.memory_space<vmem>>
      %dma_wait3A_152 = tpu.memref_squeeze %dma_wait3A_151 : memref<1x80x128xf32, #tpu.memory_space<vmem>> -> memref<80x128xf32, #tpu.memory_space<vmem>>
      %dma_wait3A_153 = arith.constant 0 : i32
      %dma_wait3A_154 = tpu.memref_slice %arg9[%dma_wait3A_148, %dma_wait3A_153] : memref<25x80xi32, #tpu.memory_space<vmem>> -> memref<1x80xi32, #tpu.memory_space<vmem>>
      %dma_wait3A_155 = tpu.memref_squeeze %dma_wait3A_154 : memref<1x80xi32, #tpu.memory_space<vmem>> -> memref<80xi32, #tpu.memory_space<vmem>>
      %dma_wait3A_156 = arith.constant 0 : i32
      %dma_wait3A_157 = arith.constant 0 : i32
      %dma_wait3A_158 = tpu.memref_slice %arg7[%dma_wait3A_156, %dma_wait3A_157] : memref<10240x128xf32, #tpu.memory_space<vmem_shared>> -> memref<10240x128xf32, #tpu.memory_space<vmem_shared>>
      tpu.wait_indirect_dma semaphore(%arg15 : memref<!tpu.dma_semaphore, #tpu.memory_space<semaphore_mem>>) src(%dma_wait3A_152 : memref<80x128xf32, #tpu.memory_space<vmem>>) dst(%dma_wait3A_158 : memref<10240x128xf32, #tpu.memory_space<vmem_shared>>)
      %dma_start3A_159 = arith.constant 3 : i32
      %dma_start3A_160 = arith.constant 0 : i32
      %dma_start3A_161 = arith.constant 0 : i32
      %dma_start3A_162 = arith.constant 0 : i32
      %dma_start3A_163 = tpu.memref_slice %arg10[%dma_start3A_160, %dma_start3A_161, %dma_start3A_162] : memref<3x80x128xf32, #tpu.memory_space<vmem>> -> memref<1x80x128xf32, #tpu.memory_space<vmem>>
      %dma_start3A_164 = tpu.memref_squeeze %dma_start3A_163 : memref<1x80x128xf32, #tpu.memory_space<vmem>> -> memref<80x128xf32, #tpu.memory_space<vmem>>
      %dma_start3A_165 = arith.constant 0 : i32
      %dma_start3A_166 = tpu.memref_slice %arg8[%dma_start3A_159, %dma_start3A_165] : memref<25x80xi32, #tpu.memory_space<vmem>> -> memref<1x80xi32, #tpu.memory_space<vmem>>
      %dma_start3A_167 = tpu.memref_squeeze %dma_start3A_166 : memref<1x80xi32, #tpu.memory_space<vmem>> -> memref<80xi32, #tpu.memory_space<vmem>>
      %dma_start3A_168 = arith.constant 0 : i32
      %dma_start3A_169 = arith.constant 0 : i32
      %dma_start3A_170 = tpu.memref_slice %arg2[%dma_start3A_168, %dma_start3A_169] : memref<10000x128xf32, #tpu.memory_space<hbm>> -> memref<10000x128xf32, #tpu.memory_space<hbm>>
      tpu.enqueue_indirect_dma source(%dma_start3A_170 : memref<10000x128xf32, #tpu.memory_space<hbm>>) target(%dma_start3A_164 : memref<80x128xf32, #tpu.memory_space<vmem>>) offsets(%dma_start3A_167 : memref<80xi32, #tpu.memory_space<vmem>>) semaphore(%arg12 : memref<!tpu.dma_semaphore, #tpu.memory_space<semaphore_mem>>)
      %get3A_171 = arith.constant 2 : i32
      %get3A_172 = arith.index_cast %get3A_171 : i32 to index
      %get3A_173 = arith.constant 0 : index
      %get3A_174 = tpu.vector_load %arg9[%get3A_172, %get3A_173] {strides = array<i32>} : memref<25x80xi32, #tpu.memory_space<vmem>>, vector<16xi32>,
      tpu.vector_store_idx %arg11[%get3A_174], %broadcast_in_dim3A_9 {add = true} : memref<10240xf32, #tpu.memory_space<vmem>>[vector<16xi32>], vector<16xf32>,
      %get3A_175 = arith.constant 2 : i32
      %get3A_176 = arith.index_cast %get3A_175 : i32 to index
      %get3A_177 = arith.constant 16 : index
      %get3A_178 = tpu.vector_load %arg9[%get3A_176, %get3A_177] {strides = array<i32>} : memref<25x80xi32, #tpu.memory_space<vmem>>, vector<16xi32>,
      tpu.vector_store_idx %arg11[%get3A_178], %broadcast_in_dim3A_9 {add = true} : memref<10240xf32, #tpu.memory_space<vmem>>[vector<16xi32>], vector<16xf32>,
      %get3A_179 = arith.constant 2 : i32
      %get3A_180 = arith.index_cast %get3A_179 : i32 to index
      %get3A_181 = arith.constant 32 : index
      %get3A_182 = tpu.vector_load %arg9[%get3A_180, %get3A_181] {strides = array<i32>} : memref<25x80xi32, #tpu.memory_space<vmem>>, vector<16xi32>,
      tpu.vector_store_idx %arg11[%get3A_182], %broadcast_in_dim3A_9 {add = true} : memref<10240xf32, #tpu.memory_space<vmem>>[vector<16xi32>], vector<16xf32>,
      %get3A_183 = arith.constant 2 : i32
      %get3A_184 = arith.index_cast %get3A_183 : i32 to index
      %get3A_185 = arith.constant 48 : index
      %get3A_186 = tpu.vector_load %arg9[%get3A_184, %get3A_185] {strides = array<i32>} : memref<25x80xi32, #tpu.memory_space<vmem>>, vector<16xi32>,
      tpu.vector_store_idx %arg11[%get3A_186], %broadcast_in_dim3A_9 {add = true} : memref<10240xf32, #tpu.memory_space<vmem>>[vector<16xi32>], vector<16xf32>,
      %get3A_187 = arith.constant 2 : i32
      %get3A_188 = arith.index_cast %get3A_187 : i32 to index
      %get3A_189 = arith.constant 64 : index
      %get3A_190 = tpu.vector_load %arg9[%get3A_188, %get3A_189] {strides = array<i32>} : memref<25x80xi32, #tpu.memory_space<vmem>>, vector<16xi32>,
      tpu.vector_store_idx %arg11[%get3A_190], %broadcast_in_dim3A_9 {add = true} : memref<10240xf32, #tpu.memory_space<vmem>>[vector<16xi32>], vector<16xf32>,
      %dma_wait3A_191 = arith.constant 2 : i32
      %dma_wait3A_192 = arith.constant 2 : i32
      %dma_wait3A_193 = arith.constant 0 : i32
      %dma_wait3A_194 = arith.constant 0 : i32
      %dma_wait3A_195 = tpu.memref_slice %arg10[%dma_wait3A_192, %dma_wait3A_193, %dma_wait3A_194] : memref<3x80x128xf32, #tpu.memory_space<vmem>> -> memref<1x80x128xf32, #tpu.memory_space<vmem>>
      %dma_wait3A_196 = tpu.memref_squeeze %dma_wait3A_195 : memref<1x80x128xf32, #tpu.memory_space<vmem>> -> memref<80x128xf32, #tpu.memory_space<vmem>>
      %dma_wait3A_197 = arith.constant 0 : i32
      %dma_wait3A_198 = tpu.memref_slice %arg8[%dma_wait3A_191, %dma_wait3A_197] : memref<25x80xi32, #tpu.memory_space<vmem>> -> memref<1x80xi32, #tpu.memory_space<vmem>>
      %dma_wait3A_199 = tpu.memref_squeeze %dma_wait3A_198 : memref<1x80xi32, #tpu.memory_space<vmem>> -> memref<80xi32, #tpu.memory_space<vmem>>
      %dma_wait3A_200 = arith.constant 0 : i32
      %dma_wait3A_201 = arith.constant 0 : i32
      %dma_wait3A_202 = tpu.memref_slice %arg2[%dma_wait3A_200, %dma_wait3A_201] : memref<10000x128xf32, #tpu.memory_space<hbm>> -> memref<10000x128xf32, #tpu.memory_space<hbm>>
      tpu.wait_indirect_dma semaphore(%arg14 : memref<!tpu.dma_semaphore, #tpu.memory_space<semaphore_mem>>) src(%dma_wait3A_202 : memref<10000x128xf32, #tpu.memory_space<hbm>>) dst(%dma_wait3A_196 : memref<80x128xf32, #tpu.memory_space<vmem>>)
      %dma_start3A_203 = arith.constant 2 : i32
      %dma_start3A_204 = arith.constant 2 : i32
      %dma_start3A_205 = arith.constant 0 : i32
      %dma_start3A_206 = arith.constant 0 : i32
      %dma_start3A_207 = tpu.memref_slice %arg10[%dma_start3A_203, %dma_start3A_205, %dma_start3A_206] : memref<3x80x128xf32, #tpu.memory_space<vmem>> -> memref<1x80x128xf32, #tpu.memory_space<vmem>>
      %dma_start3A_208 = tpu.memref_squeeze %dma_start3A_207 : memref<1x80x128xf32, #tpu.memory_space<vmem>> -> memref<80x128xf32, #tpu.memory_space<vmem>>
      %dma_start3A_209 = arith.constant 0 : i32
      %dma_start3A_210 = tpu.memref_slice %arg9[%dma_start3A_204, %dma_start3A_209] : memref<25x80xi32, #tpu.memory_space<vmem>> -> memref<1x80xi32, #tpu.memory_space<vmem>>
      %dma_start3A_211 = tpu.memref_squeeze %dma_start3A_210 : memref<1x80xi32, #tpu.memory_space<vmem>> -> memref<80xi32, #tpu.memory_space<vmem>>
      %dma_start3A_212 = arith.constant 0 : i32
      %dma_start3A_213 = arith.constant 0 : i32
      %dma_start3A_214 = tpu.memref_slice %arg7[%dma_start3A_212, %dma_start3A_213] : memref<10240x128xf32, #tpu.memory_space<vmem_shared>> -> memref<10240x128xf32, #tpu.memory_space<vmem_shared>>
      tpu.enqueue_indirect_dma source(%dma_start3A_208 : memref<80x128xf32, #tpu.memory_space<vmem>>) target(%dma_start3A_214 : memref<10240x128xf32, #tpu.memory_space<vmem_shared>>) offsets(%dma_start3A_211 : memref<80xi32, #tpu.memory_space<vmem>>) semaphore(%arg17 : memref<!tpu.dma_semaphore, #tpu.memory_space<semaphore_mem>>) {add = true}
      %dma_wait3A_215 = arith.constant 1 : i32
      %dma_wait3A_216 = arith.constant 1 : i32
      %dma_wait3A_217 = arith.constant 0 : i32
      %dma_wait3A_218 = arith.constant 0 : i32
      %dma_wait3A_219 = tpu.memref_slice %arg10[%dma_wait3A_215, %dma_wait3A_217, %dma_wait3A_218] : memref<3x80x128xf32, #tpu.memory_space<vmem>> -> memref<1x80x128xf32, #tpu.memory_space<vmem>>
      %dma_wait3A_220 = tpu.memref_squeeze %dma_wait3A_219 : memref<1x80x128xf32, #tpu.memory_space<vmem>> -> memref<80x128xf32, #tpu.memory_space<vmem>>
      %dma_wait3A_221 = arith.constant 0 : i32
      %dma_wait3A_222 = tpu.memref_slice %arg9[%dma_wait3A_216, %dma_wait3A_221] : memref<25x80xi32, #tpu.memory_space<vmem>> -> memref<1x80xi32, #tpu.memory_space<vmem>>
      %dma_wait3A_223 = tpu.memref_squeeze %dma_wait3A_222 : memref<1x80xi32, #tpu.memory_space<vmem>> -> memref<80xi32, #tpu.memory_space<vmem>>
      %dma_wait3A_224 = arith.constant 0 : i32
      %dma_wait3A_225 = arith.constant 0 : i32
      %dma_wait3A_226 = tpu.memref_slice %arg7[%dma_wait3A_224, %dma_wait3A_225] : memref<10240x128xf32, #tpu.memory_space<vmem_shared>> -> memref<10240x128xf32, #tpu.memory_space<vmem_shared>>
      tpu.wait_indirect_dma semaphore(%arg16 : memref<!tpu.dma_semaphore, #tpu.memory_space<semaphore_mem>>) src(%dma_wait3A_220 : memref<80x128xf32, #tpu.memory_space<vmem>>) dst(%dma_wait3A_226 : memref<10240x128xf32, #tpu.memory_space<vmem_shared>>)
      %dma_start3A_227 = arith.constant 4 : i32
      %dma_start3A_228 = arith.constant 1 : i32
      %dma_start3A_229 = arith.constant 0 : i32
      %dma_start3A_230 = arith.constant 0 : i32
      %dma_start3A_231 = tpu.memref_slice %arg10[%dma_start3A_228, %dma_start3A_229, %dma_start3A_230] : memref<3x80x128xf32, #tpu.memory_space<vmem>> -> memref<1x80x128xf32, #tpu.memory_space<vmem>>
      %dma_start3A_232 = tpu.memref_squeeze %dma_start3A_231 : memref<1x80x128xf32, #tpu.memory_space<vmem>> -> memref<80x128xf32, #tpu.memory_space<vmem>>
      %dma_start3A_233 = arith.constant 0 : i32
      %dma_start3A_234 = tpu.memref_slice %arg8[%dma_start3A_227, %dma_start3A_233] : memref<25x80xi32, #tpu.memory_space<vmem>> -> memref<1x80xi32, #tpu.memory_space<vmem>>
      %dma_start3A_235 = tpu.memref_squeeze %dma_start3A_234 : memref<1x80xi32, #tpu.memory_space<vmem>> -> memref<80xi32, #tpu.memory_space<vmem>>
      %dma_start3A_236 = arith.constant 0 : i32
      %dma_start3A_237 = arith.constant 0 : i32
      %dma_start3A_238 = tpu.memref_slice %arg2[%dma_start3A_236, %dma_start3A_237] : memref<10000x128xf32, #tpu.memory_space<hbm>> -> memref<10000x128xf32, #tpu.memory_space<hbm>>
      tpu.enqueue_indirect_dma source(%dma_start3A_238 : memref<10000x128xf32, #tpu.memory_space<hbm>>) target(%dma_start3A_232 : memref<80x128xf32, #tpu.memory_space<vmem>>) offsets(%dma_start3A_235 : memref<80xi32, #tpu.memory_space<vmem>>) semaphore(%arg13 : memref<!tpu.dma_semaphore, #tpu.memory_space<semaphore_mem>>)
      %get3A_239 = arith.constant 3 : i32
      %get3A_240 = arith.index_cast %get3A_239 : i32 to index
      %get3A_241 = arith.constant 0 : index
      %get3A_242 = tpu.vector_load %arg9[%get3A_240, %get3A_241] {strides = array<i32>} : memref<25x80xi32, #tpu.memory_space<vmem>>, vector<16xi32>,
      tpu.vector_store_idx %arg11[%get3A_242], %broadcast_in_dim3A_9 {add = true} : memref<10240xf32, #tpu.memory_space<vmem>>[vector<16xi32>], vector<16xf32>,
      %get3A_243 = arith.constant 3 : i32
      %get3A_244 = arith.index_cast %get3A_243 : i32 to index
      %get3A_245 = arith.constant 16 : index
      %get3A_246 = tpu.vector_load %arg9[%get3A_244, %get3A_245] {strides = array<i32>} : memref<25x80xi32, #tpu.memory_space<vmem>>, vector<16xi32>,
      tpu.vector_store_idx %arg11[%get3A_246], %broadcast_in_dim3A_9 {add = true} : memref<10240xf32, #tpu.memory_space<vmem>>[vector<16xi32>], vector<16xf32>,
      %get3A_247 = arith.constant 3 : i32
      %get3A_248 = arith.index_cast %get3A_247 : i32 to index
      %get3A_249 = arith.constant 32 : index
      %get3A_250 = tpu.vector_load %arg9[%get3A_248, %get3A_249] {strides = array<i32>} : memref<25x80xi32, #tpu.memory_space<vmem>>, vector<16xi32>,
      tpu.vector_store_idx %arg11[%get3A_250], %broadcast_in_dim3A_9 {add = true} : memref<10240xf32, #tpu.memory_space<vmem>>[vector<16xi32>], vector<16xf32>,
      %get3A_251 = arith.constant 3 : i32
      %get3A_252 = arith.index_cast %get3A_251 : i32 to index
      %get3A_253 = arith.constant 48 : index
      %get3A_254 = tpu.vector_load %arg9[%get3A_252, %get3A_253] {strides = array<i32>} : memref<25x80xi32, #tpu.memory_space<vmem>>, vector<16xi32>,
      tpu.vector_store_idx %arg11[%get3A_254], %broadcast_in_dim3A_9 {add = true} : memref<10240xf32, #tpu.memory_space<vmem>>[vector<16xi32>], vector<16xf32>,
      %get3A_255 = arith.constant 3 : i32
      %get3A_256 = arith.index_cast %get3A_255 : i32 to index
      %get3A_257 = arith.constant 64 : index
      %get3A_258 = tpu.vector_load %arg9[%get3A_256, %get3A_257] {strides = array<i32>} : memref<25x80xi32, #tpu.memory_space<vmem>>, vector<16xi32>,
      tpu.vector_store_idx %arg11[%get3A_258], %broadcast_in_dim3A_9 {add = true} : memref<10240xf32, #tpu.memory_space<vmem>>[vector<16xi32>], vector<16xf32>,
      %dma_wait3A_259 = arith.constant 3 : i32
      %dma_wait3A_260 = arith.constant 0 : i32
      %dma_wait3A_261 = arith.constant 0 : i32
      %dma_wait3A_262 = arith.constant 0 : i32
      %dma_wait3A_263 = tpu.memref_slice %arg10[%dma_wait3A_260, %dma_wait3A_261, %dma_wait3A_262] : memref<3x80x128xf32, #tpu.memory_space<vmem>> -> memref<1x80x128xf32, #tpu.memory_space<vmem>>
      %dma_wait3A_264 = tpu.memref_squeeze %dma_wait3A_263 : memref<1x80x128xf32, #tpu.memory_space<vmem>> -> memref<80x128xf32, #tpu.memory_space<vmem>>
      %dma_wait3A_265 = arith.constant 0 : i32
      %dma_wait3A_266 = tpu.memref_slice %arg8[%dma_wait3A_259, %dma_wait3A_265] : memref<25x80xi32, #tpu.memory_space<vmem>> -> memref<1x80xi32, #tpu.memory_space<vmem>>
      %dma_wait3A_267 = tpu.memref_squeeze %dma_wait3A_266 : memref<1x80xi32, #tpu.memory_space<vmem>> -> memref<80xi32, #tpu.memory_space<vmem>>
      %dma_wait3A_268 = arith.constant 0 : i32
      %dma_wait3A_269 = arith.constant 0 : i32
      %dma_wait3A_270 = tpu.memref_slice %arg2[%dma_wait3A_268, %dma_wait3A_269] : memref<10000x128xf32, #tpu.memory_space<hbm>> -> memref<10000x128xf32, #tpu.memory_space<hbm>>
      tpu.wait_indirect_dma semaphore(%arg12 : memref<!tpu.dma_semaphore, #tpu.memory_space<semaphore_mem>>) src(%dma_wait3A_270 : memref<10000x128xf32, #tpu.memory_space<hbm>>) dst(%dma_wait3A_264 : memref<80x128xf32, #tpu.memory_space<vmem>>)
      %dma_start3A_271 = arith.constant 0 : i32
      %dma_start3A_272 = arith.constant 3 : i32
      %dma_start3A_273 = arith.constant 0 : i32
      %dma_start3A_274 = arith.constant 0 : i32
      %dma_start3A_275 = tpu.memref_slice %arg10[%dma_start3A_271, %dma_start3A_273, %dma_start3A_274] : memref<3x80x128xf32, #tpu.memory_space<vmem>> -> memref<1x80x128xf32, #tpu.memory_space<vmem>>
      %dma_start3A_276 = tpu.memref_squeeze %dma_start3A_275 : memref<1x80x128xf32, #tpu.memory_space<vmem>> -> memref<80x128xf32, #tpu.memory_space<vmem>>
      %dma_start3A_277 = arith.constant 0 : i32
      %dma_start3A_278 = tpu.memref_slice %arg9[%dma_start3A_272, %dma_start3A_277] : memref<25x80xi32, #tpu.memory_space<vmem>> -> memref<1x80xi32, #tpu.memory_space<vmem>>
      %dma_start3A_279 = tpu.memref_squeeze %dma_start3A_278 : memref<1x80xi32, #tpu.memory_space<vmem>> -> memref<80xi32, #tpu.memory_space<vmem>>
      %dma_start3A_280 = arith.constant 0 : i32
      %dma_start3A_281 = arith.constant 0 : i32
      %dma_start3A_282 = tpu.memref_slice %arg7[%dma_start3A_280, %dma_start3A_281] : memref<10240x128xf32, #tpu.memory_space<vmem_shared>> -> memref<10240x128xf32, #tpu.memory_space<vmem_shared>>
      tpu.enqueue_indirect_dma source(%dma_start3A_276 : memref<80x128xf32, #tpu.memory_space<vmem>>) target(%dma_start3A_282 : memref<10240x128xf32, #tpu.memory_space<vmem_shared>>) offsets(%dma_start3A_279 : memref<80xi32, #tpu.memory_space<vmem>>) semaphore(%arg15 : memref<!tpu.dma_semaphore, #tpu.memory_space<semaphore_mem>>) {add = true}
      %dma_wait3A_283 = arith.constant 2 : i32
      %dma_wait3A_284 = arith.constant 2 : i32
      %dma_wait3A_285 = arith.constant 0 : i32
      %dma_wait3A_286 = arith.constant 0 : i32
      %dma_wait3A_287 = tpu.memref_slice %arg10[%dma_wait3A_283, %dma_wait3A_285, %dma_wait3A_286] : memref<3x80x128xf32, #tpu.memory_space<vmem>> -> memref<1x80x128xf32, #tpu.memory_space<vmem>>
      %dma_wait3A_288 = tpu.memref_squeeze %dma_wait3A_287 : memref<1x80x128xf32, #tpu.memory_space<vmem>> -> memref<80x128xf32, #tpu.memory_space<vmem>>
      %dma_wait3A_289 = arith.constant 0 : i32
      %dma_wait3A_290 = tpu.memref_slice %arg9[%dma_wait3A_284, %dma_wait3A_289] : memref<25x80xi32, #tpu.memory_space<vmem>> -> memref<1x80xi32, #tpu.memory_space<vmem>>
      %dma_wait3A_291 = tpu.memref_squeeze %dma_wait3A_290 : memref<1x80xi32, #tpu.memory_space<vmem>> -> memref<80xi32, #tpu.memory_space<vmem>>
      %dma_wait3A_292 = arith.constant 0 : i32
      %dma_wait3A_293 = arith.constant 0 : i32
      %dma_wait3A_294 = tpu.memref_slice %arg7[%dma_wait3A_292, %dma_wait3A_293] : memref<10240x128xf32, #tpu.memory_space<vmem_shared>> -> memref<10240x128xf32, #tpu.memory_space<vmem_shared>>
      tpu.wait_indirect_dma semaphore(%arg17 : memref<!tpu.dma_semaphore, #tpu.memory_space<semaphore_mem>>) src(%dma_wait3A_288 : memref<80x128xf32, #tpu.memory_space<vmem>>) dst(%dma_wait3A_294 : memref<10240x128xf32, #tpu.memory_space<vmem_shared>>)
      %dma_start3A_295 = arith.constant 5 : i32
      %dma_start3A_296 = arith.constant 2 : i32
      %dma_start3A_297 = arith.constant 0 : i32
      %dma_start3A_298 = arith.constant 0 : i32
      %dma_start3A_299 = tpu.memref_slice %arg10[%dma_start3A_296, %dma_start3A_297, %dma_start3A_298] : memref<3x80x128xf32, #tpu.memory_space<vmem>> -> memref<1x80x128xf32, #tpu.memory_space<vmem>>
      %dma_start3A_300 = tpu.memref_squeeze %dma_start3A_299 : memref<1x80x128xf32, #tpu.memory_space<vmem>> -> memref<80x128xf32, #tpu.memory_space<vmem>>
      %dma_start3A_301 = arith.constant 0 : i32
      %dma_start3A_302 = tpu.memref_slice %arg8[%dma_start3A_295, %dma_start3A_301] : memref<25x80xi32, #tpu.memory_space<vmem>> -> memref<1x80xi32, #tpu.memory_space<vmem>>
      %dma_start3A_303 = tpu.memref_squeeze %dma_start3A_302 : memref<1x80xi32, #tpu.memory_space<vmem>> -> memref<80xi32, #tpu.memory_space<vmem>>
      %dma_start3A_304 = arith.constant 0 : i32
      %dma_start3A_305 = arith.constant 0 : i32
      %dma_start3A_306 = tpu.memref_slice %arg2[%dma_start3A_304, %dma_start3A_305] : memref<10000x128xf32, #tpu.memory_space<hbm>> -> memref<10000x128xf32, #tpu.memory_space<hbm>>
      tpu.enqueue_indirect_dma source(%dma_start3A_306 : memref<10000x128xf32, #tpu.memory_space<hbm>>) target(%dma_start3A_300 : memref<80x128xf32, #tpu.memory_space<vmem>>) offsets(%dma_start3A_303 : memref<80xi32, #tpu.memory_space<vmem>>) semaphore(%arg14 : memref<!tpu.dma_semaphore, #tpu.memory_space<semaphore_mem>>)
      %get3A_307 = arith.constant 4 : i32
      %get3A_308 = arith.index_cast %get3A_307 : i32 to index
      %get3A_309 = arith.constant 0 : index
      %get3A_310 = tpu.vector_load %arg9[%get3A_308, %get3A_309] {strides = array<i32>} : memref<25x80xi32, #tpu.memory_space<vmem>>, vector<16xi32>,
      tpu.vector_store_idx %arg11[%get3A_310], %broadcast_in_dim3A_9 {add = true} : memref<10240xf32, #tpu.memory_space<vmem>>[vector<16xi32>], vector<16xf32>,
      %get3A_311 = arith.constant 4 : i32
      %get3A_312 = arith.index_cast %get3A_311 : i32 to index
      %get3A_313 = arith.constant 16 : index
      %get3A_314 = tpu.vector_load %arg9[%get3A_312, %get3A_313] {strides = array<i32>} : memref<25x80xi32, #tpu.memory_space<vmem>>, vector<16xi32>,
      tpu.vector_store_idx %arg11[%get3A_314], %broadcast_in_dim3A_9 {add = true} : memref<10240xf32, #tpu.memory_space<vmem>>[vector<16xi32>], vector<16xf32>,
      %get3A_315 = arith.constant 4 : i32
      %get3A_316 = arith.index_cast %get3A_315 : i32 to index
      %get3A_317 = arith.constant 32 : index
      %get3A_318 = tpu.vector_load %arg9[%get3A_316, %get3A_317] {strides = array<i32>} : memref<25x80xi32, #tpu.memory_space<vmem>>, vector<16xi32>,
      tpu.vector_store_idx %arg11[%get3A_318], %broadcast_in_dim3A_9 {add = true} : memref<10240xf32, #tpu.memory_space<vmem>>[vector<16xi32>], vector<16xf32>,
      %get3A_319 = arith.constant 4 : i32
      %get3A_320 = arith.index_cast %get3A_319 : i32 to index
      %get3A_321 = arith.constant 48 : index
      %get3A_322 = tpu.vector_load %arg9[%get3A_320, %get3A_321] {strides = array<i32>} : memref<25x80xi32, #tpu.memory_space<vmem>>, vector<16xi32>,
      tpu.vector_store_idx %arg11[%get3A_322], %broadcast_in_dim3A_9 {add = true} : memref<10240xf32, #tpu.memory_space<vmem>>[vector<16xi32>], vector<16xf32>,
      %get3A_323 = arith.constant 4 : i32
      %get3A_324 = arith.index_cast %get3A_323 : i32 to index
      %get3A_325 = arith.constant 64 : index
      %get3A_326 = tpu.vector_load %arg9[%get3A_324, %get3A_325] {strides = array<i32>} : memref<25x80xi32, #tpu.memory_space<vmem>>, vector<16xi32>,
      tpu.vector_store_idx %arg11[%get3A_326], %broadcast_in_dim3A_9 {add = true} : memref<10240xf32, #tpu.memory_space<vmem>>[vector<16xi32>], vector<16xf32>,
      %dma_wait3A_327 = arith.constant 4 : i32
      %dma_wait3A_328 = arith.constant 1 : i32
      %dma_wait3A_329 = arith.constant 0 : i32
      %dma_wait3A_330 = arith.constant 0 : i32
      %dma_wait3A_331 = tpu.memref_slice %arg10[%dma_wait3A_328, %dma_wait3A_329, %dma_wait3A_330] : memref<3x80x128xf32, #tpu.memory_space<vmem>> -> memref<1x80x128xf32, #tpu.memory_space<vmem>>
      %dma_wait3A_332 = tpu.memref_squeeze %dma_wait3A_331 : memref<1x80x128xf32, #tpu.memory_space<vmem>> -> memref<80x128xf32, #tpu.memory_space<vmem>>
      %dma_wait3A_333 = arith.constant 0 : i32
      %dma_wait3A_334 = tpu.memref_slice %arg8[%dma_wait3A_327, %dma_wait3A_333] : memref<25x80xi32, #tpu.memory_space<vmem>> -> memref<1x80xi32, #tpu.memory_space<vmem>>
      %dma_wait3A_335 = tpu.memref_squeeze %dma_wait3A_334 : memref<1x80xi32, #tpu.memory_space<vmem>> -> memref<80xi32, #tpu.memory_space<vmem>>
      %dma_wait3A_336 = arith.constant 0 : i32
      %dma_wait3A_337 = arith.constant 0 : i32
      %dma_wait3A_338 = tpu.memref_slice %arg2[%dma_wait3A_336, %dma_wait3A_337] : memref<10000x128xf32, #tpu.memory_space<hbm>> -> memref<10000x128xf32, #tpu.memory_space<hbm>>
      tpu.wait_indirect_dma semaphore(%arg13 : memref<!tpu.dma_semaphore, #tpu.memory_space<semaphore_mem>>) src(%dma_wait3A_338 : memref<10000x128xf32, #tpu.memory_space<hbm>>) dst(%dma_wait3A_332 : memref<80x128xf32, #tpu.memory_space<vmem>>)
      %dma_start3A_339 = arith.constant 1 : i32
      %dma_start3A_340 = arith.constant 4 : i32
      %dma_start3A_341 = arith.constant 0 : i32
      %dma_start3A_342 = arith.constant 0 : i32
      %dma_start3A_343 = tpu.memref_slice %arg10[%dma_start3A_339, %dma_start3A_341, %dma_start3A_342] : memref<3x80x128xf32, #tpu.memory_space<vmem>> -> memref<1x80x128xf32, #tpu.memory_space<vmem>>
      %dma_start3A_344 = tpu.memref_squeeze %dma_start3A_343 : memref<1x80x128xf32, #tpu.memory_space<vmem>> -> memref<80x128xf32, #tpu.memory_space<vmem>>
      %dma_start3A_345 = arith.constant 0 : i32
      %dma_start3A_346 = tpu.memref_slice %arg9[%dma_start3A_340, %dma_start3A_345] : memref<25x80xi32, #tpu.memory_space<vmem>> -> memref<1x80xi32, #tpu.memory_space<vmem>>
      %dma_start3A_347 = tpu.memref_squeeze %dma_start3A_346 : memref<1x80xi32, #tpu.memory_space<vmem>> -> memref<80xi32, #tpu.memory_space<vmem>>
      %dma_start3A_348 = arith.constant 0 : i32
      %dma_start3A_349 = arith.constant 0 : i32
      %dma_start3A_350 = tpu.memref_slice %arg7[%dma_start3A_348, %dma_start3A_349] : memref<10240x128xf32, #tpu.memory_space<vmem_shared>> -> memref<10240x128xf32, #tpu.memory_space<vmem_shared>>
      tpu.enqueue_indirect_dma source(%dma_start3A_344 : memref<80x128xf32, #tpu.memory_space<vmem>>) target(%dma_start3A_350 : memref<10240x128xf32, #tpu.memory_space<vmem_shared>>) offsets(%dma_start3A_347 : memref<80xi32, #tpu.memory_space<vmem>>) semaphore(%arg16 : memref<!tpu.dma_semaphore, #tpu.memory_space<semaphore_mem>>) {add = true}
      %dma_wait3A_351 = arith.constant 0 : i32
      %dma_wait3A_352 = arith.constant 3 : i32
      %dma_wait3A_353 = arith.constant 0 : i32
      %dma_wait3A_354 = arith.constant 0 : i32
      %dma_wait3A_355 = tpu.memref_slice %arg10[%dma_wait3A_351, %dma_wait3A_353, %dma_wait3A_354] : memref<3x80x128xf32, #tpu.memory_space<vmem>> -> memref<1x80x128xf32, #tpu.memory_space<vmem>>
      %dma_wait3A_356 = tpu.memref_squeeze %dma_wait3A_355 : memref<1x80x128xf32, #tpu.memory_space<vmem>> -> memref<80x128xf32, #tpu.memory_space<vmem>>
      %dma_wait3A_357 = arith.constant 0 : i32
      %dma_wait3A_358 = tpu.memref_slice %arg9[%dma_wait3A_352, %dma_wait3A_357] : memref<25x80xi32, #tpu.memory_space<vmem>> -> memref<1x80xi32, #tpu.memory_space<vmem>>
      %dma_wait3A_359 = tpu.memref_squeeze %dma_wait3A_358 : memref<1x80xi32, #tpu.memory_space<vmem>> -> memref<80xi32, #tpu.memory_space<vmem>>
      %dma_wait3A_360 = arith.constant 0 : i32
      %dma_wait3A_361 = arith.constant 0 : i32
      %dma_wait3A_362 = tpu.memref_slice %arg7[%dma_wait3A_360, %dma_wait3A_361] : memref<10240x128xf32, #tpu.memory_space<vmem_shared>> -> memref<10240x128xf32, #tpu.memory_space<vmem_shared>>
      tpu.wait_indirect_dma semaphore(%arg15 : memref<!tpu.dma_semaphore, #tpu.memory_space<semaphore_mem>>) src(%dma_wait3A_356 : memref<80x128xf32, #tpu.memory_space<vmem>>) dst(%dma_wait3A_362 : memref<10240x128xf32, #tpu.memory_space<vmem_shared>>)
      %dma_start3A_363 = arith.constant 6 : i32
      %dma_start3A_364 = arith.constant 0 : i32
      %dma_start3A_365 = arith.constant 0 : i32
      %dma_start3A_366 = arith.constant 0 : i32
      %dma_start3A_367 = tpu.memref_slice %arg10[%dma_start3A_364, %dma_start3A_365, %dma_start3A_366] : memref<3x80x128xf32, #tpu.memory_space<vmem>> -> memref<1x80x128xf32, #tpu.memory_space<vmem>>
      %dma_start3A_368 = tpu.memref_squeeze %dma_start3A_367 : memref<1x80x128xf32, #tpu.memory_space<vmem>> -> memref<80x128xf32, #tpu.memory_space<vmem>>
      %dma_start3A_369 = arith.constant 0 : i32
      %dma_start3A_370 = tpu.memref_slice %arg8[%dma_start3A_363, %dma_start3A_369] : memref<25x80xi32, #tpu.memory_space<vmem>> -> memref<1x80xi32, #tpu.memory_space<vmem>>
      %dma_start3A_371 = tpu.memref_squeeze %dma_start3A_370 : memref<1x80xi32, #tpu.memory_space<vmem>> -> memref<80xi32, #tpu.memory_space<vmem>>
      %dma_start3A_372 = arith.constant 0 : i32
      %dma_start3A_373 = arith.constant 0 : i32
      %dma_start3A_374 = tpu.memref_slice %arg2[%dma_start3A_372, %dma_start3A_373] : memref<10000x128xf32, #tpu.memory_space<hbm>> -> memref<10000x128xf32, #tpu.memory_space<hbm>>
      tpu.enqueue_indirect_dma source(%dma_start3A_374 : memref<10000x128xf32, #tpu.memory_space<hbm>>) target(%dma_start3A_368 : memref<80x128xf32, #tpu.memory_space<vmem>>) offsets(%dma_start3A_371 : memref<80xi32, #tpu.memory_space<vmem>>) semaphore(%arg12 : memref<!tpu.dma_semaphore, #tpu.memory_space<semaphore_mem>>)
      %get3A_375 = arith.constant 5 : i32
      %get3A_376 = arith.index_cast %get3A_375 : i32 to index
      %get3A_377 = arith.constant 0 : index
      %get3A_378 = tpu.vector_load %arg9[%get3A_376, %get3A_377] {strides = array<i32>} : memref<25x80xi32, #tpu.memory_space<vmem>>, vector<16xi32>,
      tpu.vector_store_idx %arg11[%get3A_378], %broadcast_in_dim3A_9 {add = true} : memref<10240xf32, #tpu.memory_space<vmem>>[vector<16xi32>], vector<16xf32>,
      %get3A_379 = arith.constant 5 : i32
      %get3A_380 = arith.index_cast %get3A_379 : i32 to index
      %get3A_381 = arith.constant 16 : index
      %get3A_382 = tpu.vector_load %arg9[%get3A_380, %get3A_381] {strides = array<i32>} : memref<25x80xi32, #tpu.memory_space<vmem>>, vector<16xi32>,
      tpu.vector_store_idx %arg11[%get3A_382], %broadcast_in_dim3A_9 {add = true} : memref<10240xf32, #tpu.memory_space<vmem>>[vector<16xi32>], vector<16xf32>,
      %get3A_383 = arith.constant 5 : i32
      %get3A_384 = arith.index_cast %get3A_383 : i32 to index
      %get3A_385 = arith.constant 32 : index
      %get3A_386 = tpu.vector_load %arg9[%get3A_384, %get3A_385] {strides = array<i32>} : memref<25x80xi32, #tpu.memory_space<vmem>>, vector<16xi32>,
      tpu.vector_store_idx %arg11[%get3A_386], %broadcast_in_dim3A_9 {add = true} : memref<10240xf32, #tpu.memory_space<vmem>>[vector<16xi32>], vector<16xf32>,
      %get3A_387 = arith.constant 5 : i32
      %get3A_388 = arith.index_cast %get3A_387 : i32 to index
      %get3A_389 = arith.constant 48 : index
      %get3A_390 = tpu.vector_load %arg9[%get3A_388, %get3A_389] {strides = array<i32>} : memref<25x80xi32, #tpu.memory_space<vmem>>, vector<16xi32>,
      tpu.vector_store_idx %arg11[%get3A_390], %broadcast_in_dim3A_9 {add = true} : memref<10240xf32, #tpu.memory_space<vmem>>[vector<16xi32>], vector<16xf32>,
      %get3A_391 = arith.constant 5 : i32
      %get3A_392 = arith.index_cast %get3A_391 : i32 to index
      %get3A_393 = arith.constant 64 : index
      %get3A_394 = tpu.vector_load %arg9[%get3A_392, %get3A_393] {strides = array<i32>} : memref<25x80xi32, #tpu.memory_space<vmem>>, vector<16xi32>,
      tpu.vector_store_idx %arg11[%get3A_394], %broadcast_in_dim3A_9 {add = true} : memref<10240xf32, #tpu.memory_space<vmem>>[vector<16xi32>], vector<16xf32>,
      %dma_wait3A_395 = arith.constant 5 : i32
      %dma_wait3A_396 = arith.constant 2 : i32
      %dma_wait3A_397 = arith.constant 0 : i32
      %dma_wait3A_398 = arith.constant 0 : i32
      %dma_wait3A_399 = tpu.memref_slice %arg10[%dma_wait3A_396, %dma_wait3A_397, %dma_wait3A_398] : memref<3x80x128xf32, #tpu.memory_space<vmem>> -> memref<1x80x128xf32, #tpu.memory_space<vmem>>
      %dma_wait3A_400 = tpu.memref_squeeze %dma_wait3A_399 : memref<1x80x128xf32, #tpu.memory_space<vmem>> -> memref<80x128xf32, #tpu.memory_space<vmem>>
      %dma_wait3A_401 = arith.constant 0 : i32
      %dma_wait3A_402 = tpu.memref_slice %arg8[%dma_wait3A_395, %dma_wait3A_401] : memref<25x80xi32, #tpu.memory_space<vmem>> -> memref<1x80xi32, #tpu.memory_space<vmem>>
      %dma_wait3A_403 = tpu.memref_squeeze %dma_wait3A_402 : memref<1x80xi32, #tpu.memory_space<vmem>> -> memref<80xi32, #tpu.memory_space<vmem>>
      %dma_wait3A_404 = arith.constant 0 : i32
      %dma_wait3A_405 = arith.constant 0 : i32
      %dma_wait3A_406 = tpu.memref_slice %arg2[%dma_wait3A_404, %dma_wait3A_405] : memref<10000x128xf32, #tpu.memory_space<hbm>> -> memref<10000x128xf32, #tpu.memory_space<hbm>>
      tpu.wait_indirect_dma semaphore(%arg14 : memref<!tpu.dma_semaphore, #tpu.memory_space<semaphore_mem>>) src(%dma_wait3A_406 : memref<10000x128xf32, #tpu.memory_space<hbm>>) dst(%dma_wait3A_400 : memref<80x128xf32, #tpu.memory_space<vmem>>)
      %dma_start3A_407 = arith.constant 2 : i32
      %dma_start3A_408 = arith.constant 5 : i32
      %dma_start3A_409 = arith.constant 0 : i32
      %dma_start3A_410 = arith.constant 0 : i32
      %dma_start3A_411 = tpu.memref_slice %arg10[%dma_start3A_407, %dma_start3A_409, %dma_start3A_410] : memref<3x80x128xf32, #tpu.memory_space<vmem>> -> memref<1x80x128xf32, #tpu.memory_space<vmem>>
      %dma_start3A_412 = tpu.memref_squeeze %dma_start3A_411 : memref<1x80x128xf32, #tpu.memory_space<vmem>> -> memref<80x128xf32, #tpu.memory_space<vmem>>
      %dma_start3A_413 = arith.constant 0 : i32
      %dma_start3A_414 = tpu.memref_slice %arg9[%dma_start3A_408, %dma_start3A_413] : memref<25x80xi32, #tpu.memory_space<vmem>> -> memref<1x80xi32, #tpu.memory_space<vmem>>
      %dma_start3A_415 = tpu.memref_squeeze %dma_start3A_414 : memref<1x80xi32, #tpu.memory_space<vmem>> -> memref<80xi32, #tpu.memory_space<vmem>>
      %dma_start3A_416 = arith.constant 0 : i32
      %dma_start3A_417 = arith.constant 0 : i32
      %dma_start3A_418 = tpu.memref_slice %arg7[%dma_start3A_416, %dma_start3A_417] : memref<10240x128xf32, #tpu.memory_space<vmem_shared>> -> memref<10240x128xf32, #tpu.memory_space<vmem_shared>>
      tpu.enqueue_indirect_dma source(%dma_start3A_412 : memref<80x128xf32, #tpu.memory_space<vmem>>) target(%dma_start3A_418 : memref<10240x128xf32, #tpu.memory_space<vmem_shared>>) offsets(%dma_start3A_415 : memref<80xi32, #tpu.memory_space<vmem>>) semaphore(%arg17 : memref<!tpu.dma_semaphore, #tpu.memory_space<semaphore_mem>>) {add = true}
      %dma_wait3A_419 = arith.constant 1 : i32
      %dma_wait3A_420 = arith.constant 4 : i32
      %dma_wait3A_421 = arith.constant 0 : i32
      %dma_wait3A_422 = arith.constant 0 : i32
      %dma_wait3A_423 = tpu.memref_slice %arg10[%dma_wait3A_419, %dma_wait3A_421, %dma_wait3A_422] : memref<3x80x128xf32, #tpu.memory_space<vmem>> -> memref<1x80x128xf32, #tpu.memory_space<vmem>>
      %dma_wait3A_424 = tpu.memref_squeeze %dma_wait3A_423 : memref<1x80x128xf32, #tpu.memory_space<vmem>> -> memref<80x128xf32, #tpu.memory_space<vmem>>
      %dma_wait3A_425 = arith.constant 0 : i32
      %dma_wait3A_426 = tpu.memref_slice %arg9[%dma_wait3A_420, %dma_wait3A_425] : memref<25x80xi32, #tpu.memory_space<vmem>> -> memref<1x80xi32, #tpu.memory_space<vmem>>
      %dma_wait3A_427 = tpu.memref_squeeze %dma_wait3A_426 : memref<1x80xi32, #tpu.memory_space<vmem>> -> memref<80xi32, #tpu.memory_space<vmem>>
      %dma_wait3A_428 = arith.constant 0 : i32
      %dma_wait3A_429 = arith.constant 0 : i32
      %dma_wait3A_430 = tpu.memref_slice %arg7[%dma_wait3A_428, %dma_wait3A_429] : memref<10240x128xf32, #tpu.memory_space<vmem_shared>> -> memref<10240x128xf32, #tpu.memory_space<vmem_shared>>
      tpu.wait_indirect_dma semaphore(%arg16 : memref<!tpu.dma_semaphore, #tpu.memory_space<semaphore_mem>>) src(%dma_wait3A_424 : memref<80x128xf32, #tpu.memory_space<vmem>>) dst(%dma_wait3A_430 : memref<10240x128xf32, #tpu.memory_space<vmem_shared>>)
      %dma_start3A_431 = arith.constant 7 : i32
      %dma_start3A_432 = arith.constant 1 : i32
      %dma_start3A_433 = arith.constant 0 : i32
      %dma_start3A_434 = arith.constant 0 : i32
      %dma_start3A_435 = tpu.memref_slice %arg10[%dma_start3A_432, %dma_start3A_433, %dma_start3A_434] : memref<3x80x128xf32, #tpu.memory_space<vmem>> -> memref<1x80x128xf32, #tpu.memory_space<vmem>>
      %dma_start3A_436 = tpu.memref_squeeze %dma_start3A_435 : memref<1x80x128xf32, #tpu.memory_space<vmem>> -> memref<80x128xf32, #tpu.memory_space<vmem>>
      %dma_start3A_437 = arith.constant 0 : i32
      %dma_start3A_438 = tpu.memref_slice %arg8[%dma_start3A_431, %dma_start3A_437] : memref<25x80xi32, #tpu.memory_space<vmem>> -> memref<1x80xi32, #tpu.memory_space<vmem>>
      %dma_start3A_439 = tpu.memref_squeeze %dma_start3A_438 : memref<1x80xi32, #tpu.memory_space<vmem>> -> memref<80xi32, #tpu.memory_space<vmem>>
      %dma_start3A_440 = arith.constant 0 : i32
      %dma_start3A_441 = arith.constant 0 : i32
      %dma_start3A_442 = tpu.memref_slice %arg2[%dma_start3A_440, %dma_start3A_441] : memref<10000x128xf32, #tpu.memory_space<hbm>> -> memref<10000x128xf32, #tpu.memory_space<hbm>>
      tpu.enqueue_indirect_dma source(%dma_start3A_442 : memref<10000x128xf32, #tpu.memory_space<hbm>>) target(%dma_start3A_436 : memref<80x128xf32, #tpu.memory_space<vmem>>) offsets(%dma_start3A_439 : memref<80xi32, #tpu.memory_space<vmem>>) semaphore(%arg13 : memref<!tpu.dma_semaphore, #tpu.memory_space<semaphore_mem>>)
      %get3A_443 = arith.constant 6 : i32
      %get3A_444 = arith.index_cast %get3A_443 : i32 to index
      %get3A_445 = arith.constant 0 : index
      %get3A_446 = tpu.vector_load %arg9[%get3A_444, %get3A_445] {strides = array<i32>} : memref<25x80xi32, #tpu.memory_space<vmem>>, vector<16xi32>,
      tpu.vector_store_idx %arg11[%get3A_446], %broadcast_in_dim3A_9 {add = true} : memref<10240xf32, #tpu.memory_space<vmem>>[vector<16xi32>], vector<16xf32>,
      %get3A_447 = arith.constant 6 : i32
      %get3A_448 = arith.index_cast %get3A_447 : i32 to index
      %get3A_449 = arith.constant 16 : index
      %get3A_450 = tpu.vector_load %arg9[%get3A_448, %get3A_449] {strides = array<i32>} : memref<25x80xi32, #tpu.memory_space<vmem>>, vector<16xi32>,
      tpu.vector_store_idx %arg11[%get3A_450], %broadcast_in_dim3A_9 {add = true} : memref<10240xf32, #tpu.memory_space<vmem>>[vector<16xi32>], vector<16xf32>,
      %get3A_451 = arith.constant 6 : i32
      %get3A_452 = arith.index_cast %get3A_451 : i32 to index
      %get3A_453 = arith.constant 32 : index
      %get3A_454 = tpu.vector_load %arg9[%get3A_452, %get3A_453] {strides = array<i32>} : memref<25x80xi32, #tpu.memory_space<vmem>>, vector<16xi32>,
      tpu.vector_store_idx %arg11[%get3A_454], %broadcast_in_dim3A_9 {add = true} : memref<10240xf32, #tpu.memory_space<vmem>>[vector<16xi32>], vector<16xf32>,
      %get3A_455 = arith.constant 6 : i32
      %get3A_456 = arith.index_cast %get3A_455 : i32 to index
      %get3A_457 = arith.constant 48 : index
      %get3A_458 = tpu.vector_load %arg9[%get3A_456, %get3A_457] {strides = array<i32>} : memref<25x80xi32, #tpu.memory_space<vmem>>, vector<16xi32>,
      tpu.vector_store_idx %arg11[%get3A_458], %broadcast_in_dim3A_9 {add = true} : memref<10240xf32, #tpu.memory_space<vmem>>[vector<16xi32>], vector<16xf32>,
      %get3A_459 = arith.constant 6 : i32
      %get3A_460 = arith.index_cast %get3A_459 : i32 to index
      %get3A_461 = arith.constant 64 : index
      %get3A_462 = tpu.vector_load %arg9[%get3A_460, %get3A_461] {strides = array<i32>} : memref<25x80xi32, #tpu.memory_space<vmem>>, vector<16xi32>,
      tpu.vector_store_idx %arg11[%get3A_462], %broadcast_in_dim3A_9 {add = true} : memref<10240xf32, #tpu.memory_space<vmem>>[vector<16xi32>], vector<16xf32>,
      %dma_wait3A_463 = arith.constant 6 : i32
      %dma_wait3A_464 = arith.constant 0 : i32
      %dma_wait3A_465 = arith.constant 0 : i32
      %dma_wait3A_466 = arith.constant 0 : i32
      %dma_wait3A_467 = tpu.memref_slice %arg10[%dma_wait3A_464, %dma_wait3A_465, %dma_wait3A_466] : memref<3x80x128xf32, #tpu.memory_space<vmem>> -> memref<1x80x128xf32, #tpu.memory_space<vmem>>
      %dma_wait3A_468 = tpu.memref_squeeze %dma_wait3A_467 : memref<1x80x128xf32, #tpu.memory_space<vmem>> -> memref<80x128xf32, #tpu.memory_space<vmem>>
      %dma_wait3A_469 = arith.constant 0 : i32
      %dma_wait3A_470 = tpu.memref_slice %arg8[%dma_wait3A_463, %dma_wait3A_469] : memref<25x80xi32, #tpu.memory_space<vmem>> -> memref<1x80xi32, #tpu.memory_space<vmem>>
      %dma_wait3A_471 = tpu.memref_squeeze %dma_wait3A_470 : memref<1x80xi32, #tpu.memory_space<vmem>> -> memref<80xi32, #tpu.memory_space<vmem>>
      %dma_wait3A_472 = arith.constant 0 : i32
      %dma_wait3A_473 = arith.constant 0 : i32
      %dma_wait3A_474 = tpu.memref_slice %arg2[%dma_wait3A_472, %dma_wait3A_473] : memref<10000x128xf32, #tpu.memory_space<hbm>> -> memref<10000x128xf32, #tpu.memory_space<hbm>>
      tpu.wait_indirect_dma semaphore(%arg12 : memref<!tpu.dma_semaphore, #tpu.memory_space<semaphore_mem>>) src(%dma_wait3A_474 : memref<10000x128xf32, #tpu.memory_space<hbm>>) dst(%dma_wait3A_468 : memref<80x128xf32, #tpu.memory_space<vmem>>)
      %dma_start3A_475 = arith.constant 0 : i32
      %dma_start3A_476 = arith.constant 6 : i32
      %dma_start3A_477 = arith.constant 0 : i32
      %dma_start3A_478 = arith.constant 0 : i32
      %dma_start3A_479 = tpu.memref_slice %arg10[%dma_start3A_475, %dma_start3A_477, %dma_start3A_478] : memref<3x80x128xf32, #tpu.memory_space<vmem>> -> memref<1x80x128xf32, #tpu.memory_space<vmem>>
      %dma_start3A_480 = tpu.memref_squeeze %dma_start3A_479 : memref<1x80x128xf32, #tpu.memory_space<vmem>> -> memref<80x128xf32, #tpu.memory_space<vmem>>
      %dma_start3A_481 = arith.constant 0 : i32
      %dma_start3A_482 = tpu.memref_slice %arg9[%dma_start3A_476, %dma_start3A_481] : memref<25x80xi32, #tpu.memory_space<vmem>> -> memref<1x80xi32, #tpu.memory_space<vmem>>
      %dma_start3A_483 = tpu.memref_squeeze %dma_start3A_482 : memref<1x80xi32, #tpu.memory_space<vmem>> -> memref<80xi32, #tpu.memory_space<vmem>>
      %dma_start3A_484 = arith.constant 0 : i32
      %dma_start3A_485 = arith.constant 0 : i32
      %dma_start3A_486 = tpu.memref_slice %arg7[%dma_start3A_484, %dma_start3A_485] : memref<10240x128xf32, #tpu.memory_space<vmem_shared>> -> memref<10240x128xf32, #tpu.memory_space<vmem_shared>>
      tpu.enqueue_indirect_dma source(%dma_start3A_480 : memref<80x128xf32, #tpu.memory_space<vmem>>) target(%dma_start3A_486 : memref<10240x128xf32, #tpu.memory_space<vmem_shared>>) offsets(%dma_start3A_483 : memref<80xi32, #tpu.memory_space<vmem>>) semaphore(%arg15 : memref<!tpu.dma_semaphore, #tpu.memory_space<semaphore_mem>>) {add = true}
      %dma_wait3A_487 = arith.constant 2 : i32
      %dma_wait3A_488 = arith.constant 5 : i32
      %dma_wait3A_489 = arith.constant 0 : i32
      %dma_wait3A_490 = arith.constant 0 : i32
      %dma_wait3A_491 = tpu.memref_slice %arg10[%dma_wait3A_487, %dma_wait3A_489, %dma_wait3A_490] : memref<3x80x128xf32, #tpu.memory_space<vmem>> -> memref<1x80x128xf32, #tpu.memory_space<vmem>>
      %dma_wait3A_492 = tpu.memref_squeeze %dma_wait3A_491 : memref<1x80x128xf32, #tpu.memory_space<vmem>> -> memref<80x128xf32, #tpu.memory_space<vmem>>
      %dma_wait3A_493 = arith.constant 0 : i32
      %dma_wait3A_494 = tpu.memref_slice %arg9[%dma_wait3A_488, %dma_wait3A_493] : memref<25x80xi32, #tpu.memory_space<vmem>> -> memref<1x80xi32, #tpu.memory_space<vmem>>
      %dma_wait3A_495 = tpu.memref_squeeze %dma_wait3A_494 : memref<1x80xi32, #tpu.memory_space<vmem>> -> memref<80xi32, #tpu.memory_space<vmem>>
      %dma_wait3A_496 = arith.constant 0 : i32
      %dma_wait3A_497 = arith.constant 0 : i32
      %dma_wait3A_498 = tpu.memref_slice %arg7[%dma_wait3A_496, %dma_wait3A_497] : memref<10240x128xf32, #tpu.memory_space<vmem_shared>> -> memref<10240x128xf32, #tpu.memory_space<vmem_shared>>
      tpu.wait_indirect_dma semaphore(%arg17 : memref<!tpu.dma_semaphore, #tpu.memory_space<semaphore_mem>>) src(%dma_wait3A_492 : memref<80x128xf32, #tpu.memory_space<vmem>>) dst(%dma_wait3A_498 : memref<10240x128xf32, #tpu.memory_space<vmem_shared>>)
      %dma_start3A_499 = arith.constant 8 : i32
      %dma_start3A_500 = arith.constant 2 : i32
      %dma_start3A_501 = arith.constant 0 : i32
      %dma_start3A_502 = arith.constant 0 : i32
      %dma_start3A_503 = tpu.memref_slice %arg10[%dma_start3A_500, %dma_start3A_501, %dma_start3A_502] : memref<3x80x128xf32, #tpu.memory_space<vmem>> -> memref<1x80x128xf32, #tpu.memory_space<vmem>>
      %dma_start3A_504 = tpu.memref_squeeze %dma_start3A_503 : memref<1x80x128xf32, #tpu.memory_space<vmem>> -> memref<80x128xf32, #tpu.memory_space<vmem>>
      %dma_start3A_505 = arith.constant 0 : i32
      %dma_start3A_506 = tpu.memref_slice %arg8[%dma_start3A_499, %dma_start3A_505] : memref<25x80xi32, #tpu.memory_space<vmem>> -> memref<1x80xi32, #tpu.memory_space<vmem>>
      %dma_start3A_507 = tpu.memref_squeeze %dma_start3A_506 : memref<1x80xi32, #tpu.memory_space<vmem>> -> memref<80xi32, #tpu.memory_space<vmem>>
      %dma_start3A_508 = arith.constant 0 : i32
      %dma_start3A_509 = arith.constant 0 : i32
      %dma_start3A_510 = tpu.memref_slice %arg2[%dma_start3A_508, %dma_start3A_509] : memref<10000x128xf32, #tpu.memory_space<hbm>> -> memref<10000x128xf32, #tpu.memory_space<hbm>>
      tpu.enqueue_indirect_dma source(%dma_start3A_510 : memref<10000x128xf32, #tpu.memory_space<hbm>>) target(%dma_start3A_504 : memref<80x128xf32, #tpu.memory_space<vmem>>) offsets(%dma_start3A_507 : memref<80xi32, #tpu.memory_space<vmem>>) semaphore(%arg14 : memref<!tpu.dma_semaphore, #tpu.memory_space<semaphore_mem>>)
      %get3A_511 = arith.constant 7 : i32
      %get3A_512 = arith.index_cast %get3A_511 : i32 to index
      %get3A_513 = arith.constant 0 : index
      %get3A_514 = tpu.vector_load %arg9[%get3A_512, %get3A_513] {strides = array<i32>} : memref<25x80xi32, #tpu.memory_space<vmem>>, vector<16xi32>,
      tpu.vector_store_idx %arg11[%get3A_514], %broadcast_in_dim3A_9 {add = true} : memref<10240xf32, #tpu.memory_space<vmem>>[vector<16xi32>], vector<16xf32>,
      %get3A_515 = arith.constant 7 : i32
      %get3A_516 = arith.index_cast %get3A_515 : i32 to index
      %get3A_517 = arith.constant 16 : index
      %get3A_518 = tpu.vector_load %arg9[%get3A_516, %get3A_517] {strides = array<i32>} : memref<25x80xi32, #tpu.memory_space<vmem>>, vector<16xi32>,
      tpu.vector_store_idx %arg11[%get3A_518], %broadcast_in_dim3A_9 {add = true} : memref<10240xf32, #tpu.memory_space<vmem>>[vector<16xi32>], vector<16xf32>,
      %get3A_519 = arith.constant 7 : i32
      %get3A_520 = arith.index_cast %get3A_519 : i32 to index
      %get3A_521 = arith.constant 32 : index
      %get3A_522 = tpu.vector_load %arg9[%get3A_520, %get3A_521] {strides = array<i32>} : memref<25x80xi32, #tpu.memory_space<vmem>>, vector<16xi32>,
      tpu.vector_store_idx %arg11[%get3A_522], %broadcast_in_dim3A_9 {add = true} : memref<10240xf32, #tpu.memory_space<vmem>>[vector<16xi32>], vector<16xf32>,
      %get3A_523 = arith.constant 7 : i32
      %get3A_524 = arith.index_cast %get3A_523 : i32 to index
      %get3A_525 = arith.constant 48 : index
      %get3A_526 = tpu.vector_load %arg9[%get3A_524, %get3A_525] {strides = array<i32>} : memref<25x80xi32, #tpu.memory_space<vmem>>, vector<16xi32>,
      tpu.vector_store_idx %arg11[%get3A_526], %broadcast_in_dim3A_9 {add = true} : memref<10240xf32, #tpu.memory_space<vmem>>[vector<16xi32>], vector<16xf32>,
      %get3A_527 = arith.constant 7 : i32
      %get3A_528 = arith.index_cast %get3A_527 : i32 to index
      %get3A_529 = arith.constant 64 : index
      %get3A_530 = tpu.vector_load %arg9[%get3A_528, %get3A_529] {strides = array<i32>} : memref<25x80xi32, #tpu.memory_space<vmem>>, vector<16xi32>,
      tpu.vector_store_idx %arg11[%get3A_530], %broadcast_in_dim3A_9 {add = true} : memref<10240xf32, #tpu.memory_space<vmem>>[vector<16xi32>], vector<16xf32>,
      %dma_wait3A_531 = arith.constant 7 : i32
      %dma_wait3A_532 = arith.constant 1 : i32
      %dma_wait3A_533 = arith.constant 0 : i32
      %dma_wait3A_534 = arith.constant 0 : i32
      %dma_wait3A_535 = tpu.memref_slice %arg10[%dma_wait3A_532, %dma_wait3A_533, %dma_wait3A_534] : memref<3x80x128xf32, #tpu.memory_space<vmem>> -> memref<1x80x128xf32, #tpu.memory_space<vmem>>
      %dma_wait3A_536 = tpu.memref_squeeze %dma_wait3A_535 : memref<1x80x128xf32, #tpu.memory_space<vmem>> -> memref<80x128xf32, #tpu.memory_space<vmem>>
      %dma_wait3A_537 = arith.constant 0 : i32
      %dma_wait3A_538 = tpu.memref_slice %arg8[%dma_wait3A_531, %dma_wait3A_537] : memref<25x80xi32, #tpu.memory_space<vmem>> -> memref<1x80xi32, #tpu.memory_space<vmem>>
      %dma_wait3A_539 = tpu.memref_squeeze %dma_wait3A_538 : memref<1x80xi32, #tpu.memory_space<vmem>> -> memref<80xi32, #tpu.memory_space<vmem>>
      %dma_wait3A_540 = arith.constant 0 : i32
      %dma_wait3A_541 = arith.constant 0 : i32
      %dma_wait3A_542 = tpu.memref_slice %arg2[%dma_wait3A_540, %dma_wait3A_541] : memref<10000x128xf32, #tpu.memory_space<hbm>> -> memref<10000x128xf32, #tpu.memory_space<hbm>>
      tpu.wait_indirect_dma semaphore(%arg13 : memref<!tpu.dma_semaphore, #tpu.memory_space<semaphore_mem>>) src(%dma_wait3A_542 : memref<10000x128xf32, #tpu.memory_space<hbm>>) dst(%dma_wait3A_536 : memref<80x128xf32, #tpu.memory_space<vmem>>)
      %dma_start3A_543 = arith.constant 1 : i32
      %dma_start3A_544 = arith.constant 7 : i32
      %dma_start3A_545 = arith.constant 0 : i32
      %dma_start3A_546 = arith.constant 0 : i32
      %dma_start3A_547 = tpu.memref_slice %arg10[%dma_start3A_543, %dma_start3A_545, %dma_start3A_546] : memref<3x80x128xf32, #tpu.memory_space<vmem>> -> memref<1x80x128xf32, #tpu.memory_space<vmem>>
      %dma_start3A_548 = tpu.memref_squeeze %dma_start3A_547 : memref<1x80x128xf32, #tpu.memory_space<vmem>> -> memref<80x128xf32, #tpu.memory_space<vmem>>
      %dma_start3A_549 = arith.constant 0 : i32
      %dma_start3A_550 = tpu.memref_slice %arg9[%dma_start3A_544, %dma_start3A_549] : memref<25x80xi32, #tpu.memory_space<vmem>> -> memref<1x80xi32, #tpu.memory_space<vmem>>
      %dma_start3A_551 = tpu.memref_squeeze %dma_start3A_550 : memref<1x80xi32, #tpu.memory_space<vmem>> -> memref<80xi32, #tpu.memory_space<vmem>>
      %dma_start3A_552 = arith.constant 0 : i32
      %dma_start3A_553 = arith.constant 0 : i32
      %dma_start3A_554 = tpu.memref_slice %arg7[%dma_start3A_552, %dma_start3A_553] : memref<10240x128xf32, #tpu.memory_space<vmem_shared>> -> memref<10240x128xf32, #tpu.memory_space<vmem_shared>>
      tpu.enqueue_indirect_dma source(%dma_start3A_548 : memref<80x128xf32, #tpu.memory_space<vmem>>) target(%dma_start3A_554 : memref<10240x128xf32, #tpu.memory_space<vmem_shared>>) offsets(%dma_start3A_551 : memref<80xi32, #tpu.memory_space<vmem>>) semaphore(%arg16 : memref<!tpu.dma_semaphore, #tpu.memory_space<semaphore_mem>>) {add = true}
      %dma_wait3A_555 = arith.constant 0 : i32
      %dma_wait3A_556 = arith.constant 6 : i32
      %dma_wait3A_557 = arith.constant 0 : i32
      %dma_wait3A_558 = arith.constant 0 : i32
      %dma_wait3A_559 = tpu.memref_slice %arg10[%dma_wait3A_555, %dma_wait3A_557, %dma_wait3A_558] : memref<3x80x128xf32, #tpu.memory_space<vmem>> -> memref<1x80x128xf32, #tpu.memory_space<vmem>>
      %dma_wait3A_560 = tpu.memref_squeeze %dma_wait3A_559 : memref<1x80x128xf32, #tpu.memory_space<vmem>> -> memref<80x128xf32, #tpu.memory_space<vmem>>
      %dma_wait3A_561 = arith.constant 0 : i32
      %dma_wait3A_562 = tpu.memref_slice %arg9[%dma_wait3A_556, %dma_wait3A_561] : memref<25x80xi32, #tpu.memory_space<vmem>> -> memref<1x80xi32, #tpu.memory_space<vmem>>
      %dma_wait3A_563 = tpu.memref_squeeze %dma_wait3A_562 : memref<1x80xi32, #tpu.memory_space<vmem>> -> memref<80xi32, #tpu.memory_space<vmem>>
      %dma_wait3A_564 = arith.constant 0 : i32
      %dma_wait3A_565 = arith.constant 0 : i32
      %dma_wait3A_566 = tpu.memref_slice %arg7[%dma_wait3A_564, %dma_wait3A_565] : memref<10240x128xf32, #tpu.memory_space<vmem_shared>> -> memref<10240x128xf32, #tpu.memory_space<vmem_shared>>
      tpu.wait_indirect_dma semaphore(%arg15 : memref<!tpu.dma_semaphore, #tpu.memory_space<semaphore_mem>>) src(%dma_wait3A_560 : memref<80x128xf32, #tpu.memory_space<vmem>>) dst(%dma_wait3A_566 : memref<10240x128xf32, #tpu.memory_space<vmem_shared>>)
      %dma_start3A_567 = arith.constant 9 : i32
      %dma_start3A_568 = arith.constant 0 : i32
      %dma_start3A_569 = arith.constant 0 : i32
      %dma_start3A_570 = arith.constant 0 : i32
      %dma_start3A_571 = tpu.memref_slice %arg10[%dma_start3A_568, %dma_start3A_569, %dma_start3A_570] : memref<3x80x128xf32, #tpu.memory_space<vmem>> -> memref<1x80x128xf32, #tpu.memory_space<vmem>>
      %dma_start3A_572 = tpu.memref_squeeze %dma_start3A_571 : memref<1x80x128xf32, #tpu.memory_space<vmem>> -> memref<80x128xf32, #tpu.memory_space<vmem>>
      %dma_start3A_573 = arith.constant 0 : i32
      %dma_start3A_574 = tpu.memref_slice %arg8[%dma_start3A_567, %dma_start3A_573] : memref<25x80xi32, #tpu.memory_space<vmem>> -> memref<1x80xi32, #tpu.memory_space<vmem>>
      %dma_start3A_575 = tpu.memref_squeeze %dma_start3A_574 : memref<1x80xi32, #tpu.memory_space<vmem>> -> memref<80xi32, #tpu.memory_space<vmem>>
      %dma_start3A_576 = arith.constant 0 : i32
      %dma_start3A_577 = arith.constant 0 : i32
      %dma_start3A_578 = tpu.memref_slice %arg2[%dma_start3A_576, %dma_start3A_577] : memref<10000x128xf32, #tpu.memory_space<hbm>> -> memref<10000x128xf32, #tpu.memory_space<hbm>>
      tpu.enqueue_indirect_dma source(%dma_start3A_578 : memref<10000x128xf32, #tpu.memory_space<hbm>>) target(%dma_start3A_572 : memref<80x128xf32, #tpu.memory_space<vmem>>) offsets(%dma_start3A_575 : memref<80xi32, #tpu.memory_space<vmem>>) semaphore(%arg12 : memref<!tpu.dma_semaphore, #tpu.memory_space<semaphore_mem>>)
      %get3A_579 = arith.constant 8 : i32
      %get3A_580 = arith.index_cast %get3A_579 : i32 to index
      %get3A_581 = arith.constant 0 : index
      %get3A_582 = tpu.vector_load %arg9[%get3A_580, %get3A_581] {strides = array<i32>} : memref<25x80xi32, #tpu.memory_space<vmem>>, vector<16xi32>,
      tpu.vector_store_idx %arg11[%get3A_582], %broadcast_in_dim3A_9 {add = true} : memref<10240xf32, #tpu.memory_space<vmem>>[vector<16xi32>], vector<16xf32>,
      %get3A_583 = arith.constant 8 : i32
      %get3A_584 = arith.index_cast %get3A_583 : i32 to index
      %get3A_585 = arith.constant 16 : index
      %get3A_586 = tpu.vector_load %arg9[%get3A_584, %get3A_585] {strides = array<i32>} : memref<25x80xi32, #tpu.memory_space<vmem>>, vector<16xi32>,
      tpu.vector_store_idx %arg11[%get3A_586], %broadcast_in_dim3A_9 {add = true} : memref<10240xf32, #tpu.memory_space<vmem>>[vector<16xi32>], vector<16xf32>,
      %get3A_587 = arith.constant 8 : i32
      %get3A_588 = arith.index_cast %get3A_587 : i32 to index
      %get3A_589 = arith.constant 32 : index
      %get3A_590 = tpu.vector_load %arg9[%get3A_588, %get3A_589] {strides = array<i32>} : memref<25x80xi32, #tpu.memory_space<vmem>>, vector<16xi32>,
      tpu.vector_store_idx %arg11[%get3A_590], %broadcast_in_dim3A_9 {add = true} : memref<10240xf32, #tpu.memory_space<vmem>>[vector<16xi32>], vector<16xf32>,
      %get3A_591 = arith.constant 8 : i32
      %get3A_592 = arith.index_cast %get3A_591 : i32 to index
      %get3A_593 = arith.constant 48 : index
      %get3A_594 = tpu.vector_load %arg9[%get3A_592, %get3A_593] {strides = array<i32>} : memref<25x80xi32, #tpu.memory_space<vmem>>, vector<16xi32>,
      tpu.vector_store_idx %arg11[%get3A_594], %broadcast_in_dim3A_9 {add = true} : memref<10240xf32, #tpu.memory_space<vmem>>[vector<16xi32>], vector<16xf32>,
      %get3A_595 = arith.constant 8 : i32
      %get3A_596 = arith.index_cast %get3A_595 : i32 to index
      %get3A_597 = arith.constant 64 : index
      %get3A_598 = tpu.vector_load %arg9[%get3A_596, %get3A_597] {strides = array<i32>} : memref<25x80xi32, #tpu.memory_space<vmem>>, vector<16xi32>,
      tpu.vector_store_idx %arg11[%get3A_598], %broadcast_in_dim3A_9 {add = true} : memref<10240xf32, #tpu.memory_space<vmem>>[vector<16xi32>], vector<16xf32>,
      %dma_wait3A_599 = arith.constant 8 : i32
      %dma_wait3A_600 = arith.constant 2 : i32
      %dma_wait3A_601 = arith.constant 0 : i32
      %dma_wait3A_602 = arith.constant 0 : i32
      %dma_wait3A_603 = tpu.memref_slice %arg10[%dma_wait3A_600, %dma_wait3A_601, %dma_wait3A_602] : memref<3x80x128xf32, #tpu.memory_space<vmem>> -> memref<1x80x128xf32, #tpu.memory_space<vmem>>
      %dma_wait3A_604 = tpu.memref_squeeze %dma_wait3A_603 : memref<1x80x128xf32, #tpu.memory_space<vmem>> -> memref<80x128xf32, #tpu.memory_space<vmem>>
      %dma_wait3A_605 = arith.constant 0 : i32
      %dma_wait3A_606 = tpu.memref_slice %arg8[%dma_wait3A_599, %dma_wait3A_605] : memref<25x80xi32, #tpu.memory_space<vmem>> -> memref<1x80xi32, #tpu.memory_space<vmem>>
      %dma_wait3A_607 = tpu.memref_squeeze %dma_wait3A_606 : memref<1x80xi32, #tpu.memory_space<vmem>> -> memref<80xi32, #tpu.memory_space<vmem>>
      %dma_wait3A_608 = arith.constant 0 : i32
      %dma_wait3A_609 = arith.constant 0 : i32
      %dma_wait3A_610 = tpu.memref_slice %arg2[%dma_wait3A_608, %dma_wait3A_609] : memref<10000x128xf32, #tpu.memory_space<hbm>> -> memref<10000x128xf32, #tpu.memory_space<hbm>>
      tpu.wait_indirect_dma semaphore(%arg14 : memref<!tpu.dma_semaphore, #tpu.memory_space<semaphore_mem>>) src(%dma_wait3A_610 : memref<10000x128xf32, #tpu.memory_space<hbm>>) dst(%dma_wait3A_604 : memref<80x128xf32, #tpu.memory_space<vmem>>)
      %dma_start3A_611 = arith.constant 2 : i32
      %dma_start3A_612 = arith.constant 8 : i32
      %dma_start3A_613 = arith.constant 0 : i32
      %dma_start3A_614 = arith.constant 0 : i32
      %dma_start3A_615 = tpu.memref_slice %arg10[%dma_start3A_611, %dma_start3A_613, %dma_start3A_614] : memref<3x80x128xf32, #tpu.memory_space<vmem>> -> memref<1x80x128xf32, #tpu.memory_space<vmem>>
      %dma_start3A_616 = tpu.memref_squeeze %dma_start3A_615 : memref<1x80x128xf32, #tpu.memory_space<vmem>> -> memref<80x128xf32, #tpu.memory_space<vmem>>
      %dma_start3A_617 = arith.constant 0 : i32
      %dma_start3A_618 = tpu.memref_slice %arg9[%dma_start3A_612, %dma_start3A_617] : memref<25x80xi32, #tpu.memory_space<vmem>> -> memref<1x80xi32, #tpu.memory_space<vmem>>
      %dma_start3A_619 = tpu.memref_squeeze %dma_start3A_618 : memref<1x80xi32, #tpu.memory_space<vmem>> -> memref<80xi32, #tpu.memory_space<vmem>>
      %dma_start3A_620 = arith.constant 0 : i32
      %dma_start3A_621 = arith.constant 0 : i32
      %dma_start3A_622 = tpu.memref_slice %arg7[%dma_start3A_620, %dma_start3A_621] : memref<10240x128xf32, #tpu.memory_space<vmem_shared>> -> memref<10240x128xf32, #tpu.memory_space<vmem_shared>>
      tpu.enqueue_indirect_dma source(%dma_start3A_616 : memref<80x128xf32, #tpu.memory_space<vmem>>) target(%dma_start3A_622 : memref<10240x128xf32, #tpu.memory_space<vmem_shared>>) offsets(%dma_start3A_619 : memref<80xi32, #tpu.memory_space<vmem>>) semaphore(%arg17 : memref<!tpu.dma_semaphore, #tpu.memory_space<semaphore_mem>>) {add = true}
      %dma_wait3A_623 = arith.constant 1 : i32
      %dma_wait3A_624 = arith.constant 7 : i32
      %dma_wait3A_625 = arith.constant 0 : i32
      %dma_wait3A_626 = arith.constant 0 : i32
      %dma_wait3A_627 = tpu.memref_slice %arg10[%dma_wait3A_623, %dma_wait3A_625, %dma_wait3A_626] : memref<3x80x128xf32, #tpu.memory_space<vmem>> -> memref<1x80x128xf32, #tpu.memory_space<vmem>>
      %dma_wait3A_628 = tpu.memref_squeeze %dma_wait3A_627 : memref<1x80x128xf32, #tpu.memory_space<vmem>> -> memref<80x128xf32, #tpu.memory_space<vmem>>
      %dma_wait3A_629 = arith.constant 0 : i32
      %dma_wait3A_630 = tpu.memref_slice %arg9[%dma_wait3A_624, %dma_wait3A_629] : memref<25x80xi32, #tpu.memory_space<vmem>> -> memref<1x80xi32, #tpu.memory_space<vmem>>
      %dma_wait3A_631 = tpu.memref_squeeze %dma_wait3A_630 : memref<1x80xi32, #tpu.memory_space<vmem>> -> memref<80xi32, #tpu.memory_space<vmem>>
      %dma_wait3A_632 = arith.constant 0 : i32
      %dma_wait3A_633 = arith.constant 0 : i32
      %dma_wait3A_634 = tpu.memref_slice %arg7[%dma_wait3A_632, %dma_wait3A_633] : memref<10240x128xf32, #tpu.memory_space<vmem_shared>> -> memref<10240x128xf32, #tpu.memory_space<vmem_shared>>
      tpu.wait_indirect_dma semaphore(%arg16 : memref<!tpu.dma_semaphore, #tpu.memory_space<semaphore_mem>>) src(%dma_wait3A_628 : memref<80x128xf32, #tpu.memory_space<vmem>>) dst(%dma_wait3A_634 : memref<10240x128xf32, #tpu.memory_space<vmem_shared>>)
      %dma_start3A_635 = arith.constant 10 : i32
      %dma_start3A_636 = arith.constant 1 : i32
      %dma_start3A_637 = arith.constant 0 : i32
      %dma_start3A_638 = arith.constant 0 : i32
      %dma_start3A_639 = tpu.memref_slice %arg10[%dma_start3A_636, %dma_start3A_637, %dma_start3A_638] : memref<3x80x128xf32, #tpu.memory_space<vmem>> -> memref<1x80x128xf32, #tpu.memory_space<vmem>>
      %dma_start3A_640 = tpu.memref_squeeze %dma_start3A_639 : memref<1x80x128xf32, #tpu.memory_space<vmem>> -> memref<80x128xf32, #tpu.memory_space<vmem>>
      %dma_start3A_641 = arith.constant 0 : i32
      %dma_start3A_642 = tpu.memref_slice %arg8[%dma_start3A_635, %dma_start3A_641] : memref<25x80xi32, #tpu.memory_space<vmem>> -> memref<1x80xi32, #tpu.memory_space<vmem>>
      %dma_start3A_643 = tpu.memref_squeeze %dma_start3A_642 : memref<1x80xi32, #tpu.memory_space<vmem>> -> memref<80xi32, #tpu.memory_space<vmem>>
      %dma_start3A_644 = arith.constant 0 : i32
      %dma_start3A_645 = arith.constant 0 : i32
      %dma_start3A_646 = tpu.memref_slice %arg2[%dma_start3A_644, %dma_start3A_645] : memref<10000x128xf32, #tpu.memory_space<hbm>> -> memref<10000x128xf32, #tpu.memory_space<hbm>>
      tpu.enqueue_indirect_dma source(%dma_start3A_646 : memref<10000x128xf32, #tpu.memory_space<hbm>>) target(%dma_start3A_640 : memref<80x128xf32, #tpu.memory_space<vmem>>) offsets(%dma_start3A_643 : memref<80xi32, #tpu.memory_space<vmem>>) semaphore(%arg13 : memref<!tpu.dma_semaphore, #tpu.memory_space<semaphore_mem>>)
      %get3A_647 = arith.constant 9 : i32
      %get3A_648 = arith.index_cast %get3A_647 : i32 to index
      %get3A_649 = arith.constant 0 : index
      %get3A_650 = tpu.vector_load %arg9[%get3A_648, %get3A_649] {strides = array<i32>} : memref<25x80xi32, #tpu.memory_space<vmem>>, vector<16xi32>,
      tpu.vector_store_idx %arg11[%get3A_650], %broadcast_in_dim3A_9 {add = true} : memref<10240xf32, #tpu.memory_space<vmem>>[vector<16xi32>], vector<16xf32>,
      %get3A_651 = arith.constant 9 : i32
      %get3A_652 = arith.index_cast %get3A_651 : i32 to index
      %get3A_653 = arith.constant 16 : index
      %get3A_654 = tpu.vector_load %arg9[%get3A_652, %get3A_653] {strides = array<i32>} : memref<25x80xi32, #tpu.memory_space<vmem>>, vector<16xi32>,
      tpu.vector_store_idx %arg11[%get3A_654], %broadcast_in_dim3A_9 {add = true} : memref<10240xf32, #tpu.memory_space<vmem>>[vector<16xi32>], vector<16xf32>,
      %get3A_655 = arith.constant 9 : i32
      %get3A_656 = arith.index_cast %get3A_655 : i32 to index
      %get3A_657 = arith.constant 32 : index
      %get3A_658 = tpu.vector_load %arg9[%get3A_656, %get3A_657] {strides = array<i32>} : memref<25x80xi32, #tpu.memory_space<vmem>>, vector<16xi32>,
      tpu.vector_store_idx %arg11[%get3A_658], %broadcast_in_dim3A_9 {add = true} : memref<10240xf32, #tpu.memory_space<vmem>>[vector<16xi32>], vector<16xf32>,
      %get3A_659 = arith.constant 9 : i32
      %get3A_660 = arith.index_cast %get3A_659 : i32 to index
      %get3A_661 = arith.constant 48 : index
      %get3A_662 = tpu.vector_load %arg9[%get3A_660, %get3A_661] {strides = array<i32>} : memref<25x80xi32, #tpu.memory_space<vmem>>, vector<16xi32>,
      tpu.vector_store_idx %arg11[%get3A_662], %broadcast_in_dim3A_9 {add = true} : memref<10240xf32, #tpu.memory_space<vmem>>[vector<16xi32>], vector<16xf32>,
      %get3A_663 = arith.constant 9 : i32
      %get3A_664 = arith.index_cast %get3A_663 : i32 to index
      %get3A_665 = arith.constant 64 : index
      %get3A_666 = tpu.vector_load %arg9[%get3A_664, %get3A_665] {strides = array<i32>} : memref<25x80xi32, #tpu.memory_space<vmem>>, vector<16xi32>,
      tpu.vector_store_idx %arg11[%get3A_666], %broadcast_in_dim3A_9 {add = true} : memref<10240xf32, #tpu.memory_space<vmem>>[vector<16xi32>], vector<16xf32>,
      %dma_wait3A_667 = arith.constant 9 : i32
      %dma_wait3A_668 = arith.constant 0 : i32
      %dma_wait3A_669 = arith.constant 0 : i32
      %dma_wait3A_670 = arith.constant 0 : i32
      %dma_wait3A_671 = tpu.memref_slice %arg10[%dma_wait3A_668, %dma_wait3A_669, %dma_wait3A_670] : memref<3x80x128xf32, #tpu.memory_space<vmem>> -> memref<1x80x128xf32, #tpu.memory_space<vmem>>
      %dma_wait3A_672 = tpu.memref_squeeze %dma_wait3A_671 : memref<1x80x128xf32, #tpu.memory_space<vmem>> -> memref<80x128xf32, #tpu.memory_space<vmem>>
      %dma_wait3A_673 = arith.constant 0 : i32
      %dma_wait3A_674 = tpu.memref_slice %arg8[%dma_wait3A_667, %dma_wait3A_673] : memref<25x80xi32, #tpu.memory_space<vmem>> -> memref<1x80xi32, #tpu.memory_space<vmem>>
      %dma_wait3A_675 = tpu.memref_squeeze %dma_wait3A_674 : memref<1x80xi32, #tpu.memory_space<vmem>> -> memref<80xi32, #tpu.memory_space<vmem>>
      %dma_wait3A_676 = arith.constant 0 : i32
      %dma_wait3A_677 = arith.constant 0 : i32
      %dma_wait3A_678 = tpu.memref_slice %arg2[%dma_wait3A_676, %dma_wait3A_677] : memref<10000x128xf32, #tpu.memory_space<hbm>> -> memref<10000x128xf32, #tpu.memory_space<hbm>>
      tpu.wait_indirect_dma semaphore(%arg12 : memref<!tpu.dma_semaphore, #tpu.memory_space<semaphore_mem>>) src(%dma_wait3A_678 : memref<10000x128xf32, #tpu.memory_space<hbm>>) dst(%dma_wait3A_672 : memref<80x128xf32, #tpu.memory_space<vmem>>)
      %dma_start3A_679 = arith.constant 0 : i32
      %dma_start3A_680 = arith.constant 9 : i32
      %dma_start3A_681 = arith.constant 0 : i32
      %dma_start3A_682 = arith.constant 0 : i32
      %dma_start3A_683 = tpu.memref_slice %arg10[%dma_start3A_679, %dma_start3A_681, %dma_start3A_682] : memref<3x80x128xf32, #tpu.memory_space<vmem>> -> memref<1x80x128xf32, #tpu.memory_space<vmem>>
      %dma_start3A_684 = tpu.memref_squeeze %dma_start3A_683 : memref<1x80x128xf32, #tpu.memory_space<vmem>> -> memref<80x128xf32, #tpu.memory_space<vmem>>
      %dma_start3A_685 = arith.constant 0 : i32
      %dma_start3A_686 = tpu.memref_slice %arg9[%dma_start3A_680, %dma_start3A_685] : memref<25x80xi32, #tpu.memory_space<vmem>> -> memref<1x80xi32, #tpu.memory_space<vmem>>
      %dma_start3A_687 = tpu.memref_squeeze %dma_start3A_686 : memref<1x80xi32, #tpu.memory_space<vmem>> -> memref<80xi32, #tpu.memory_space<vmem>>
      %dma_start3A_688 = arith.constant 0 : i32
      %dma_start3A_689 = arith.constant 0 : i32
      %dma_start3A_690 = tpu.memref_slice %arg7[%dma_start3A_688, %dma_start3A_689] : memref<10240x128xf32, #tpu.memory_space<vmem_shared>> -> memref<10240x128xf32, #tpu.memory_space<vmem_shared>>
      tpu.enqueue_indirect_dma source(%dma_start3A_684 : memref<80x128xf32, #tpu.memory_space<vmem>>) target(%dma_start3A_690 : memref<10240x128xf32, #tpu.memory_space<vmem_shared>>) offsets(%dma_start3A_687 : memref<80xi32, #tpu.memory_space<vmem>>) semaphore(%arg15 : memref<!tpu.dma_semaphore, #tpu.memory_space<semaphore_mem>>) {add = true}
      %dma_wait3A_691 = arith.constant 2 : i32
      %dma_wait3A_692 = arith.constant 8 : i32
      %dma_wait3A_693 = arith.constant 0 : i32
      %dma_wait3A_694 = arith.constant 0 : i32
      %dma_wait3A_695 = tpu.memref_slice %arg10[%dma_wait3A_691, %dma_wait3A_693, %dma_wait3A_694] : memref<3x80x128xf32, #tpu.memory_space<vmem>> -> memref<1x80x128xf32, #tpu.memory_space<vmem>>
      %dma_wait3A_696 = tpu.memref_squeeze %dma_wait3A_695 : memref<1x80x128xf32, #tpu.memory_space<vmem>> -> memref<80x128xf32, #tpu.memory_space<vmem>>
      %dma_wait3A_697 = arith.constant 0 : i32
      %dma_wait3A_698 = tpu.memref_slice %arg9[%dma_wait3A_692, %dma_wait3A_697] : memref<25x80xi32, #tpu.memory_space<vmem>> -> memref<1x80xi32, #tpu.memory_space<vmem>>
      %dma_wait3A_699 = tpu.memref_squeeze %dma_wait3A_698 : memref<1x80xi32, #tpu.memory_space<vmem>> -> memref<80xi32, #tpu.memory_space<vmem>>
      %dma_wait3A_700 = arith.constant 0 : i32
      %dma_wait3A_701 = arith.constant 0 : i32
      %dma_wait3A_702 = tpu.memref_slice %arg7[%dma_wait3A_700, %dma_wait3A_701] : memref<10240x128xf32, #tpu.memory_space<vmem_shared>> -> memref<10240x128xf32, #tpu.memory_space<vmem_shared>>
      tpu.wait_indirect_dma semaphore(%arg17 : memref<!tpu.dma_semaphore, #tpu.memory_space<semaphore_mem>>) src(%dma_wait3A_696 : memref<80x128xf32, #tpu.memory_space<vmem>>) dst(%dma_wait3A_702 : memref<10240x128xf32, #tpu.memory_space<vmem_shared>>)
      %dma_start3A_703 = arith.constant 11 : i32
      %dma_start3A_704 = arith.constant 2 : i32
      %dma_start3A_705 = arith.constant 0 : i32
      %dma_start3A_706 = arith.constant 0 : i32
      %dma_start3A_707 = tpu.memref_slice %arg10[%dma_start3A_704, %dma_start3A_705, %dma_start3A_706] : memref<3x80x128xf32, #tpu.memory_space<vmem>> -> memref<1x80x128xf32, #tpu.memory_space<vmem>>
      %dma_start3A_708 = tpu.memref_squeeze %dma_start3A_707 : memref<1x80x128xf32, #tpu.memory_space<vmem>> -> memref<80x128xf32, #tpu.memory_space<vmem>>
      %dma_start3A_709 = arith.constant 0 : i32
      %dma_start3A_710 = tpu.memref_slice %arg8[%dma_start3A_703, %dma_start3A_709] : memref<25x80xi32, #tpu.memory_space<vmem>> -> memref<1x80xi32, #tpu.memory_space<vmem>>
      %dma_start3A_711 = tpu.memref_squeeze %dma_start3A_710 : memref<1x80xi32, #tpu.memory_space<vmem>> -> memref<80xi32, #tpu.memory_space<vmem>>
      %dma_start3A_712 = arith.constant 0 : i32
      %dma_start3A_713 = arith.constant 0 : i32
      %dma_start3A_714 = tpu.memref_slice %arg2[%dma_start3A_712, %dma_start3A_713] : memref<10000x128xf32, #tpu.memory_space<hbm>> -> memref<10000x128xf32, #tpu.memory_space<hbm>>
      tpu.enqueue_indirect_dma source(%dma_start3A_714 : memref<10000x128xf32, #tpu.memory_space<hbm>>) target(%dma_start3A_708 : memref<80x128xf32, #tpu.memory_space<vmem>>) offsets(%dma_start3A_711 : memref<80xi32, #tpu.memory_space<vmem>>) semaphore(%arg14 : memref<!tpu.dma_semaphore, #tpu.memory_space<semaphore_mem>>)
      %get3A_715 = arith.constant 10 : i32
      %get3A_716 = arith.index_cast %get3A_715 : i32 to index
      %get3A_717 = arith.constant 0 : index
      %get3A_718 = tpu.vector_load %arg9[%get3A_716, %get3A_717] {strides = array<i32>} : memref<25x80xi32, #tpu.memory_space<vmem>>, vector<16xi32>,
      tpu.vector_store_idx %arg11[%get3A_718], %broadcast_in_dim3A_9 {add = true} : memref<10240xf32, #tpu.memory_space<vmem>>[vector<16xi32>], vector<16xf32>,
      %get3A_719 = arith.constant 10 : i32
      %get3A_720 = arith.index_cast %get3A_719 : i32 to index
      %get3A_721 = arith.constant 16 : index
      %get3A_722 = tpu.vector_load %arg9[%get3A_720, %get3A_721] {strides = array<i32>} : memref<25x80xi32, #tpu.memory_space<vmem>>, vector<16xi32>,
      tpu.vector_store_idx %arg11[%get3A_722], %broadcast_in_dim3A_9 {add = true} : memref<10240xf32, #tpu.memory_space<vmem>>[vector<16xi32>], vector<16xf32>,
      %get3A_723 = arith.constant 10 : i32
      %get3A_724 = arith.index_cast %get3A_723 : i32 to index
      %get3A_725 = arith.constant 32 : index
      %get3A_726 = tpu.vector_load %arg9[%get3A_724, %get3A_725] {strides = array<i32>} : memref<25x80xi32, #tpu.memory_space<vmem>>, vector<16xi32>,
      tpu.vector_store_idx %arg11[%get3A_726], %broadcast_in_dim3A_9 {add = true} : memref<10240xf32, #tpu.memory_space<vmem>>[vector<16xi32>], vector<16xf32>,
      %get3A_727 = arith.constant 10 : i32
      %get3A_728 = arith.index_cast %get3A_727 : i32 to index
      %get3A_729 = arith.constant 48 : index
      %get3A_730 = tpu.vector_load %arg9[%get3A_728, %get3A_729] {strides = array<i32>} : memref<25x80xi32, #tpu.memory_space<vmem>>, vector<16xi32>,
      tpu.vector_store_idx %arg11[%get3A_730], %broadcast_in_dim3A_9 {add = true} : memref<10240xf32, #tpu.memory_space<vmem>>[vector<16xi32>], vector<16xf32>,
      %get3A_731 = arith.constant 10 : i32
      %get3A_732 = arith.index_cast %get3A_731 : i32 to index
      %get3A_733 = arith.constant 64 : index
      %get3A_734 = tpu.vector_load %arg9[%get3A_732, %get3A_733] {strides = array<i32>} : memref<25x80xi32, #tpu.memory_space<vmem>>, vector<16xi32>,
      tpu.vector_store_idx %arg11[%get3A_734], %broadcast_in_dim3A_9 {add = true} : memref<10240xf32, #tpu.memory_space<vmem>>[vector<16xi32>], vector<16xf32>,
      %dma_wait3A_735 = arith.constant 10 : i32
      %dma_wait3A_736 = arith.constant 1 : i32
      %dma_wait3A_737 = arith.constant 0 : i32
      %dma_wait3A_738 = arith.constant 0 : i32
      %dma_wait3A_739 = tpu.memref_slice %arg10[%dma_wait3A_736, %dma_wait3A_737, %dma_wait3A_738] : memref<3x80x128xf32, #tpu.memory_space<vmem>> -> memref<1x80x128xf32, #tpu.memory_space<vmem>>
      %dma_wait3A_740 = tpu.memref_squeeze %dma_wait3A_739 : memref<1x80x128xf32, #tpu.memory_space<vmem>> -> memref<80x128xf32, #tpu.memory_space<vmem>>
      %dma_wait3A_741 = arith.constant 0 : i32
      %dma_wait3A_742 = tpu.memref_slice %arg8[%dma_wait3A_735, %dma_wait3A_741] : memref<25x80xi32, #tpu.memory_space<vmem>> -> memref<1x80xi32, #tpu.memory_space<vmem>>
      %dma_wait3A_743 = tpu.memref_squeeze %dma_wait3A_742 : memref<1x80xi32, #tpu.memory_space<vmem>> -> memref<80xi32, #tpu.memory_space<vmem>>
      %dma_wait3A_744 = arith.constant 0 : i32
      %dma_wait3A_745 = arith.constant 0 : i32
      %dma_wait3A_746 = tpu.memref_slice %arg2[%dma_wait3A_744, %dma_wait3A_745] : memref<10000x128xf32, #tpu.memory_space<hbm>> -> memref<10000x128xf32, #tpu.memory_space<hbm>>
      tpu.wait_indirect_dma semaphore(%arg13 : memref<!tpu.dma_semaphore, #tpu.memory_space<semaphore_mem>>) src(%dma_wait3A_746 : memref<10000x128xf32, #tpu.memory_space<hbm>>) dst(%dma_wait3A_740 : memref<80x128xf32, #tpu.memory_space<vmem>>)
      %dma_start3A_747 = arith.constant 1 : i32
      %dma_start3A_748 = arith.constant 10 : i32
      %dma_start3A_749 = arith.constant 0 : i32
      %dma_start3A_750 = arith.constant 0 : i32
      %dma_start3A_751 = tpu.memref_slice %arg10[%dma_start3A_747, %dma_start3A_749, %dma_start3A_750] : memref<3x80x128xf32, #tpu.memory_space<vmem>> -> memref<1x80x128xf32, #tpu.memory_space<vmem>>
      %dma_start3A_752 = tpu.memref_squeeze %dma_start3A_751 : memref<1x80x128xf32, #tpu.memory_space<vmem>> -> memref<80x128xf32, #tpu.memory_space<vmem>>
      %dma_start3A_753 = arith.constant 0 : i32
      %dma_start3A_754 = tpu.memref_slice %arg9[%dma_start3A_748, %dma_start3A_753] : memref<25x80xi32, #tpu.memory_space<vmem>> -> memref<1x80xi32, #tpu.memory_space<vmem>>
      %dma_start3A_755 = tpu.memref_squeeze %dma_start3A_754 : memref<1x80xi32, #tpu.memory_space<vmem>> -> memref<80xi32, #tpu.memory_space<vmem>>
      %dma_start3A_756 = arith.constant 0 : i32
      %dma_start3A_757 = arith.constant 0 : i32
      %dma_start3A_758 = tpu.memref_slice %arg7[%dma_start3A_756, %dma_start3A_757] : memref<10240x128xf32, #tpu.memory_space<vmem_shared>> -> memref<10240x128xf32, #tpu.memory_space<vmem_shared>>
      tpu.enqueue_indirect_dma source(%dma_start3A_752 : memref<80x128xf32, #tpu.memory_space<vmem>>) target(%dma_start3A_758 : memref<10240x128xf32, #tpu.memory_space<vmem_shared>>) offsets(%dma_start3A_755 : memref<80xi32, #tpu.memory_space<vmem>>) semaphore(%arg16 : memref<!tpu.dma_semaphore, #tpu.memory_space<semaphore_mem>>) {add = true}
      %dma_wait3A_759 = arith.constant 0 : i32
      %dma_wait3A_760 = arith.constant 9 : i32
      %dma_wait3A_761 = arith.constant 0 : i32
      %dma_wait3A_762 = arith.constant 0 : i32
      %dma_wait3A_763 = tpu.memref_slice %arg10[%dma_wait3A_759, %dma_wait3A_761, %dma_wait3A_762] : memref<3x80x128xf32, #tpu.memory_space<vmem>> -> memref<1x80x128xf32, #tpu.memory_space<vmem>>
      %dma_wait3A_764 = tpu.memref_squeeze %dma_wait3A_763 : memref<1x80x128xf32, #tpu.memory_space<vmem>> -> memref<80x128xf32, #tpu.memory_space<vmem>>
      %dma_wait3A_765 = arith.constant 0 : i32
      %dma_wait3A_766 = tpu.memref_slice %arg9[%dma_wait3A_760, %dma_wait3A_765] : memref<25x80xi32, #tpu.memory_space<vmem>> -> memref<1x80xi32, #tpu.memory_space<vmem>>
      %dma_wait3A_767 = tpu.memref_squeeze %dma_wait3A_766 : memref<1x80xi32, #tpu.memory_space<vmem>> -> memref<80xi32, #tpu.memory_space<vmem>>
      %dma_wait3A_768 = arith.constant 0 : i32
      %dma_wait3A_769 = arith.constant 0 : i32
      %dma_wait3A_770 = tpu.memref_slice %arg7[%dma_wait3A_768, %dma_wait3A_769] : memref<10240x128xf32, #tpu.memory_space<vmem_shared>> -> memref<10240x128xf32, #tpu.memory_space<vmem_shared>>
      tpu.wait_indirect_dma semaphore(%arg15 : memref<!tpu.dma_semaphore, #tpu.memory_space<semaphore_mem>>) src(%dma_wait3A_764 : memref<80x128xf32, #tpu.memory_space<vmem>>) dst(%dma_wait3A_770 : memref<10240x128xf32, #tpu.memory_space<vmem_shared>>)
      %dma_start3A_771 = arith.constant 12 : i32
      %dma_start3A_772 = arith.constant 0 : i32
      %dma_start3A_773 = arith.constant 0 : i32
      %dma_start3A_774 = arith.constant 0 : i32
      %dma_start3A_775 = tpu.memref_slice %arg10[%dma_start3A_772, %dma_start3A_773, %dma_start3A_774] : memref<3x80x128xf32, #tpu.memory_space<vmem>> -> memref<1x80x128xf32, #tpu.memory_space<vmem>>
      %dma_start3A_776 = tpu.memref_squeeze %dma_start3A_775 : memref<1x80x128xf32, #tpu.memory_space<vmem>> -> memref<80x128xf32, #tpu.memory_space<vmem>>
      %dma_start3A_777 = arith.constant 0 : i32
      %dma_start3A_778 = tpu.memref_slice %arg8[%dma_start3A_771, %dma_start3A_777] : memref<25x80xi32, #tpu.memory_space<vmem>> -> memref<1x80xi32, #tpu.memory_space<vmem>>
      %dma_start3A_779 = tpu.memref_squeeze %dma_start3A_778 : memref<1x80xi32, #tpu.memory_space<vmem>> -> memref<80xi32, #tpu.memory_space<vmem>>
      %dma_start3A_780 = arith.constant 0 : i32
      %dma_start3A_781 = arith.constant 0 : i32
      %dma_start3A_782 = tpu.memref_slice %arg2[%dma_start3A_780, %dma_start3A_781] : memref<10000x128xf32, #tpu.memory_space<hbm>> -> memref<10000x128xf32, #tpu.memory_space<hbm>>
      tpu.enqueue_indirect_dma source(%dma_start3A_782 : memref<10000x128xf32, #tpu.memory_space<hbm>>) target(%dma_start3A_776 : memref<80x128xf32, #tpu.memory_space<vmem>>) offsets(%dma_start3A_779 : memref<80xi32, #tpu.memory_space<vmem>>) semaphore(%arg12 : memref<!tpu.dma_semaphore, #tpu.memory_space<semaphore_mem>>)
      %get3A_783 = arith.constant 11 : i32
      %get3A_784 = arith.index_cast %get3A_783 : i32 to index
      %get3A_785 = arith.constant 0 : index
      %get3A_786 = tpu.vector_load %arg9[%get3A_784, %get3A_785] {strides = array<i32>} : memref<25x80xi32, #tpu.memory_space<vmem>>, vector<16xi32>,
      tpu.vector_store_idx %arg11[%get3A_786], %broadcast_in_dim3A_9 {add = true} : memref<10240xf32, #tpu.memory_space<vmem>>[vector<16xi32>], vector<16xf32>,
      %get3A_787 = arith.constant 11 : i32
      %get3A_788 = arith.index_cast %get3A_787 : i32 to index
      %get3A_789 = arith.constant 16 : index
      %get3A_790 = tpu.vector_load %arg9[%get3A_788, %get3A_789] {strides = array<i32>} : memref<25x80xi32, #tpu.memory_space<vmem>>, vector<16xi32>,
      tpu.vector_store_idx %arg11[%get3A_790], %broadcast_in_dim3A_9 {add = true} : memref<10240xf32, #tpu.memory_space<vmem>>[vector<16xi32>], vector<16xf32>,
      %get3A_791 = arith.constant 11 : i32
      %get3A_792 = arith.index_cast %get3A_791 : i32 to index
      %get3A_793 = arith.constant 32 : index
      %get3A_794 = tpu.vector_load %arg9[%get3A_792, %get3A_793] {strides = array<i32>} : memref<25x80xi32, #tpu.memory_space<vmem>>, vector<16xi32>,
      tpu.vector_store_idx %arg11[%get3A_794], %broadcast_in_dim3A_9 {add = true} : memref<10240xf32, #tpu.memory_space<vmem>>[vector<16xi32>], vector<16xf32>,
      %get3A_795 = arith.constant 11 : i32
      %get3A_796 = arith.index_cast %get3A_795 : i32 to index
      %get3A_797 = arith.constant 48 : index
      %get3A_798 = tpu.vector_load %arg9[%get3A_796, %get3A_797] {strides = array<i32>} : memref<25x80xi32, #tpu.memory_space<vmem>>, vector<16xi32>,
      tpu.vector_store_idx %arg11[%get3A_798], %broadcast_in_dim3A_9 {add = true} : memref<10240xf32, #tpu.memory_space<vmem>>[vector<16xi32>], vector<16xf32>,
      %get3A_799 = arith.constant 11 : i32
      %get3A_800 = arith.index_cast %get3A_799 : i32 to index
      %get3A_801 = arith.constant 64 : index
      %get3A_802 = tpu.vector_load %arg9[%get3A_800, %get3A_801] {strides = array<i32>} : memref<25x80xi32, #tpu.memory_space<vmem>>, vector<16xi32>,
      tpu.vector_store_idx %arg11[%get3A_802], %broadcast_in_dim3A_9 {add = true} : memref<10240xf32, #tpu.memory_space<vmem>>[vector<16xi32>], vector<16xf32>,
      %dma_wait3A_803 = arith.constant 11 : i32
      %dma_wait3A_804 = arith.constant 2 : i32
      %dma_wait3A_805 = arith.constant 0 : i32
      %dma_wait3A_806 = arith.constant 0 : i32
      %dma_wait3A_807 = tpu.memref_slice %arg10[%dma_wait3A_804, %dma_wait3A_805, %dma_wait3A_806] : memref<3x80x128xf32, #tpu.memory_space<vmem>> -> memref<1x80x128xf32, #tpu.memory_space<vmem>>
      %dma_wait3A_808 = tpu.memref_squeeze %dma_wait3A_807 : memref<1x80x128xf32, #tpu.memory_space<vmem>> -> memref<80x128xf32, #tpu.memory_space<vmem>>
      %dma_wait3A_809 = arith.constant 0 : i32
      %dma_wait3A_810 = tpu.memref_slice %arg8[%dma_wait3A_803, %dma_wait3A_809] : memref<25x80xi32, #tpu.memory_space<vmem>> -> memref<1x80xi32, #tpu.memory_space<vmem>>
      %dma_wait3A_811 = tpu.memref_squeeze %dma_wait3A_810 : memref<1x80xi32, #tpu.memory_space<vmem>> -> memref<80xi32, #tpu.memory_space<vmem>>
      %dma_wait3A_812 = arith.constant 0 : i32
      %dma_wait3A_813 = arith.constant 0 : i32
      %dma_wait3A_814 = tpu.memref_slice %arg2[%dma_wait3A_812, %dma_wait3A_813] : memref<10000x128xf32, #tpu.memory_space<hbm>> -> memref<10000x128xf32, #tpu.memory_space<hbm>>
      tpu.wait_indirect_dma semaphore(%arg14 : memref<!tpu.dma_semaphore, #tpu.memory_space<semaphore_mem>>) src(%dma_wait3A_814 : memref<10000x128xf32, #tpu.memory_space<hbm>>) dst(%dma_wait3A_808 : memref<80x128xf32, #tpu.memory_space<vmem>>)
      %dma_start3A_815 = arith.constant 2 : i32
      %dma_start3A_816 = arith.constant 11 : i32
      %dma_start3A_817 = arith.constant 0 : i32
      %dma_start3A_818 = arith.constant 0 : i32
      %dma_start3A_819 = tpu.memref_slice %arg10[%dma_start3A_815, %dma_start3A_817, %dma_start3A_818] : memref<3x80x128xf32, #tpu.memory_space<vmem>> -> memref<1x80x128xf32, #tpu.memory_space<vmem>>
      %dma_start3A_820 = tpu.memref_squeeze %dma_start3A_819 : memref<1x80x128xf32, #tpu.memory_space<vmem>> -> memref<80x128xf32, #tpu.memory_space<vmem>>
      %dma_start3A_821 = arith.constant 0 : i32
      %dma_start3A_822 = tpu.memref_slice %arg9[%dma_start3A_816, %dma_start3A_821] : memref<25x80xi32, #tpu.memory_space<vmem>> -> memref<1x80xi32, #tpu.memory_space<vmem>>
      %dma_start3A_823 = tpu.memref_squeeze %dma_start3A_822 : memref<1x80xi32, #tpu.memory_space<vmem>> -> memref<80xi32, #tpu.memory_space<vmem>>
      %dma_start3A_824 = arith.constant 0 : i32
      %dma_start3A_825 = arith.constant 0 : i32
      %dma_start3A_826 = tpu.memref_slice %arg7[%dma_start3A_824, %dma_start3A_825] : memref<10240x128xf32, #tpu.memory_space<vmem_shared>> -> memref<10240x128xf32, #tpu.memory_space<vmem_shared>>
      tpu.enqueue_indirect_dma source(%dma_start3A_820 : memref<80x128xf32, #tpu.memory_space<vmem>>) target(%dma_start3A_826 : memref<10240x128xf32, #tpu.memory_space<vmem_shared>>) offsets(%dma_start3A_823 : memref<80xi32, #tpu.memory_space<vmem>>) semaphore(%arg17 : memref<!tpu.dma_semaphore, #tpu.memory_space<semaphore_mem>>) {add = true}
      %dma_wait3A_827 = arith.constant 1 : i32
      %dma_wait3A_828 = arith.constant 10 : i32
      %dma_wait3A_829 = arith.constant 0 : i32
      %dma_wait3A_830 = arith.constant 0 : i32
      %dma_wait3A_831 = tpu.memref_slice %arg10[%dma_wait3A_827, %dma_wait3A_829, %dma_wait3A_830] : memref<3x80x128xf32, #tpu.memory_space<vmem>> -> memref<1x80x128xf32, #tpu.memory_space<vmem>>
      %dma_wait3A_832 = tpu.memref_squeeze %dma_wait3A_831 : memref<1x80x128xf32, #tpu.memory_space<vmem>> -> memref<80x128xf32, #tpu.memory_space<vmem>>
      %dma_wait3A_833 = arith.constant 0 : i32
      %dma_wait3A_834 = tpu.memref_slice %arg9[%dma_wait3A_828, %dma_wait3A_833] : memref<25x80xi32, #tpu.memory_space<vmem>> -> memref<1x80xi32, #tpu.memory_space<vmem>>
      %dma_wait3A_835 = tpu.memref_squeeze %dma_wait3A_834 : memref<1x80xi32, #tpu.memory_space<vmem>> -> memref<80xi32, #tpu.memory_space<vmem>>
      %dma_wait3A_836 = arith.constant 0 : i32
      %dma_wait3A_837 = arith.constant 0 : i32
      %dma_wait3A_838 = tpu.memref_slice %arg7[%dma_wait3A_836, %dma_wait3A_837] : memref<10240x128xf32, #tpu.memory_space<vmem_shared>> -> memref<10240x128xf32, #tpu.memory_space<vmem_shared>>
      tpu.wait_indirect_dma semaphore(%arg16 : memref<!tpu.dma_semaphore, #tpu.memory_space<semaphore_mem>>) src(%dma_wait3A_832 : memref<80x128xf32, #tpu.memory_space<vmem>>) dst(%dma_wait3A_838 : memref<10240x128xf32, #tpu.memory_space<vmem_shared>>)
      %dma_start3A_839 = arith.constant 13 : i32
      %dma_start3A_840 = arith.constant 1 : i32
      %dma_start3A_841 = arith.constant 0 : i32
      %dma_start3A_842 = arith.constant 0 : i32
      %dma_start3A_843 = tpu.memref_slice %arg10[%dma_start3A_840, %dma_start3A_841, %dma_start3A_842] : memref<3x80x128xf32, #tpu.memory_space<vmem>> -> memref<1x80x128xf32, #tpu.memory_space<vmem>>
      %dma_start3A_844 = tpu.memref_squeeze %dma_start3A_843 : memref<1x80x128xf32, #tpu.memory_space<vmem>> -> memref<80x128xf32, #tpu.memory_space<vmem>>
      %dma_start3A_845 = arith.constant 0 : i32
      %dma_start3A_846 = tpu.memref_slice %arg8[%dma_start3A_839, %dma_start3A_845] : memref<25x80xi32, #tpu.memory_space<vmem>> -> memref<1x80xi32, #tpu.memory_space<vmem>>
      %dma_start3A_847 = tpu.memref_squeeze %dma_start3A_846 : memref<1x80xi32, #tpu.memory_space<vmem>> -> memref<80xi32, #tpu.memory_space<vmem>>
      %dma_start3A_848 = arith.constant 0 : i32
      %dma_start3A_849 = arith.constant 0 : i32
      %dma_start3A_850 = tpu.memref_slice %arg2[%dma_start3A_848, %dma_start3A_849] : memref<10000x128xf32, #tpu.memory_space<hbm>> -> memref<10000x128xf32, #tpu.memory_space<hbm>>
      tpu.enqueue_indirect_dma source(%dma_start3A_850 : memref<10000x128xf32, #tpu.memory_space<hbm>>) target(%dma_start3A_844 : memref<80x128xf32, #tpu.memory_space<vmem>>) offsets(%dma_start3A_847 : memref<80xi32, #tpu.memory_space<vmem>>) semaphore(%arg13 : memref<!tpu.dma_semaphore, #tpu.memory_space<semaphore_mem>>)
      %get3A_851 = arith.constant 12 : i32
      %get3A_852 = arith.index_cast %get3A_851 : i32 to index
      %get3A_853 = arith.constant 0 : index
      %get3A_854 = tpu.vector_load %arg9[%get3A_852, %get3A_853] {strides = array<i32>} : memref<25x80xi32, #tpu.memory_space<vmem>>, vector<16xi32>,
      tpu.vector_store_idx %arg11[%get3A_854], %broadcast_in_dim3A_9 {add = true} : memref<10240xf32, #tpu.memory_space<vmem>>[vector<16xi32>], vector<16xf32>,
      %get3A_855 = arith.constant 12 : i32
      %get3A_856 = arith.index_cast %get3A_855 : i32 to index
      %get3A_857 = arith.constant 16 : index
      %get3A_858 = tpu.vector_load %arg9[%get3A_856, %get3A_857] {strides = array<i32>} : memref<25x80xi32, #tpu.memory_space<vmem>>, vector<16xi32>,
      tpu.vector_store_idx %arg11[%get3A_858], %broadcast_in_dim3A_9 {add = true} : memref<10240xf32, #tpu.memory_space<vmem>>[vector<16xi32>], vector<16xf32>,
      %get3A_859 = arith.constant 12 : i32
      %get3A_860 = arith.index_cast %get3A_859 : i32 to index
      %get3A_861 = arith.constant 32 : index
      %get3A_862 = tpu.vector_load %arg9[%get3A_860, %get3A_861] {strides = array<i32>} : memref<25x80xi32, #tpu.memory_space<vmem>>, vector<16xi32>,
      tpu.vector_store_idx %arg11[%get3A_862], %broadcast_in_dim3A_9 {add = true} : memref<10240xf32, #tpu.memory_space<vmem>>[vector<16xi32>], vector<16xf32>,
      %get3A_863 = arith.constant 12 : i32
      %get3A_864 = arith.index_cast %get3A_863 : i32 to index
      %get3A_865 = arith.constant 48 : index
      %get3A_866 = tpu.vector_load %arg9[%get3A_864, %get3A_865] {strides = array<i32>} : memref<25x80xi32, #tpu.memory_space<vmem>>, vector<16xi32>,
      tpu.vector_store_idx %arg11[%get3A_866], %broadcast_in_dim3A_9 {add = true} : memref<10240xf32, #tpu.memory_space<vmem>>[vector<16xi32>], vector<16xf32>,
      %get3A_867 = arith.constant 12 : i32
      %get3A_868 = arith.index_cast %get3A_867 : i32 to index
      %get3A_869 = arith.constant 64 : index
      %get3A_870 = tpu.vector_load %arg9[%get3A_868, %get3A_869] {strides = array<i32>} : memref<25x80xi32, #tpu.memory_space<vmem>>, vector<16xi32>,
      tpu.vector_store_idx %arg11[%get3A_870], %broadcast_in_dim3A_9 {add = true} : memref<10240xf32, #tpu.memory_space<vmem>>[vector<16xi32>], vector<16xf32>,
      %dma_wait3A_871 = arith.constant 12 : i32
      %dma_wait3A_872 = arith.constant 0 : i32
      %dma_wait3A_873 = arith.constant 0 : i32
      %dma_wait3A_874 = arith.constant 0 : i32
      %dma_wait3A_875 = tpu.memref_slice %arg10[%dma_wait3A_872, %dma_wait3A_873, %dma_wait3A_874] : memref<3x80x128xf32, #tpu.memory_space<vmem>> -> memref<1x80x128xf32, #tpu.memory_space<vmem>>
      %dma_wait3A_876 = tpu.memref_squeeze %dma_wait3A_875 : memref<1x80x128xf32, #tpu.memory_space<vmem>> -> memref<80x128xf32, #tpu.memory_space<vmem>>
      %dma_wait3A_877 = arith.constant 0 : i32
      %dma_wait3A_878 = tpu.memref_slice %arg8[%dma_wait3A_871, %dma_wait3A_877] : memref<25x80xi32, #tpu.memory_space<vmem>> -> memref<1x80xi32, #tpu.memory_space<vmem>>
      %dma_wait3A_879 = tpu.memref_squeeze %dma_wait3A_878 : memref<1x80xi32, #tpu.memory_space<vmem>> -> memref<80xi32, #tpu.memory_space<vmem>>
      %dma_wait3A_880 = arith.constant 0 : i32
      %dma_wait3A_881 = arith.constant 0 : i32
      %dma_wait3A_882 = tpu.memref_slice %arg2[%dma_wait3A_880, %dma_wait3A_881] : memref<10000x128xf32, #tpu.memory_space<hbm>> -> memref<10000x128xf32, #tpu.memory_space<hbm>>
      tpu.wait_indirect_dma semaphore(%arg12 : memref<!tpu.dma_semaphore, #tpu.memory_space<semaphore_mem>>) src(%dma_wait3A_882 : memref<10000x128xf32, #tpu.memory_space<hbm>>) dst(%dma_wait3A_876 : memref<80x128xf32, #tpu.memory_space<vmem>>)
      %dma_start3A_883 = arith.constant 0 : i32
      %dma_start3A_884 = arith.constant 12 : i32
      %dma_start3A_885 = arith.constant 0 : i32
      %dma_start3A_886 = arith.constant 0 : i32
      %dma_start3A_887 = tpu.memref_slice %arg10[%dma_start3A_883, %dma_start3A_885, %dma_start3A_886] : memref<3x80x128xf32, #tpu.memory_space<vmem>> -> memref<1x80x128xf32, #tpu.memory_space<vmem>>
      %dma_start3A_888 = tpu.memref_squeeze %dma_start3A_887 : memref<1x80x128xf32, #tpu.memory_space<vmem>> -> memref<80x128xf32, #tpu.memory_space<vmem>>
      %dma_start3A_889 = arith.constant 0 : i32
      %dma_start3A_890 = tpu.memref_slice %arg9[%dma_start3A_884, %dma_start3A_889] : memref<25x80xi32, #tpu.memory_space<vmem>> -> memref<1x80xi32, #tpu.memory_space<vmem>>
      %dma_start3A_891 = tpu.memref_squeeze %dma_start3A_890 : memref<1x80xi32, #tpu.memory_space<vmem>> -> memref<80xi32, #tpu.memory_space<vmem>>
      %dma_start3A_892 = arith.constant 0 : i32
      %dma_start3A_893 = arith.constant 0 : i32
      %dma_start3A_894 = tpu.memref_slice %arg7[%dma_start3A_892, %dma_start3A_893] : memref<10240x128xf32, #tpu.memory_space<vmem_shared>> -> memref<10240x128xf32, #tpu.memory_space<vmem_shared>>
      tpu.enqueue_indirect_dma source(%dma_start3A_888 : memref<80x128xf32, #tpu.memory_space<vmem>>) target(%dma_start3A_894 : memref<10240x128xf32, #tpu.memory_space<vmem_shared>>) offsets(%dma_start3A_891 : memref<80xi32, #tpu.memory_space<vmem>>) semaphore(%arg15 : memref<!tpu.dma_semaphore, #tpu.memory_space<semaphore_mem>>) {add = true}
      %dma_wait3A_895 = arith.constant 2 : i32
      %dma_wait3A_896 = arith.constant 11 : i32
      %dma_wait3A_897 = arith.constant 0 : i32
      %dma_wait3A_898 = arith.constant 0 : i32
      %dma_wait3A_899 = tpu.memref_slice %arg10[%dma_wait3A_895, %dma_wait3A_897, %dma_wait3A_898] : memref<3x80x128xf32, #tpu.memory_space<vmem>> -> memref<1x80x128xf32, #tpu.memory_space<vmem>>
      %dma_wait3A_900 = tpu.memref_squeeze %dma_wait3A_899 : memref<1x80x128xf32, #tpu.memory_space<vmem>> -> memref<80x128xf32, #tpu.memory_space<vmem>>
      %dma_wait3A_901 = arith.constant 0 : i32
      %dma_wait3A_902 = tpu.memref_slice %arg9[%dma_wait3A_896, %dma_wait3A_901] : memref<25x80xi32, #tpu.memory_space<vmem>> -> memref<1x80xi32, #tpu.memory_space<vmem>>
      %dma_wait3A_903 = tpu.memref_squeeze %dma_wait3A_902 : memref<1x80xi32, #tpu.memory_space<vmem>> -> memref<80xi32, #tpu.memory_space<vmem>>
      %dma_wait3A_904 = arith.constant 0 : i32
      %dma_wait3A_905 = arith.constant 0 : i32
      %dma_wait3A_906 = tpu.memref_slice %arg7[%dma_wait3A_904, %dma_wait3A_905] : memref<10240x128xf32, #tpu.memory_space<vmem_shared>> -> memref<10240x128xf32, #tpu.memory_space<vmem_shared>>
      tpu.wait_indirect_dma semaphore(%arg17 : memref<!tpu.dma_semaphore, #tpu.memory_space<semaphore_mem>>) src(%dma_wait3A_900 : memref<80x128xf32, #tpu.memory_space<vmem>>) dst(%dma_wait3A_906 : memref<10240x128xf32, #tpu.memory_space<vmem_shared>>)
      %dma_start3A_907 = arith.constant 14 : i32
      %dma_start3A_908 = arith.constant 2 : i32
      %dma_start3A_909 = arith.constant 0 : i32
      %dma_start3A_910 = arith.constant 0 : i32
      %dma_start3A_911 = tpu.memref_slice %arg10[%dma_start3A_908, %dma_start3A_909, %dma_start3A_910] : memref<3x80x128xf32, #tpu.memory_space<vmem>> -> memref<1x80x128xf32, #tpu.memory_space<vmem>>
      %dma_start3A_912 = tpu.memref_squeeze %dma_start3A_911 : memref<1x80x128xf32, #tpu.memory_space<vmem>> -> memref<80x128xf32, #tpu.memory_space<vmem>>
      %dma_start3A_913 = arith.constant 0 : i32
      %dma_start3A_914 = tpu.memref_slice %arg8[%dma_start3A_907, %dma_start3A_913] : memref<25x80xi32, #tpu.memory_space<vmem>> -> memref<1x80xi32, #tpu.memory_space<vmem>>
      %dma_start3A_915 = tpu.memref_squeeze %dma_start3A_914 : memref<1x80xi32, #tpu.memory_space<vmem>> -> memref<80xi32, #tpu.memory_space<vmem>>
      %dma_start3A_916 = arith.constant 0 : i32
      %dma_start3A_917 = arith.constant 0 : i32
      %dma_start3A_918 = tpu.memref_slice %arg2[%dma_start3A_916, %dma_start3A_917] : memref<10000x128xf32, #tpu.memory_space<hbm>> -> memref<10000x128xf32, #tpu.memory_space<hbm>>
      tpu.enqueue_indirect_dma source(%dma_start3A_918 : memref<10000x128xf32, #tpu.memory_space<hbm>>) target(%dma_start3A_912 : memref<80x128xf32, #tpu.memory_space<vmem>>) offsets(%dma_start3A_915 : memref<80xi32, #tpu.memory_space<vmem>>) semaphore(%arg14 : memref<!tpu.dma_semaphore, #tpu.memory_space<semaphore_mem>>)
      %get3A_919 = arith.constant 13 : i32
      %get3A_920 = arith.index_cast %get3A_919 : i32 to index
      %get3A_921 = arith.constant 0 : index
      %get3A_922 = tpu.vector_load %arg9[%get3A_920, %get3A_921] {strides = array<i32>} : memref<25x80xi32, #tpu.memory_space<vmem>>, vector<16xi32>,
      tpu.vector_store_idx %arg11[%get3A_922], %broadcast_in_dim3A_9 {add = true} : memref<10240xf32, #tpu.memory_space<vmem>>[vector<16xi32>], vector<16xf32>,
      %get3A_923 = arith.constant 13 : i32
      %get3A_924 = arith.index_cast %get3A_923 : i32 to index
      %get3A_925 = arith.constant 16 : index
      %get3A_926 = tpu.vector_load %arg9[%get3A_924, %get3A_925] {strides = array<i32>} : memref<25x80xi32, #tpu.memory_space<vmem>>, vector<16xi32>,
      tpu.vector_store_idx %arg11[%get3A_926], %broadcast_in_dim3A_9 {add = true} : memref<10240xf32, #tpu.memory_space<vmem>>[vector<16xi32>], vector<16xf32>,
      %get3A_927 = arith.constant 13 : i32
      %get3A_928 = arith.index_cast %get3A_927 : i32 to index
      %get3A_929 = arith.constant 32 : index
      %get3A_930 = tpu.vector_load %arg9[%get3A_928, %get3A_929] {strides = array<i32>} : memref<25x80xi32, #tpu.memory_space<vmem>>, vector<16xi32>,
      tpu.vector_store_idx %arg11[%get3A_930], %broadcast_in_dim3A_9 {add = true} : memref<10240xf32, #tpu.memory_space<vmem>>[vector<16xi32>], vector<16xf32>,
      %get3A_931 = arith.constant 13 : i32
      %get3A_932 = arith.index_cast %get3A_931 : i32 to index
      %get3A_933 = arith.constant 48 : index
      %get3A_934 = tpu.vector_load %arg9[%get3A_932, %get3A_933] {strides = array<i32>} : memref<25x80xi32, #tpu.memory_space<vmem>>, vector<16xi32>,
      tpu.vector_store_idx %arg11[%get3A_934], %broadcast_in_dim3A_9 {add = true} : memref<10240xf32, #tpu.memory_space<vmem>>[vector<16xi32>], vector<16xf32>,
      %get3A_935 = arith.constant 13 : i32
      %get3A_936 = arith.index_cast %get3A_935 : i32 to index
      %get3A_937 = arith.constant 64 : index
      %get3A_938 = tpu.vector_load %arg9[%get3A_936, %get3A_937] {strides = array<i32>} : memref<25x80xi32, #tpu.memory_space<vmem>>, vector<16xi32>,
      tpu.vector_store_idx %arg11[%get3A_938], %broadcast_in_dim3A_9 {add = true} : memref<10240xf32, #tpu.memory_space<vmem>>[vector<16xi32>], vector<16xf32>,
      %dma_wait3A_939 = arith.constant 13 : i32
      %dma_wait3A_940 = arith.constant 1 : i32
      %dma_wait3A_941 = arith.constant 0 : i32
      %dma_wait3A_942 = arith.constant 0 : i32
      %dma_wait3A_943 = tpu.memref_slice %arg10[%dma_wait3A_940, %dma_wait3A_941, %dma_wait3A_942] : memref<3x80x128xf32, #tpu.memory_space<vmem>> -> memref<1x80x128xf32, #tpu.memory_space<vmem>>
      %dma_wait3A_944 = tpu.memref_squeeze %dma_wait3A_943 : memref<1x80x128xf32, #tpu.memory_space<vmem>> -> memref<80x128xf32, #tpu.memory_space<vmem>>
      %dma_wait3A_945 = arith.constant 0 : i32
      %dma_wait3A_946 = tpu.memref_slice %arg8[%dma_wait3A_939, %dma_wait3A_945] : memref<25x80xi32, #tpu.memory_space<vmem>> -> memref<1x80xi32, #tpu.memory_space<vmem>>
      %dma_wait3A_947 = tpu.memref_squeeze %dma_wait3A_946 : memref<1x80xi32, #tpu.memory_space<vmem>> -> memref<80xi32, #tpu.memory_space<vmem>>
      %dma_wait3A_948 = arith.constant 0 : i32
      %dma_wait3A_949 = arith.constant 0 : i32
      %dma_wait3A_950 = tpu.memref_slice %arg2[%dma_wait3A_948, %dma_wait3A_949] : memref<10000x128xf32, #tpu.memory_space<hbm>> -> memref<10000x128xf32, #tpu.memory_space<hbm>>
      tpu.wait_indirect_dma semaphore(%arg13 : memref<!tpu.dma_semaphore, #tpu.memory_space<semaphore_mem>>) src(%dma_wait3A_950 : memref<10000x128xf32, #tpu.memory_space<hbm>>) dst(%dma_wait3A_944 : memref<80x128xf32, #tpu.memory_space<vmem>>)
      %dma_start3A_951 = arith.constant 1 : i32
      %dma_start3A_952 = arith.constant 13 : i32
      %dma_start3A_953 = arith.constant 0 : i32
      %dma_start3A_954 = arith.constant 0 : i32
      %dma_start3A_955 = tpu.memref_slice %arg10[%dma_start3A_951, %dma_start3A_953, %dma_start3A_954] : memref<3x80x128xf32, #tpu.memory_space<vmem>> -> memref<1x80x128xf32, #tpu.memory_space<vmem>>
      %dma_start3A_956 = tpu.memref_squeeze %dma_start3A_955 : memref<1x80x128xf32, #tpu.memory_space<vmem>> -> memref<80x128xf32, #tpu.memory_space<vmem>>
      %dma_start3A_957 = arith.constant 0 : i32
      %dma_start3A_958 = tpu.memref_slice %arg9[%dma_start3A_952, %dma_start3A_957] : memref<25x80xi32, #tpu.memory_space<vmem>> -> memref<1x80xi32, #tpu.memory_space<vmem>>
      %dma_start3A_959 = tpu.memref_squeeze %dma_start3A_958 : memref<1x80xi32, #tpu.memory_space<vmem>> -> memref<80xi32, #tpu.memory_space<vmem>>
      %dma_start3A_960 = arith.constant 0 : i32
      %dma_start3A_961 = arith.constant 0 : i32
      %dma_start3A_962 = tpu.memref_slice %arg7[%dma_start3A_960, %dma_start3A_961] : memref<10240x128xf32, #tpu.memory_space<vmem_shared>> -> memref<10240x128xf32, #tpu.memory_space<vmem_shared>>
      tpu.enqueue_indirect_dma source(%dma_start3A_956 : memref<80x128xf32, #tpu.memory_space<vmem>>) target(%dma_start3A_962 : memref<10240x128xf32, #tpu.memory_space<vmem_shared>>) offsets(%dma_start3A_959 : memref<80xi32, #tpu.memory_space<vmem>>) semaphore(%arg16 : memref<!tpu.dma_semaphore, #tpu.memory_space<semaphore_mem>>) {add = true}
      %dma_wait3A_963 = arith.constant 0 : i32
      %dma_wait3A_964 = arith.constant 12 : i32
      %dma_wait3A_965 = arith.constant 0 : i32
      %dma_wait3A_966 = arith.constant 0 : i32
      %dma_wait3A_967 = tpu.memref_slice %arg10[%dma_wait3A_963, %dma_wait3A_965, %dma_wait3A_966] : memref<3x80x128xf32, #tpu.memory_space<vmem>> -> memref<1x80x128xf32, #tpu.memory_space<vmem>>
      %dma_wait3A_968 = tpu.memref_squeeze %dma_wait3A_967 : memref<1x80x128xf32, #tpu.memory_space<vmem>> -> memref<80x128xf32, #tpu.memory_space<vmem>>
      %dma_wait3A_969 = arith.constant 0 : i32
      %dma_wait3A_970 = tpu.memref_slice %arg9[%dma_wait3A_964, %dma_wait3A_969] : memref<25x80xi32, #tpu.memory_space<vmem>> -> memref<1x80xi32, #tpu.memory_space<vmem>>
      %dma_wait3A_971 = tpu.memref_squeeze %dma_wait3A_970 : memref<1x80xi32, #tpu.memory_space<vmem>> -> memref<80xi32, #tpu.memory_space<vmem>>
      %dma_wait3A_972 = arith.constant 0 : i32
      %dma_wait3A_973 = arith.constant 0 : i32
      %dma_wait3A_974 = tpu.memref_slice %arg7[%dma_wait3A_972, %dma_wait3A_973] : memref<10240x128xf32, #tpu.memory_space<vmem_shared>> -> memref<10240x128xf32, #tpu.memory_space<vmem_shared>>
      tpu.wait_indirect_dma semaphore(%arg15 : memref<!tpu.dma_semaphore, #tpu.memory_space<semaphore_mem>>) src(%dma_wait3A_968 : memref<80x128xf32, #tpu.memory_space<vmem>>) dst(%dma_wait3A_974 : memref<10240x128xf32, #tpu.memory_space<vmem_shared>>)
      %dma_start3A_975 = arith.constant 15 : i32
      %dma_start3A_976 = arith.constant 0 : i32
      %dma_start3A_977 = arith.constant 0 : i32
      %dma_start3A_978 = arith.constant 0 : i32
      %dma_start3A_979 = tpu.memref_slice %arg10[%dma_start3A_976, %dma_start3A_977, %dma_start3A_978] : memref<3x80x128xf32, #tpu.memory_space<vmem>> -> memref<1x80x128xf32, #tpu.memory_space<vmem>>
      %dma_start3A_980 = tpu.memref_squeeze %dma_start3A_979 : memref<1x80x128xf32, #tpu.memory_space<vmem>> -> memref<80x128xf32, #tpu.memory_space<vmem>>
      %dma_start3A_981 = arith.constant 0 : i32
      %dma_start3A_982 = tpu.memref_slice %arg8[%dma_start3A_975, %dma_start3A_981] : memref<25x80xi32, #tpu.memory_space<vmem>> -> memref<1x80xi32, #tpu.memory_space<vmem>>
      %dma_start3A_983 = tpu.memref_squeeze %dma_start3A_982 : memref<1x80xi32, #tpu.memory_space<vmem>> -> memref<80xi32, #tpu.memory_space<vmem>>
      %dma_start3A_984 = arith.constant 0 : i32
      %dma_start3A_985 = arith.constant 0 : i32
      %dma_start3A_986 = tpu.memref_slice %arg2[%dma_start3A_984, %dma_start3A_985] : memref<10000x128xf32, #tpu.memory_space<hbm>> -> memref<10000x128xf32, #tpu.memory_space<hbm>>
      tpu.enqueue_indirect_dma source(%dma_start3A_986 : memref<10000x128xf32, #tpu.memory_space<hbm>>) target(%dma_start3A_980 : memref<80x128xf32, #tpu.memory_space<vmem>>) offsets(%dma_start3A_983 : memref<80xi32, #tpu.memory_space<vmem>>) semaphore(%arg12 : memref<!tpu.dma_semaphore, #tpu.memory_space<semaphore_mem>>)
      %get3A_987 = arith.constant 14 : i32
      %get3A_988 = arith.index_cast %get3A_987 : i32 to index
      %get3A_989 = arith.constant 0 : index
      %get3A_990 = tpu.vector_load %arg9[%get3A_988, %get3A_989] {strides = array<i32>} : memref<25x80xi32, #tpu.memory_space<vmem>>, vector<16xi32>,
      tpu.vector_store_idx %arg11[%get3A_990], %broadcast_in_dim3A_9 {add = true} : memref<10240xf32, #tpu.memory_space<vmem>>[vector<16xi32>], vector<16xf32>,
      %get3A_991 = arith.constant 14 : i32
      %get3A_992 = arith.index_cast %get3A_991 : i32 to index
      %get3A_993 = arith.constant 16 : index
      %get3A_994 = tpu.vector_load %arg9[%get3A_992, %get3A_993] {strides = array<i32>} : memref<25x80xi32, #tpu.memory_space<vmem>>, vector<16xi32>,
      tpu.vector_store_idx %arg11[%get3A_994], %broadcast_in_dim3A_9 {add = true} : memref<10240xf32, #tpu.memory_space<vmem>>[vector<16xi32>], vector<16xf32>,
      %get3A_995 = arith.constant 14 : i32
      %get3A_996 = arith.index_cast %get3A_995 : i32 to index
      %get3A_997 = arith.constant 32 : index
      %get3A_998 = tpu.vector_load %arg9[%get3A_996, %get3A_997] {strides = array<i32>} : memref<25x80xi32, #tpu.memory_space<vmem>>, vector<16xi32>,
      tpu.vector_store_idx %arg11[%get3A_998], %broadcast_in_dim3A_9 {add = true} : memref<10240xf32, #tpu.memory_space<vmem>>[vector<16xi32>], vector<16xf32>,
      %get3A_999 = arith.constant 14 : i32
      %get3A_1000 = arith.index_cast %get3A_999 : i32 to index
      %get3A_1001 = arith.constant 48 : index
      %get3A_1002 = tpu.vector_load %arg9[%get3A_1000, %get3A_1001] {strides = array<i32>} : memref<25x80xi32, #tpu.memory_space<vmem>>, vector<16xi32>,
      tpu.vector_store_idx %arg11[%get3A_1002], %broadcast_in_dim3A_9 {add = true} : memref<10240xf32, #tpu.memory_space<vmem>>[vector<16xi32>], vector<16xf32>,
      %get3A_1003 = arith.constant 14 : i32
      %get3A_1004 = arith.index_cast %get3A_1003 : i32 to index
      %get3A_1005 = arith.constant 64 : index
      %get3A_1006 = tpu.vector_load %arg9[%get3A_1004, %get3A_1005] {strides = array<i32>} : memref<25x80xi32, #tpu.memory_space<vmem>>, vector<16xi32>,
      tpu.vector_store_idx %arg11[%get3A_1006], %broadcast_in_dim3A_9 {add = true} : memref<10240xf32, #tpu.memory_space<vmem>>[vector<16xi32>], vector<16xf32>,
      %dma_wait3A_1007 = arith.constant 14 : i32
      %dma_wait3A_1008 = arith.constant 2 : i32
      %dma_wait3A_1009 = arith.constant 0 : i32
      %dma_wait3A_1010 = arith.constant 0 : i32
      %dma_wait3A_1011 = tpu.memref_slice %arg10[%dma_wait3A_1008, %dma_wait3A_1009, %dma_wait3A_1010] : memref<3x80x128xf32, #tpu.memory_space<vmem>> -> memref<1x80x128xf32, #tpu.memory_space<vmem>>
      %dma_wait3A_1012 = tpu.memref_squeeze %dma_wait3A_1011 : memref<1x80x128xf32, #tpu.memory_space<vmem>> -> memref<80x128xf32, #tpu.memory_space<vmem>>
      %dma_wait3A_1013 = arith.constant 0 : i32
      %dma_wait3A_1014 = tpu.memref_slice %arg8[%dma_wait3A_1007, %dma_wait3A_1013] : memref<25x80xi32, #tpu.memory_space<vmem>> -> memref<1x80xi32, #tpu.memory_space<vmem>>
      %dma_wait3A_1015 = tpu.memref_squeeze %dma_wait3A_1014 : memref<1x80xi32, #tpu.memory_space<vmem>> -> memref<80xi32, #tpu.memory_space<vmem>>
      %dma_wait3A_1016 = arith.constant 0 : i32
      %dma_wait3A_1017 = arith.constant 0 : i32
      %dma_wait3A_1018 = tpu.memref_slice %arg2[%dma_wait3A_1016, %dma_wait3A_1017] : memref<10000x128xf32, #tpu.memory_space<hbm>> -> memref<10000x128xf32, #tpu.memory_space<hbm>>
      tpu.wait_indirect_dma semaphore(%arg14 : memref<!tpu.dma_semaphore, #tpu.memory_space<semaphore_mem>>) src(%dma_wait3A_1018 : memref<10000x128xf32, #tpu.memory_space<hbm>>) dst(%dma_wait3A_1012 : memref<80x128xf32, #tpu.memory_space<vmem>>)
      %dma_start3A_1019 = arith.constant 2 : i32
      %dma_start3A_1020 = arith.constant 14 : i32
      %dma_start3A_1021 = arith.constant 0 : i32
      %dma_start3A_1022 = arith.constant 0 : i32
      %dma_start3A_1023 = tpu.memref_slice %arg10[%dma_start3A_1019, %dma_start3A_1021, %dma_start3A_1022] : memref<3x80x128xf32, #tpu.memory_space<vmem>> -> memref<1x80x128xf32, #tpu.memory_space<vmem>>
      %dma_start3A_1024 = tpu.memref_squeeze %dma_start3A_1023 : memref<1x80x128xf32, #tpu.memory_space<vmem>> -> memref<80x128xf32, #tpu.memory_space<vmem>>
      %dma_start3A_1025 = arith.constant 0 : i32
      %dma_start3A_1026 = tpu.memref_slice %arg9[%dma_start3A_1020, %dma_start3A_1025] : memref<25x80xi32, #tpu.memory_space<vmem>> -> memref<1x80xi32, #tpu.memory_space<vmem>>
      %dma_start3A_1027 = tpu.memref_squeeze %dma_start3A_1026 : memref<1x80xi32, #tpu.memory_space<vmem>> -> memref<80xi32, #tpu.memory_space<vmem>>
      %dma_start3A_1028 = arith.constant 0 : i32
      %dma_start3A_1029 = arith.constant 0 : i32
      %dma_start3A_1030 = tpu.memref_slice %arg7[%dma_start3A_1028, %dma_start3A_1029] : memref<10240x128xf32, #tpu.memory_space<vmem_shared>> -> memref<10240x128xf32, #tpu.memory_space<vmem_shared>>
      tpu.enqueue_indirect_dma source(%dma_start3A_1024 : memref<80x128xf32, #tpu.memory_space<vmem>>) target(%dma_start3A_1030 : memref<10240x128xf32, #tpu.memory_space<vmem_shared>>) offsets(%dma_start3A_1027 : memref<80xi32, #tpu.memory_space<vmem>>) semaphore(%arg17 : memref<!tpu.dma_semaphore, #tpu.memory_space<semaphore_mem>>) {add = true}
      %dma_wait3A_1031 = arith.constant 1 : i32
      %dma_wait3A_1032 = arith.constant 13 : i32
      %dma_wait3A_1033 = arith.constant 0 : i32
      %dma_wait3A_1034 = arith.constant 0 : i32
      %dma_wait3A_1035 = tpu.memref_slice %arg10[%dma_wait3A_1031, %dma_wait3A_1033, %dma_wait3A_1034] : memref<3x80x128xf32, #tpu.memory_space<vmem>> -> memref<1x80x128xf32, #tpu.memory_space<vmem>>
      %dma_wait3A_1036 = tpu.memref_squeeze %dma_wait3A_1035 : memref<1x80x128xf32, #tpu.memory_space<vmem>> -> memref<80x128xf32, #tpu.memory_space<vmem>>
      %dma_wait3A_1037 = arith.constant 0 : i32
      %dma_wait3A_1038 = tpu.memref_slice %arg9[%dma_wait3A_1032, %dma_wait3A_1037] : memref<25x80xi32, #tpu.memory_space<vmem>> -> memref<1x80xi32, #tpu.memory_space<vmem>>
      %dma_wait3A_1039 = tpu.memref_squeeze %dma_wait3A_1038 : memref<1x80xi32, #tpu.memory_space<vmem>> -> memref<80xi32, #tpu.memory_space<vmem>>
      %dma_wait3A_1040 = arith.constant 0 : i32
      %dma_wait3A_1041 = arith.constant 0 : i32
      %dma_wait3A_1042 = tpu.memref_slice %arg7[%dma_wait3A_1040, %dma_wait3A_1041] : memref<10240x128xf32, #tpu.memory_space<vmem_shared>> -> memref<10240x128xf32, #tpu.memory_space<vmem_shared>>
      tpu.wait_indirect_dma semaphore(%arg16 : memref<!tpu.dma_semaphore, #tpu.memory_space<semaphore_mem>>) src(%dma_wait3A_1036 : memref<80x128xf32, #tpu.memory_space<vmem>>) dst(%dma_wait3A_1042 : memref<10240x128xf32, #tpu.memory_space<vmem_shared>>)
      %dma_start3A_1043 = arith.constant 16 : i32
      %dma_start3A_1044 = arith.constant 1 : i32
      %dma_start3A_1045 = arith.constant 0 : i32
      %dma_start3A_1046 = arith.constant 0 : i32
      %dma_start3A_1047 = tpu.memref_slice %arg10[%dma_start3A_1044, %dma_start3A_1045, %dma_start3A_1046] : memref<3x80x128xf32, #tpu.memory_space<vmem>> -> memref<1x80x128xf32, #tpu.memory_space<vmem>>
      %dma_start3A_1048 = tpu.memref_squeeze %dma_start3A_1047 : memref<1x80x128xf32, #tpu.memory_space<vmem>> -> memref<80x128xf32, #tpu.memory_space<vmem>>
      %dma_start3A_1049 = arith.constant 0 : i32
      %dma_start3A_1050 = tpu.memref_slice %arg8[%dma_start3A_1043, %dma_start3A_1049] : memref<25x80xi32, #tpu.memory_space<vmem>> -> memref<1x80xi32, #tpu.memory_space<vmem>>
      %dma_start3A_1051 = tpu.memref_squeeze %dma_start3A_1050 : memref<1x80xi32, #tpu.memory_space<vmem>> -> memref<80xi32, #tpu.memory_space<vmem>>
      %dma_start3A_1052 = arith.constant 0 : i32
      %dma_start3A_1053 = arith.constant 0 : i32
      %dma_start3A_1054 = tpu.memref_slice %arg2[%dma_start3A_1052, %dma_start3A_1053] : memref<10000x128xf32, #tpu.memory_space<hbm>> -> memref<10000x128xf32, #tpu.memory_space<hbm>>
      tpu.enqueue_indirect_dma source(%dma_start3A_1054 : memref<10000x128xf32, #tpu.memory_space<hbm>>) target(%dma_start3A_1048 : memref<80x128xf32, #tpu.memory_space<vmem>>) offsets(%dma_start3A_1051 : memref<80xi32, #tpu.memory_space<vmem>>) semaphore(%arg13 : memref<!tpu.dma_semaphore, #tpu.memory_space<semaphore_mem>>)
      %get3A_1055 = arith.constant 15 : i32
      %get3A_1056 = arith.index_cast %get3A_1055 : i32 to index
      %get3A_1057 = arith.constant 0 : index
      %get3A_1058 = tpu.vector_load %arg9[%get3A_1056, %get3A_1057] {strides = array<i32>} : memref<25x80xi32, #tpu.memory_space<vmem>>, vector<16xi32>,
      tpu.vector_store_idx %arg11[%get3A_1058], %broadcast_in_dim3A_9 {add = true} : memref<10240xf32, #tpu.memory_space<vmem>>[vector<16xi32>], vector<16xf32>,
      %get3A_1059 = arith.constant 15 : i32
      %get3A_1060 = arith.index_cast %get3A_1059 : i32 to index
      %get3A_1061 = arith.constant 16 : index
      %get3A_1062 = tpu.vector_load %arg9[%get3A_1060, %get3A_1061] {strides = array<i32>} : memref<25x80xi32, #tpu.memory_space<vmem>>, vector<16xi32>,
      tpu.vector_store_idx %arg11[%get3A_1062], %broadcast_in_dim3A_9 {add = true} : memref<10240xf32, #tpu.memory_space<vmem>>[vector<16xi32>], vector<16xf32>,
      %get3A_1063 = arith.constant 15 : i32
      %get3A_1064 = arith.index_cast %get3A_1063 : i32 to index
      %get3A_1065 = arith.constant 32 : index
      %get3A_1066 = tpu.vector_load %arg9[%get3A_1064, %get3A_1065] {strides = array<i32>} : memref<25x80xi32, #tpu.memory_space<vmem>>, vector<16xi32>,
      tpu.vector_store_idx %arg11[%get3A_1066], %broadcast_in_dim3A_9 {add = true} : memref<10240xf32, #tpu.memory_space<vmem>>[vector<16xi32>], vector<16xf32>,
      %get3A_1067 = arith.constant 15 : i32
      %get3A_1068 = arith.index_cast %get3A_1067 : i32 to index
      %get3A_1069 = arith.constant 48 : index
      %get3A_1070 = tpu.vector_load %arg9[%get3A_1068, %get3A_1069] {strides = array<i32>} : memref<25x80xi32, #tpu.memory_space<vmem>>, vector<16xi32>,
      tpu.vector_store_idx %arg11[%get3A_1070], %broadcast_in_dim3A_9 {add = true} : memref<10240xf32, #tpu.memory_space<vmem>>[vector<16xi32>], vector<16xf32>,
      %get3A_1071 = arith.constant 15 : i32
      %get3A_1072 = arith.index_cast %get3A_1071 : i32 to index
      %get3A_1073 = arith.constant 64 : index
      %get3A_1074 = tpu.vector_load %arg9[%get3A_1072, %get3A_1073] {strides = array<i32>} : memref<25x80xi32, #tpu.memory_space<vmem>>, vector<16xi32>,
      tpu.vector_store_idx %arg11[%get3A_1074], %broadcast_in_dim3A_9 {add = true} : memref<10240xf32, #tpu.memory_space<vmem>>[vector<16xi32>], vector<16xf32>,
      %dma_wait3A_1075 = arith.constant 15 : i32
      %dma_wait3A_1076 = arith.constant 0 : i32
      %dma_wait3A_1077 = arith.constant 0 : i32
      %dma_wait3A_1078 = arith.constant 0 : i32
      %dma_wait3A_1079 = tpu.memref_slice %arg10[%dma_wait3A_1076, %dma_wait3A_1077, %dma_wait3A_1078] : memref<3x80x128xf32, #tpu.memory_space<vmem>> -> memref<1x80x128xf32, #tpu.memory_space<vmem>>
      %dma_wait3A_1080 = tpu.memref_squeeze %dma_wait3A_1079 : memref<1x80x128xf32, #tpu.memory_space<vmem>> -> memref<80x128xf32, #tpu.memory_space<vmem>>
      %dma_wait3A_1081 = arith.constant 0 : i32
      %dma_wait3A_1082 = tpu.memref_slice %arg8[%dma_wait3A_1075, %dma_wait3A_1081] : memref<25x80xi32, #tpu.memory_space<vmem>> -> memref<1x80xi32, #tpu.memory_space<vmem>>
      %dma_wait3A_1083 = tpu.memref_squeeze %dma_wait3A_1082 : memref<1x80xi32, #tpu.memory_space<vmem>> -> memref<80xi32, #tpu.memory_space<vmem>>
      %dma_wait3A_1084 = arith.constant 0 : i32
      %dma_wait3A_1085 = arith.constant 0 : i32
      %dma_wait3A_1086 = tpu.memref_slice %arg2[%dma_wait3A_1084, %dma_wait3A_1085] : memref<10000x128xf32, #tpu.memory_space<hbm>> -> memref<10000x128xf32, #tpu.memory_space<hbm>>
      tpu.wait_indirect_dma semaphore(%arg12 : memref<!tpu.dma_semaphore, #tpu.memory_space<semaphore_mem>>) src(%dma_wait3A_1086 : memref<10000x128xf32, #tpu.memory_space<hbm>>) dst(%dma_wait3A_1080 : memref<80x128xf32, #tpu.memory_space<vmem>>)
      %dma_start3A_1087 = arith.constant 0 : i32
      %dma_start3A_1088 = arith.constant 15 : i32
      %dma_start3A_1089 = arith.constant 0 : i32
      %dma_start3A_1090 = arith.constant 0 : i32
      %dma_start3A_1091 = tpu.memref_slice %arg10[%dma_start3A_1087, %dma_start3A_1089, %dma_start3A_1090] : memref<3x80x128xf32, #tpu.memory_space<vmem>> -> memref<1x80x128xf32, #tpu.memory_space<vmem>>
      %dma_start3A_1092 = tpu.memref_squeeze %dma_start3A_1091 : memref<1x80x128xf32, #tpu.memory_space<vmem>> -> memref<80x128xf32, #tpu.memory_space<vmem>>
      %dma_start3A_1093 = arith.constant 0 : i32
      %dma_start3A_1094 = tpu.memref_slice %arg9[%dma_start3A_1088, %dma_start3A_1093] : memref<25x80xi32, #tpu.memory_space<vmem>> -> memref<1x80xi32, #tpu.memory_space<vmem>>
      %dma_start3A_1095 = tpu.memref_squeeze %dma_start3A_1094 : memref<1x80xi32, #tpu.memory_space<vmem>> -> memref<80xi32, #tpu.memory_space<vmem>>
      %dma_start3A_1096 = arith.constant 0 : i32
      %dma_start3A_1097 = arith.constant 0 : i32
      %dma_start3A_1098 = tpu.memref_slice %arg7[%dma_start3A_1096, %dma_start3A_1097] : memref<10240x128xf32, #tpu.memory_space<vmem_shared>> -> memref<10240x128xf32, #tpu.memory_space<vmem_shared>>
      tpu.enqueue_indirect_dma source(%dma_start3A_1092 : memref<80x128xf32, #tpu.memory_space<vmem>>) target(%dma_start3A_1098 : memref<10240x128xf32, #tpu.memory_space<vmem_shared>>) offsets(%dma_start3A_1095 : memref<80xi32, #tpu.memory_space<vmem>>) semaphore(%arg15 : memref<!tpu.dma_semaphore, #tpu.memory_space<semaphore_mem>>) {add = true}
      %dma_wait3A_1099 = arith.constant 2 : i32
      %dma_wait3A_1100 = arith.constant 14 : i32
      %dma_wait3A_1101 = arith.constant 0 : i32
      %dma_wait3A_1102 = arith.constant 0 : i32
      %dma_wait3A_1103 = tpu.memref_slice %arg10[%dma_wait3A_1099, %dma_wait3A_1101, %dma_wait3A_1102] : memref<3x80x128xf32, #tpu.memory_space<vmem>> -> memref<1x80x128xf32, #tpu.memory_space<vmem>>
      %dma_wait3A_1104 = tpu.memref_squeeze %dma_wait3A_1103 : memref<1x80x128xf32, #tpu.memory_space<vmem>> -> memref<80x128xf32, #tpu.memory_space<vmem>>
      %dma_wait3A_1105 = arith.constant 0 : i32
      %dma_wait3A_1106 = tpu.memref_slice %arg9[%dma_wait3A_1100, %dma_wait3A_1105] : memref<25x80xi32, #tpu.memory_space<vmem>> -> memref<1x80xi32, #tpu.memory_space<vmem>>
      %dma_wait3A_1107 = tpu.memref_squeeze %dma_wait3A_1106 : memref<1x80xi32, #tpu.memory_space<vmem>> -> memref<80xi32, #tpu.memory_space<vmem>>
      %dma_wait3A_1108 = arith.constant 0 : i32
      %dma_wait3A_1109 = arith.constant 0 : i32
      %dma_wait3A_1110 = tpu.memref_slice %arg7[%dma_wait3A_1108, %dma_wait3A_1109] : memref<10240x128xf32, #tpu.memory_space<vmem_shared>> -> memref<10240x128xf32, #tpu.memory_space<vmem_shared>>
      tpu.wait_indirect_dma semaphore(%arg17 : memref<!tpu.dma_semaphore, #tpu.memory_space<semaphore_mem>>) src(%dma_wait3A_1104 : memref<80x128xf32, #tpu.memory_space<vmem>>) dst(%dma_wait3A_1110 : memref<10240x128xf32, #tpu.memory_space<vmem_shared>>)
      %dma_start3A_1111 = arith.constant 17 : i32
      %dma_start3A_1112 = arith.constant 2 : i32
      %dma_start3A_1113 = arith.constant 0 : i32
      %dma_start3A_1114 = arith.constant 0 : i32
      %dma_start3A_1115 = tpu.memref_slice %arg10[%dma_start3A_1112, %dma_start3A_1113, %dma_start3A_1114] : memref<3x80x128xf32, #tpu.memory_space<vmem>> -> memref<1x80x128xf32, #tpu.memory_space<vmem>>
      %dma_start3A_1116 = tpu.memref_squeeze %dma_start3A_1115 : memref<1x80x128xf32, #tpu.memory_space<vmem>> -> memref<80x128xf32, #tpu.memory_space<vmem>>
      %dma_start3A_1117 = arith.constant 0 : i32
      %dma_start3A_1118 = tpu.memref_slice %arg8[%dma_start3A_1111, %dma_start3A_1117] : memref<25x80xi32, #tpu.memory_space<vmem>> -> memref<1x80xi32, #tpu.memory_space<vmem>>
      %dma_start3A_1119 = tpu.memref_squeeze %dma_start3A_1118 : memref<1x80xi32, #tpu.memory_space<vmem>> -> memref<80xi32, #tpu.memory_space<vmem>>
      %dma_start3A_1120 = arith.constant 0 : i32
      %dma_start3A_1121 = arith.constant 0 : i32
      %dma_start3A_1122 = tpu.memref_slice %arg2[%dma_start3A_1120, %dma_start3A_1121] : memref<10000x128xf32, #tpu.memory_space<hbm>> -> memref<10000x128xf32, #tpu.memory_space<hbm>>
      tpu.enqueue_indirect_dma source(%dma_start3A_1122 : memref<10000x128xf32, #tpu.memory_space<hbm>>) target(%dma_start3A_1116 : memref<80x128xf32, #tpu.memory_space<vmem>>) offsets(%dma_start3A_1119 : memref<80xi32, #tpu.memory_space<vmem>>) semaphore(%arg14 : memref<!tpu.dma_semaphore, #tpu.memory_space<semaphore_mem>>)
      %get3A_1123 = arith.constant 16 : i32
      %get3A_1124 = arith.index_cast %get3A_1123 : i32 to index
      %get3A_1125 = arith.constant 0 : index
      %get3A_1126 = tpu.vector_load %arg9[%get3A_1124, %get3A_1125] {strides = array<i32>} : memref<25x80xi32, #tpu.memory_space<vmem>>, vector<16xi32>,
      tpu.vector_store_idx %arg11[%get3A_1126], %broadcast_in_dim3A_9 {add = true} : memref<10240xf32, #tpu.memory_space<vmem>>[vector<16xi32>], vector<16xf32>,
      %get3A_1127 = arith.constant 16 : i32
      %get3A_1128 = arith.index_cast %get3A_1127 : i32 to index
      %get3A_1129 = arith.constant 16 : index
      %get3A_1130 = tpu.vector_load %arg9[%get3A_1128, %get3A_1129] {strides = array<i32>} : memref<25x80xi32, #tpu.memory_space<vmem>>, vector<16xi32>,
      tpu.vector_store_idx %arg11[%get3A_1130], %broadcast_in_dim3A_9 {add = true} : memref<10240xf32, #tpu.memory_space<vmem>>[vector<16xi32>], vector<16xf32>,
      %get3A_1131 = arith.constant 16 : i32
      %get3A_1132 = arith.index_cast %get3A_1131 : i32 to index
      %get3A_1133 = arith.constant 32 : index
      %get3A_1134 = tpu.vector_load %arg9[%get3A_1132, %get3A_1133] {strides = array<i32>} : memref<25x80xi32, #tpu.memory_space<vmem>>, vector<16xi32>,
      tpu.vector_store_idx %arg11[%get3A_1134], %broadcast_in_dim3A_9 {add = true} : memref<10240xf32, #tpu.memory_space<vmem>>[vector<16xi32>], vector<16xf32>,
      %get3A_1135 = arith.constant 16 : i32
      %get3A_1136 = arith.index_cast %get3A_1135 : i32 to index
      %get3A_1137 = arith.constant 48 : index
      %get3A_1138 = tpu.vector_load %arg9[%get3A_1136, %get3A_1137] {strides = array<i32>} : memref<25x80xi32, #tpu.memory_space<vmem>>, vector<16xi32>,
      tpu.vector_store_idx %arg11[%get3A_1138], %broadcast_in_dim3A_9 {add = true} : memref<10240xf32, #tpu.memory_space<vmem>>[vector<16xi32>], vector<16xf32>,
      %get3A_1139 = arith.constant 16 : i32
      %get3A_1140 = arith.index_cast %get3A_1139 : i32 to index
      %get3A_1141 = arith.constant 64 : index
      %get3A_1142 = tpu.vector_load %arg9[%get3A_1140, %get3A_1141] {strides = array<i32>} : memref<25x80xi32, #tpu.memory_space<vmem>>, vector<16xi32>,
      tpu.vector_store_idx %arg11[%get3A_1142], %broadcast_in_dim3A_9 {add = true} : memref<10240xf32, #tpu.memory_space<vmem>>[vector<16xi32>], vector<16xf32>,
      %dma_wait3A_1143 = arith.constant 16 : i32
      %dma_wait3A_1144 = arith.constant 1 : i32
      %dma_wait3A_1145 = arith.constant 0 : i32
      %dma_wait3A_1146 = arith.constant 0 : i32
      %dma_wait3A_1147 = tpu.memref_slice %arg10[%dma_wait3A_1144, %dma_wait3A_1145, %dma_wait3A_1146] : memref<3x80x128xf32, #tpu.memory_space<vmem>> -> memref<1x80x128xf32, #tpu.memory_space<vmem>>
      %dma_wait3A_1148 = tpu.memref_squeeze %dma_wait3A_1147 : memref<1x80x128xf32, #tpu.memory_space<vmem>> -> memref<80x128xf32, #tpu.memory_space<vmem>>
      %dma_wait3A_1149 = arith.constant 0 : i32
      %dma_wait3A_1150 = tpu.memref_slice %arg8[%dma_wait3A_1143, %dma_wait3A_1149] : memref<25x80xi32, #tpu.memory_space<vmem>> -> memref<1x80xi32, #tpu.memory_space<vmem>>
      %dma_wait3A_1151 = tpu.memref_squeeze %dma_wait3A_1150 : memref<1x80xi32, #tpu.memory_space<vmem>> -> memref<80xi32, #tpu.memory_space<vmem>>
      %dma_wait3A_1152 = arith.constant 0 : i32
      %dma_wait3A_1153 = arith.constant 0 : i32
      %dma_wait3A_1154 = tpu.memref_slice %arg2[%dma_wait3A_1152, %dma_wait3A_1153] : memref<10000x128xf32, #tpu.memory_space<hbm>> -> memref<10000x128xf32, #tpu.memory_space<hbm>>
      tpu.wait_indirect_dma semaphore(%arg13 : memref<!tpu.dma_semaphore, #tpu.memory_space<semaphore_mem>>) src(%dma_wait3A_1154 : memref<10000x128xf32, #tpu.memory_space<hbm>>) dst(%dma_wait3A_1148 : memref<80x128xf32, #tpu.memory_space<vmem>>)
      %dma_start3A_1155 = arith.constant 1 : i32
      %dma_start3A_1156 = arith.constant 16 : i32
      %dma_start3A_1157 = arith.constant 0 : i32
      %dma_start3A_1158 = arith.constant 0 : i32
      %dma_start3A_1159 = tpu.memref_slice %arg10[%dma_start3A_1155, %dma_start3A_1157, %dma_start3A_1158] : memref<3x80x128xf32, #tpu.memory_space<vmem>> -> memref<1x80x128xf32, #tpu.memory_space<vmem>>
      %dma_start3A_1160 = tpu.memref_squeeze %dma_start3A_1159 : memref<1x80x128xf32, #tpu.memory_space<vmem>> -> memref<80x128xf32, #tpu.memory_space<vmem>>
      %dma_start3A_1161 = arith.constant 0 : i32
      %dma_start3A_1162 = tpu.memref_slice %arg9[%dma_start3A_1156, %dma_start3A_1161] : memref<25x80xi32, #tpu.memory_space<vmem>> -> memref<1x80xi32, #tpu.memory_space<vmem>>
      %dma_start3A_1163 = tpu.memref_squeeze %dma_start3A_1162 : memref<1x80xi32, #tpu.memory_space<vmem>> -> memref<80xi32, #tpu.memory_space<vmem>>
      %dma_start3A_1164 = arith.constant 0 : i32
      %dma_start3A_1165 = arith.constant 0 : i32
      %dma_start3A_1166 = tpu.memref_slice %arg7[%dma_start3A_1164, %dma_start3A_1165] : memref<10240x128xf32, #tpu.memory_space<vmem_shared>> -> memref<10240x128xf32, #tpu.memory_space<vmem_shared>>
      tpu.enqueue_indirect_dma source(%dma_start3A_1160 : memref<80x128xf32, #tpu.memory_space<vmem>>) target(%dma_start3A_1166 : memref<10240x128xf32, #tpu.memory_space<vmem_shared>>) offsets(%dma_start3A_1163 : memref<80xi32, #tpu.memory_space<vmem>>) semaphore(%arg16 : memref<!tpu.dma_semaphore, #tpu.memory_space<semaphore_mem>>) {add = true}
      %dma_wait3A_1167 = arith.constant 0 : i32
      %dma_wait3A_1168 = arith.constant 15 : i32
      %dma_wait3A_1169 = arith.constant 0 : i32
      %dma_wait3A_1170 = arith.constant 0 : i32
      %dma_wait3A_1171 = tpu.memref_slice %arg10[%dma_wait3A_1167, %dma_wait3A_1169, %dma_wait3A_1170] : memref<3x80x128xf32, #tpu.memory_space<vmem>> -> memref<1x80x128xf32, #tpu.memory_space<vmem>>
      %dma_wait3A_1172 = tpu.memref_squeeze %dma_wait3A_1171 : memref<1x80x128xf32, #tpu.memory_space<vmem>> -> memref<80x128xf32, #tpu.memory_space<vmem>>
      %dma_wait3A_1173 = arith.constant 0 : i32
      %dma_wait3A_1174 = tpu.memref_slice %arg9[%dma_wait3A_1168, %dma_wait3A_1173] : memref<25x80xi32, #tpu.memory_space<vmem>> -> memref<1x80xi32, #tpu.memory_space<vmem>>
      %dma_wait3A_1175 = tpu.memref_squeeze %dma_wait3A_1174 : memref<1x80xi32, #tpu.memory_space<vmem>> -> memref<80xi32, #tpu.memory_space<vmem>>
      %dma_wait3A_1176 = arith.constant 0 : i32
      %dma_wait3A_1177 = arith.constant 0 : i32
      %dma_wait3A_1178 = tpu.memref_slice %arg7[%dma_wait3A_1176, %dma_wait3A_1177] : memref<10240x128xf32, #tpu.memory_space<vmem_shared>> -> memref<10240x128xf32, #tpu.memory_space<vmem_shared>>
      tpu.wait_indirect_dma semaphore(%arg15 : memref<!tpu.dma_semaphore, #tpu.memory_space<semaphore_mem>>) src(%dma_wait3A_1172 : memref<80x128xf32, #tpu.memory_space<vmem>>) dst(%dma_wait3A_1178 : memref<10240x128xf32, #tpu.memory_space<vmem_shared>>)
      %dma_start3A_1179 = arith.constant 18 : i32
      %dma_start3A_1180 = arith.constant 0 : i32
      %dma_start3A_1181 = arith.constant 0 : i32
      %dma_start3A_1182 = arith.constant 0 : i32
      %dma_start3A_1183 = tpu.memref_slice %arg10[%dma_start3A_1180, %dma_start3A_1181, %dma_start3A_1182] : memref<3x80x128xf32, #tpu.memory_space<vmem>> -> memref<1x80x128xf32, #tpu.memory_space<vmem>>
      %dma_start3A_1184 = tpu.memref_squeeze %dma_start3A_1183 : memref<1x80x128xf32, #tpu.memory_space<vmem>> -> memref<80x128xf32, #tpu.memory_space<vmem>>
      %dma_start3A_1185 = arith.constant 0 : i32
      %dma_start3A_1186 = tpu.memref_slice %arg8[%dma_start3A_1179, %dma_start3A_1185] : memref<25x80xi32, #tpu.memory_space<vmem>> -> memref<1x80xi32, #tpu.memory_space<vmem>>
      %dma_start3A_1187 = tpu.memref_squeeze %dma_start3A_1186 : memref<1x80xi32, #tpu.memory_space<vmem>> -> memref<80xi32, #tpu.memory_space<vmem>>
      %dma_start3A_1188 = arith.constant 0 : i32
      %dma_start3A_1189 = arith.constant 0 : i32
      %dma_start3A_1190 = tpu.memref_slice %arg2[%dma_start3A_1188, %dma_start3A_1189] : memref<10000x128xf32, #tpu.memory_space<hbm>> -> memref<10000x128xf32, #tpu.memory_space<hbm>>
      tpu.enqueue_indirect_dma source(%dma_start3A_1190 : memref<10000x128xf32, #tpu.memory_space<hbm>>) target(%dma_start3A_1184 : memref<80x128xf32, #tpu.memory_space<vmem>>) offsets(%dma_start3A_1187 : memref<80xi32, #tpu.memory_space<vmem>>) semaphore(%arg12 : memref<!tpu.dma_semaphore, #tpu.memory_space<semaphore_mem>>)
      %get3A_1191 = arith.constant 17 : i32
      %get3A_1192 = arith.index_cast %get3A_1191 : i32 to index
      %get3A_1193 = arith.constant 0 : index
      %get3A_1194 = tpu.vector_load %arg9[%get3A_1192, %get3A_1193] {strides = array<i32>} : memref<25x80xi32, #tpu.memory_space<vmem>>, vector<16xi32>,
      tpu.vector_store_idx %arg11[%get3A_1194], %broadcast_in_dim3A_9 {add = true} : memref<10240xf32, #tpu.memory_space<vmem>>[vector<16xi32>], vector<16xf32>,
      %get3A_1195 = arith.constant 17 : i32
      %get3A_1196 = arith.index_cast %get3A_1195 : i32 to index
      %get3A_1197 = arith.constant 16 : index
      %get3A_1198 = tpu.vector_load %arg9[%get3A_1196, %get3A_1197] {strides = array<i32>} : memref<25x80xi32, #tpu.memory_space<vmem>>, vector<16xi32>,
      tpu.vector_store_idx %arg11[%get3A_1198], %broadcast_in_dim3A_9 {add = true} : memref<10240xf32, #tpu.memory_space<vmem>>[vector<16xi32>], vector<16xf32>,
      %get3A_1199 = arith.constant 17 : i32
      %get3A_1200 = arith.index_cast %get3A_1199 : i32 to index
      %get3A_1201 = arith.constant 32 : index
      %get3A_1202 = tpu.vector_load %arg9[%get3A_1200, %get3A_1201] {strides = array<i32>} : memref<25x80xi32, #tpu.memory_space<vmem>>, vector<16xi32>,
      tpu.vector_store_idx %arg11[%get3A_1202], %broadcast_in_dim3A_9 {add = true} : memref<10240xf32, #tpu.memory_space<vmem>>[vector<16xi32>], vector<16xf32>,
      %get3A_1203 = arith.constant 17 : i32
      %get3A_1204 = arith.index_cast %get3A_1203 : i32 to index
      %get3A_1205 = arith.constant 48 : index
      %get3A_1206 = tpu.vector_load %arg9[%get3A_1204, %get3A_1205] {strides = array<i32>} : memref<25x80xi32, #tpu.memory_space<vmem>>, vector<16xi32>,
      tpu.vector_store_idx %arg11[%get3A_1206], %broadcast_in_dim3A_9 {add = true} : memref<10240xf32, #tpu.memory_space<vmem>>[vector<16xi32>], vector<16xf32>,
      %get3A_1207 = arith.constant 17 : i32
      %get3A_1208 = arith.index_cast %get3A_1207 : i32 to index
      %get3A_1209 = arith.constant 64 : index
      %get3A_1210 = tpu.vector_load %arg9[%get3A_1208, %get3A_1209] {strides = array<i32>} : memref<25x80xi32, #tpu.memory_space<vmem>>, vector<16xi32>,
      tpu.vector_store_idx %arg11[%get3A_1210], %broadcast_in_dim3A_9 {add = true} : memref<10240xf32, #tpu.memory_space<vmem>>[vector<16xi32>], vector<16xf32>,
      %dma_wait3A_1211 = arith.constant 17 : i32
      %dma_wait3A_1212 = arith.constant 2 : i32
      %dma_wait3A_1213 = arith.constant 0 : i32
      %dma_wait3A_1214 = arith.constant 0 : i32
      %dma_wait3A_1215 = tpu.memref_slice %arg10[%dma_wait3A_1212, %dma_wait3A_1213, %dma_wait3A_1214] : memref<3x80x128xf32, #tpu.memory_space<vmem>> -> memref<1x80x128xf32, #tpu.memory_space<vmem>>
      %dma_wait3A_1216 = tpu.memref_squeeze %dma_wait3A_1215 : memref<1x80x128xf32, #tpu.memory_space<vmem>> -> memref<80x128xf32, #tpu.memory_space<vmem>>
      %dma_wait3A_1217 = arith.constant 0 : i32
      %dma_wait3A_1218 = tpu.memref_slice %arg8[%dma_wait3A_1211, %dma_wait3A_1217] : memref<25x80xi32, #tpu.memory_space<vmem>> -> memref<1x80xi32, #tpu.memory_space<vmem>>
      %dma_wait3A_1219 = tpu.memref_squeeze %dma_wait3A_1218 : memref<1x80xi32, #tpu.memory_space<vmem>> -> memref<80xi32, #tpu.memory_space<vmem>>
      %dma_wait3A_1220 = arith.constant 0 : i32
      %dma_wait3A_1221 = arith.constant 0 : i32
      %dma_wait3A_1222 = tpu.memref_slice %arg2[%dma_wait3A_1220, %dma_wait3A_1221] : memref<10000x128xf32, #tpu.memory_space<hbm>> -> memref<10000x128xf32, #tpu.memory_space<hbm>>
      tpu.wait_indirect_dma semaphore(%arg14 : memref<!tpu.dma_semaphore, #tpu.memory_space<semaphore_mem>>) src(%dma_wait3A_1222 : memref<10000x128xf32, #tpu.memory_space<hbm>>) dst(%dma_wait3A_1216 : memref<80x128xf32, #tpu.memory_space<vmem>>)
      %dma_start3A_1223 = arith.constant 2 : i32
      %dma_start3A_1224 = arith.constant 17 : i32
      %dma_start3A_1225 = arith.constant 0 : i32
      %dma_start3A_1226 = arith.constant 0 : i32
      %dma_start3A_1227 = tpu.memref_slice %arg10[%dma_start3A_1223, %dma_start3A_1225, %dma_start3A_1226] : memref<3x80x128xf32, #tpu.memory_space<vmem>> -> memref<1x80x128xf32, #tpu.memory_space<vmem>>
      %dma_start3A_1228 = tpu.memref_squeeze %dma_start3A_1227 : memref<1x80x128xf32, #tpu.memory_space<vmem>> -> memref<80x128xf32, #tpu.memory_space<vmem>>
      %dma_start3A_1229 = arith.constant 0 : i32
      %dma_start3A_1230 = tpu.memref_slice %arg9[%dma_start3A_1224, %dma_start3A_1229] : memref<25x80xi32, #tpu.memory_space<vmem>> -> memref<1x80xi32, #tpu.memory_space<vmem>>
      %dma_start3A_1231 = tpu.memref_squeeze %dma_start3A_1230 : memref<1x80xi32, #tpu.memory_space<vmem>> -> memref<80xi32, #tpu.memory_space<vmem>>
      %dma_start3A_1232 = arith.constant 0 : i32
      %dma_start3A_1233 = arith.constant 0 : i32
      %dma_start3A_1234 = tpu.memref_slice %arg7[%dma_start3A_1232, %dma_start3A_1233] : memref<10240x128xf32, #tpu.memory_space<vmem_shared>> -> memref<10240x128xf32, #tpu.memory_space<vmem_shared>>
      tpu.enqueue_indirect_dma source(%dma_start3A_1228 : memref<80x128xf32, #tpu.memory_space<vmem>>) target(%dma_start3A_1234 : memref<10240x128xf32, #tpu.memory_space<vmem_shared>>) offsets(%dma_start3A_1231 : memref<80xi32, #tpu.memory_space<vmem>>) semaphore(%arg17 : memref<!tpu.dma_semaphore, #tpu.memory_space<semaphore_mem>>) {add = true}
      %dma_wait3A_1235 = arith.constant 1 : i32
      %dma_wait3A_1236 = arith.constant 16 : i32
      %dma_wait3A_1237 = arith.constant 0 : i32
      %dma_wait3A_1238 = arith.constant 0 : i32
      %dma_wait3A_1239 = tpu.memref_slice %arg10[%dma_wait3A_1235, %dma_wait3A_1237, %dma_wait3A_1238] : memref<3x80x128xf32, #tpu.memory_space<vmem>> -> memref<1x80x128xf32, #tpu.memory_space<vmem>>
      %dma_wait3A_1240 = tpu.memref_squeeze %dma_wait3A_1239 : memref<1x80x128xf32, #tpu.memory_space<vmem>> -> memref<80x128xf32, #tpu.memory_space<vmem>>
      %dma_wait3A_1241 = arith.constant 0 : i32
      %dma_wait3A_1242 = tpu.memref_slice %arg9[%dma_wait3A_1236, %dma_wait3A_1241] : memref<25x80xi32, #tpu.memory_space<vmem>> -> memref<1x80xi32, #tpu.memory_space<vmem>>
      %dma_wait3A_1243 = tpu.memref_squeeze %dma_wait3A_1242 : memref<1x80xi32, #tpu.memory_space<vmem>> -> memref<80xi32, #tpu.memory_space<vmem>>
      %dma_wait3A_1244 = arith.constant 0 : i32
      %dma_wait3A_1245 = arith.constant 0 : i32
      %dma_wait3A_1246 = tpu.memref_slice %arg7[%dma_wait3A_1244, %dma_wait3A_1245] : memref<10240x128xf32, #tpu.memory_space<vmem_shared>> -> memref<10240x128xf32, #tpu.memory_space<vmem_shared>>
      tpu.wait_indirect_dma semaphore(%arg16 : memref<!tpu.dma_semaphore, #tpu.memory_space<semaphore_mem>>) src(%dma_wait3A_1240 : memref<80x128xf32, #tpu.memory_space<vmem>>) dst(%dma_wait3A_1246 : memref<10240x128xf32, #tpu.memory_space<vmem_shared>>)
      %dma_start3A_1247 = arith.constant 19 : i32
      %dma_start3A_1248 = arith.constant 1 : i32
      %dma_start3A_1249 = arith.constant 0 : i32
      %dma_start3A_1250 = arith.constant 0 : i32
      %dma_start3A_1251 = tpu.memref_slice %arg10[%dma_start3A_1248, %dma_start3A_1249, %dma_start3A_1250] : memref<3x80x128xf32, #tpu.memory_space<vmem>> -> memref<1x80x128xf32, #tpu.memory_space<vmem>>
      %dma_start3A_1252 = tpu.memref_squeeze %dma_start3A_1251 : memref<1x80x128xf32, #tpu.memory_space<vmem>> -> memref<80x128xf32, #tpu.memory_space<vmem>>
      %dma_start3A_1253 = arith.constant 0 : i32
      %dma_start3A_1254 = tpu.memref_slice %arg8[%dma_start3A_1247, %dma_start3A_1253] : memref<25x80xi32, #tpu.memory_space<vmem>> -> memref<1x80xi32, #tpu.memory_space<vmem>>
      %dma_start3A_1255 = tpu.memref_squeeze %dma_start3A_1254 : memref<1x80xi32, #tpu.memory_space<vmem>> -> memref<80xi32, #tpu.memory_space<vmem>>
      %dma_start3A_1256 = arith.constant 0 : i32
      %dma_start3A_1257 = arith.constant 0 : i32
      %dma_start3A_1258 = tpu.memref_slice %arg2[%dma_start3A_1256, %dma_start3A_1257] : memref<10000x128xf32, #tpu.memory_space<hbm>> -> memref<10000x128xf32, #tpu.memory_space<hbm>>
      tpu.enqueue_indirect_dma source(%dma_start3A_1258 : memref<10000x128xf32, #tpu.memory_space<hbm>>) target(%dma_start3A_1252 : memref<80x128xf32, #tpu.memory_space<vmem>>) offsets(%dma_start3A_1255 : memref<80xi32, #tpu.memory_space<vmem>>) semaphore(%arg13 : memref<!tpu.dma_semaphore, #tpu.memory_space<semaphore_mem>>)
      %get3A_1259 = arith.constant 18 : i32
      %get3A_1260 = arith.index_cast %get3A_1259 : i32 to index
      %get3A_1261 = arith.constant 0 : index
      %get3A_1262 = tpu.vector_load %arg9[%get3A_1260, %get3A_1261] {strides = array<i32>} : memref<25x80xi32, #tpu.memory_space<vmem>>, vector<16xi32>,
      tpu.vector_store_idx %arg11[%get3A_1262], %broadcast_in_dim3A_9 {add = true} : memref<10240xf32, #tpu.memory_space<vmem>>[vector<16xi32>], vector<16xf32>,
      %get3A_1263 = arith.constant 18 : i32
      %get3A_1264 = arith.index_cast %get3A_1263 : i32 to index
      %get3A_1265 = arith.constant 16 : index
      %get3A_1266 = tpu.vector_load %arg9[%get3A_1264, %get3A_1265] {strides = array<i32>} : memref<25x80xi32, #tpu.memory_space<vmem>>, vector<16xi32>,
      tpu.vector_store_idx %arg11[%get3A_1266], %broadcast_in_dim3A_9 {add = true} : memref<10240xf32, #tpu.memory_space<vmem>>[vector<16xi32>], vector<16xf32>,
      %get3A_1267 = arith.constant 18 : i32
      %get3A_1268 = arith.index_cast %get3A_1267 : i32 to index
      %get3A_1269 = arith.constant 32 : index
      %get3A_1270 = tpu.vector_load %arg9[%get3A_1268, %get3A_1269] {strides = array<i32>} : memref<25x80xi32, #tpu.memory_space<vmem>>, vector<16xi32>,
      tpu.vector_store_idx %arg11[%get3A_1270], %broadcast_in_dim3A_9 {add = true} : memref<10240xf32, #tpu.memory_space<vmem>>[vector<16xi32>], vector<16xf32>,
      %get3A_1271 = arith.constant 18 : i32
      %get3A_1272 = arith.index_cast %get3A_1271 : i32 to index
      %get3A_1273 = arith.constant 48 : index
      %get3A_1274 = tpu.vector_load %arg9[%get3A_1272, %get3A_1273] {strides = array<i32>} : memref<25x80xi32, #tpu.memory_space<vmem>>, vector<16xi32>,
      tpu.vector_store_idx %arg11[%get3A_1274], %broadcast_in_dim3A_9 {add = true} : memref<10240xf32, #tpu.memory_space<vmem>>[vector<16xi32>], vector<16xf32>,
      %get3A_1275 = arith.constant 18 : i32
      %get3A_1276 = arith.index_cast %get3A_1275 : i32 to index
      %get3A_1277 = arith.constant 64 : index
      %get3A_1278 = tpu.vector_load %arg9[%get3A_1276, %get3A_1277] {strides = array<i32>} : memref<25x80xi32, #tpu.memory_space<vmem>>, vector<16xi32>,
      tpu.vector_store_idx %arg11[%get3A_1278], %broadcast_in_dim3A_9 {add = true} : memref<10240xf32, #tpu.memory_space<vmem>>[vector<16xi32>], vector<16xf32>,
      %dma_wait3A_1279 = arith.constant 18 : i32
      %dma_wait3A_1280 = arith.constant 0 : i32
      %dma_wait3A_1281 = arith.constant 0 : i32
      %dma_wait3A_1282 = arith.constant 0 : i32
      %dma_wait3A_1283 = tpu.memref_slice %arg10[%dma_wait3A_1280, %dma_wait3A_1281, %dma_wait3A_1282] : memref<3x80x128xf32, #tpu.memory_space<vmem>> -> memref<1x80x128xf32, #tpu.memory_space<vmem>>
      %dma_wait3A_1284 = tpu.memref_squeeze %dma_wait3A_1283 : memref<1x80x128xf32, #tpu.memory_space<vmem>> -> memref<80x128xf32, #tpu.memory_space<vmem>>
      %dma_wait3A_1285 = arith.constant 0 : i32
      %dma_wait3A_1286 = tpu.memref_slice %arg8[%dma_wait3A_1279, %dma_wait3A_1285] : memref<25x80xi32, #tpu.memory_space<vmem>> -> memref<1x80xi32, #tpu.memory_space<vmem>>
      %dma_wait3A_1287 = tpu.memref_squeeze %dma_wait3A_1286 : memref<1x80xi32, #tpu.memory_space<vmem>> -> memref<80xi32, #tpu.memory_space<vmem>>
      %dma_wait3A_1288 = arith.constant 0 : i32
      %dma_wait3A_1289 = arith.constant 0 : i32
      %dma_wait3A_1290 = tpu.memref_slice %arg2[%dma_wait3A_1288, %dma_wait3A_1289] : memref<10000x128xf32, #tpu.memory_space<hbm>> -> memref<10000x128xf32, #tpu.memory_space<hbm>>
      tpu.wait_indirect_dma semaphore(%arg12 : memref<!tpu.dma_semaphore, #tpu.memory_space<semaphore_mem>>) src(%dma_wait3A_1290 : memref<10000x128xf32, #tpu.memory_space<hbm>>) dst(%dma_wait3A_1284 : memref<80x128xf32, #tpu.memory_space<vmem>>)
      %dma_start3A_1291 = arith.constant 0 : i32
      %dma_start3A_1292 = arith.constant 18 : i32
      %dma_start3A_1293 = arith.constant 0 : i32
      %dma_start3A_1294 = arith.constant 0 : i32
      %dma_start3A_1295 = tpu.memref_slice %arg10[%dma_start3A_1291, %dma_start3A_1293, %dma_start3A_1294] : memref<3x80x128xf32, #tpu.memory_space<vmem>> -> memref<1x80x128xf32, #tpu.memory_space<vmem>>
      %dma_start3A_1296 = tpu.memref_squeeze %dma_start3A_1295 : memref<1x80x128xf32, #tpu.memory_space<vmem>> -> memref<80x128xf32, #tpu.memory_space<vmem>>
      %dma_start3A_1297 = arith.constant 0 : i32
      %dma_start3A_1298 = tpu.memref_slice %arg9[%dma_start3A_1292, %dma_start3A_1297] : memref<25x80xi32, #tpu.memory_space<vmem>> -> memref<1x80xi32, #tpu.memory_space<vmem>>
      %dma_start3A_1299 = tpu.memref_squeeze %dma_start3A_1298 : memref<1x80xi32, #tpu.memory_space<vmem>> -> memref<80xi32, #tpu.memory_space<vmem>>
      %dma_start3A_1300 = arith.constant 0 : i32
      %dma_start3A_1301 = arith.constant 0 : i32
      %dma_start3A_1302 = tpu.memref_slice %arg7[%dma_start3A_1300, %dma_start3A_1301] : memref<10240x128xf32, #tpu.memory_space<vmem_shared>> -> memref<10240x128xf32, #tpu.memory_space<vmem_shared>>
      tpu.enqueue_indirect_dma source(%dma_start3A_1296 : memref<80x128xf32, #tpu.memory_space<vmem>>) target(%dma_start3A_1302 : memref<10240x128xf32, #tpu.memory_space<vmem_shared>>) offsets(%dma_start3A_1299 : memref<80xi32, #tpu.memory_space<vmem>>) semaphore(%arg15 : memref<!tpu.dma_semaphore, #tpu.memory_space<semaphore_mem>>) {add = true}
      %dma_wait3A_1303 = arith.constant 2 : i32
      %dma_wait3A_1304 = arith.constant 17 : i32
      %dma_wait3A_1305 = arith.constant 0 : i32
      %dma_wait3A_1306 = arith.constant 0 : i32
      %dma_wait3A_1307 = tpu.memref_slice %arg10[%dma_wait3A_1303, %dma_wait3A_1305, %dma_wait3A_1306] : memref<3x80x128xf32, #tpu.memory_space<vmem>> -> memref<1x80x128xf32, #tpu.memory_space<vmem>>
      %dma_wait3A_1308 = tpu.memref_squeeze %dma_wait3A_1307 : memref<1x80x128xf32, #tpu.memory_space<vmem>> -> memref<80x128xf32, #tpu.memory_space<vmem>>
      %dma_wait3A_1309 = arith.constant 0 : i32
      %dma_wait3A_1310 = tpu.memref_slice %arg9[%dma_wait3A_1304, %dma_wait3A_1309] : memref<25x80xi32, #tpu.memory_space<vmem>> -> memref<1x80xi32, #tpu.memory_space<vmem>>
      %dma_wait3A_1311 = tpu.memref_squeeze %dma_wait3A_1310 : memref<1x80xi32, #tpu.memory_space<vmem>> -> memref<80xi32, #tpu.memory_space<vmem>>
      %dma_wait3A_1312 = arith.constant 0 : i32
      %dma_wait3A_1313 = arith.constant 0 : i32
      %dma_wait3A_1314 = tpu.memref_slice %arg7[%dma_wait3A_1312, %dma_wait3A_1313] : memref<10240x128xf32, #tpu.memory_space<vmem_shared>> -> memref<10240x128xf32, #tpu.memory_space<vmem_shared>>
      tpu.wait_indirect_dma semaphore(%arg17 : memref<!tpu.dma_semaphore, #tpu.memory_space<semaphore_mem>>) src(%dma_wait3A_1308 : memref<80x128xf32, #tpu.memory_space<vmem>>) dst(%dma_wait3A_1314 : memref<10240x128xf32, #tpu.memory_space<vmem_shared>>)
      %dma_start3A_1315 = arith.constant 20 : i32
      %dma_start3A_1316 = arith.constant 2 : i32
      %dma_start3A_1317 = arith.constant 0 : i32
      %dma_start3A_1318 = arith.constant 0 : i32
      %dma_start3A_1319 = tpu.memref_slice %arg10[%dma_start3A_1316, %dma_start3A_1317, %dma_start3A_1318] : memref<3x80x128xf32, #tpu.memory_space<vmem>> -> memref<1x80x128xf32, #tpu.memory_space<vmem>>
      %dma_start3A_1320 = tpu.memref_squeeze %dma_start3A_1319 : memref<1x80x128xf32, #tpu.memory_space<vmem>> -> memref<80x128xf32, #tpu.memory_space<vmem>>
      %dma_start3A_1321 = arith.constant 0 : i32
      %dma_start3A_1322 = tpu.memref_slice %arg8[%dma_start3A_1315, %dma_start3A_1321] : memref<25x80xi32, #tpu.memory_space<vmem>> -> memref<1x80xi32, #tpu.memory_space<vmem>>
      %dma_start3A_1323 = tpu.memref_squeeze %dma_start3A_1322 : memref<1x80xi32, #tpu.memory_space<vmem>> -> memref<80xi32, #tpu.memory_space<vmem>>
      %dma_start3A_1324 = arith.constant 0 : i32
      %dma_start3A_1325 = arith.constant 0 : i32
      %dma_start3A_1326 = tpu.memref_slice %arg2[%dma_start3A_1324, %dma_start3A_1325] : memref<10000x128xf32, #tpu.memory_space<hbm>> -> memref<10000x128xf32, #tpu.memory_space<hbm>>
      tpu.enqueue_indirect_dma source(%dma_start3A_1326 : memref<10000x128xf32, #tpu.memory_space<hbm>>) target(%dma_start3A_1320 : memref<80x128xf32, #tpu.memory_space<vmem>>) offsets(%dma_start3A_1323 : memref<80xi32, #tpu.memory_space<vmem>>) semaphore(%arg14 : memref<!tpu.dma_semaphore, #tpu.memory_space<semaphore_mem>>)
      %get3A_1327 = arith.constant 19 : i32
      %get3A_1328 = arith.index_cast %get3A_1327 : i32 to index
      %get3A_1329 = arith.constant 0 : index
      %get3A_1330 = tpu.vector_load %arg9[%get3A_1328, %get3A_1329] {strides = array<i32>} : memref<25x80xi32, #tpu.memory_space<vmem>>, vector<16xi32>,
      tpu.vector_store_idx %arg11[%get3A_1330], %broadcast_in_dim3A_9 {add = true} : memref<10240xf32, #tpu.memory_space<vmem>>[vector<16xi32>], vector<16xf32>,
      %get3A_1331 = arith.constant 19 : i32
      %get3A_1332 = arith.index_cast %get3A_1331 : i32 to index
      %get3A_1333 = arith.constant 16 : index
      %get3A_1334 = tpu.vector_load %arg9[%get3A_1332, %get3A_1333] {strides = array<i32>} : memref<25x80xi32, #tpu.memory_space<vmem>>, vector<16xi32>,
      tpu.vector_store_idx %arg11[%get3A_1334], %broadcast_in_dim3A_9 {add = true} : memref<10240xf32, #tpu.memory_space<vmem>>[vector<16xi32>], vector<16xf32>,
      %get3A_1335 = arith.constant 19 : i32
      %get3A_1336 = arith.index_cast %get3A_1335 : i32 to index
      %get3A_1337 = arith.constant 32 : index
      %get3A_1338 = tpu.vector_load %arg9[%get3A_1336, %get3A_1337] {strides = array<i32>} : memref<25x80xi32, #tpu.memory_space<vmem>>, vector<16xi32>,
      tpu.vector_store_idx %arg11[%get3A_1338], %broadcast_in_dim3A_9 {add = true} : memref<10240xf32, #tpu.memory_space<vmem>>[vector<16xi32>], vector<16xf32>,
      %get3A_1339 = arith.constant 19 : i32
      %get3A_1340 = arith.index_cast %get3A_1339 : i32 to index
      %get3A_1341 = arith.constant 48 : index
      %get3A_1342 = tpu.vector_load %arg9[%get3A_1340, %get3A_1341] {strides = array<i32>} : memref<25x80xi32, #tpu.memory_space<vmem>>, vector<16xi32>,
      tpu.vector_store_idx %arg11[%get3A_1342], %broadcast_in_dim3A_9 {add = true} : memref<10240xf32, #tpu.memory_space<vmem>>[vector<16xi32>], vector<16xf32>,
      %get3A_1343 = arith.constant 19 : i32
      %get3A_1344 = arith.index_cast %get3A_1343 : i32 to index
      %get3A_1345 = arith.constant 64 : index
      %get3A_1346 = tpu.vector_load %arg9[%get3A_1344, %get3A_1345] {strides = array<i32>} : memref<25x80xi32, #tpu.memory_space<vmem>>, vector<16xi32>,
      tpu.vector_store_idx %arg11[%get3A_1346], %broadcast_in_dim3A_9 {add = true} : memref<10240xf32, #tpu.memory_space<vmem>>[vector<16xi32>], vector<16xf32>,
      %dma_wait3A_1347 = arith.constant 19 : i32
      %dma_wait3A_1348 = arith.constant 1 : i32
      %dma_wait3A_1349 = arith.constant 0 : i32
      %dma_wait3A_1350 = arith.constant 0 : i32
      %dma_wait3A_1351 = tpu.memref_slice %arg10[%dma_wait3A_1348, %dma_wait3A_1349, %dma_wait3A_1350] : memref<3x80x128xf32, #tpu.memory_space<vmem>> -> memref<1x80x128xf32, #tpu.memory_space<vmem>>
      %dma_wait3A_1352 = tpu.memref_squeeze %dma_wait3A_1351 : memref<1x80x128xf32, #tpu.memory_space<vmem>> -> memref<80x128xf32, #tpu.memory_space<vmem>>
      %dma_wait3A_1353 = arith.constant 0 : i32
      %dma_wait3A_1354 = tpu.memref_slice %arg8[%dma_wait3A_1347, %dma_wait3A_1353] : memref<25x80xi32, #tpu.memory_space<vmem>> -> memref<1x80xi32, #tpu.memory_space<vmem>>
      %dma_wait3A_1355 = tpu.memref_squeeze %dma_wait3A_1354 : memref<1x80xi32, #tpu.memory_space<vmem>> -> memref<80xi32, #tpu.memory_space<vmem>>
      %dma_wait3A_1356 = arith.constant 0 : i32
      %dma_wait3A_1357 = arith.constant 0 : i32
      %dma_wait3A_1358 = tpu.memref_slice %arg2[%dma_wait3A_1356, %dma_wait3A_1357] : memref<10000x128xf32, #tpu.memory_space<hbm>> -> memref<10000x128xf32, #tpu.memory_space<hbm>>
      tpu.wait_indirect_dma semaphore(%arg13 : memref<!tpu.dma_semaphore, #tpu.memory_space<semaphore_mem>>) src(%dma_wait3A_1358 : memref<10000x128xf32, #tpu.memory_space<hbm>>) dst(%dma_wait3A_1352 : memref<80x128xf32, #tpu.memory_space<vmem>>)
      %dma_start3A_1359 = arith.constant 1 : i32
      %dma_start3A_1360 = arith.constant 19 : i32
      %dma_start3A_1361 = arith.constant 0 : i32
      %dma_start3A_1362 = arith.constant 0 : i32
      %dma_start3A_1363 = tpu.memref_slice %arg10[%dma_start3A_1359, %dma_start3A_1361, %dma_start3A_1362] : memref<3x80x128xf32, #tpu.memory_space<vmem>> -> memref<1x80x128xf32, #tpu.memory_space<vmem>>
      %dma_start3A_1364 = tpu.memref_squeeze %dma_start3A_1363 : memref<1x80x128xf32, #tpu.memory_space<vmem>> -> memref<80x128xf32, #tpu.memory_space<vmem>>
      %dma_start3A_1365 = arith.constant 0 : i32
      %dma_start3A_1366 = tpu.memref_slice %arg9[%dma_start3A_1360, %dma_start3A_1365] : memref<25x80xi32, #tpu.memory_space<vmem>> -> memref<1x80xi32, #tpu.memory_space<vmem>>
      %dma_start3A_1367 = tpu.memref_squeeze %dma_start3A_1366 : memref<1x80xi32, #tpu.memory_space<vmem>> -> memref<80xi32, #tpu.memory_space<vmem>>
      %dma_start3A_1368 = arith.constant 0 : i32
      %dma_start3A_1369 = arith.constant 0 : i32
      %dma_start3A_1370 = tpu.memref_slice %arg7[%dma_start3A_1368, %dma_start3A_1369] : memref<10240x128xf32, #tpu.memory_space<vmem_shared>> -> memref<10240x128xf32, #tpu.memory_space<vmem_shared>>
      tpu.enqueue_indirect_dma source(%dma_start3A_1364 : memref<80x128xf32, #tpu.memory_space<vmem>>) target(%dma_start3A_1370 : memref<10240x128xf32, #tpu.memory_space<vmem_shared>>) offsets(%dma_start3A_1367 : memref<80xi32, #tpu.memory_space<vmem>>) semaphore(%arg16 : memref<!tpu.dma_semaphore, #tpu.memory_space<semaphore_mem>>) {add = true}
      %dma_wait3A_1371 = arith.constant 0 : i32
      %dma_wait3A_1372 = arith.constant 18 : i32
      %dma_wait3A_1373 = arith.constant 0 : i32
      %dma_wait3A_1374 = arith.constant 0 : i32
      %dma_wait3A_1375 = tpu.memref_slice %arg10[%dma_wait3A_1371, %dma_wait3A_1373, %dma_wait3A_1374] : memref<3x80x128xf32, #tpu.memory_space<vmem>> -> memref<1x80x128xf32, #tpu.memory_space<vmem>>
      %dma_wait3A_1376 = tpu.memref_squeeze %dma_wait3A_1375 : memref<1x80x128xf32, #tpu.memory_space<vmem>> -> memref<80x128xf32, #tpu.memory_space<vmem>>
      %dma_wait3A_1377 = arith.constant 0 : i32
      %dma_wait3A_1378 = tpu.memref_slice %arg9[%dma_wait3A_1372, %dma_wait3A_1377] : memref<25x80xi32, #tpu.memory_space<vmem>> -> memref<1x80xi32, #tpu.memory_space<vmem>>
      %dma_wait3A_1379 = tpu.memref_squeeze %dma_wait3A_1378 : memref<1x80xi32, #tpu.memory_space<vmem>> -> memref<80xi32, #tpu.memory_space<vmem>>
      %dma_wait3A_1380 = arith.constant 0 : i32
      %dma_wait3A_1381 = arith.constant 0 : i32
      %dma_wait3A_1382 = tpu.memref_slice %arg7[%dma_wait3A_1380, %dma_wait3A_1381] : memref<10240x128xf32, #tpu.memory_space<vmem_shared>> -> memref<10240x128xf32, #tpu.memory_space<vmem_shared>>
      tpu.wait_indirect_dma semaphore(%arg15 : memref<!tpu.dma_semaphore, #tpu.memory_space<semaphore_mem>>) src(%dma_wait3A_1376 : memref<80x128xf32, #tpu.memory_space<vmem>>) dst(%dma_wait3A_1382 : memref<10240x128xf32, #tpu.memory_space<vmem_shared>>)
      %dma_start3A_1383 = arith.constant 21 : i32
      %dma_start3A_1384 = arith.constant 0 : i32
      %dma_start3A_1385 = arith.constant 0 : i32
      %dma_start3A_1386 = arith.constant 0 : i32
      %dma_start3A_1387 = tpu.memref_slice %arg10[%dma_start3A_1384, %dma_start3A_1385, %dma_start3A_1386] : memref<3x80x128xf32, #tpu.memory_space<vmem>> -> memref<1x80x128xf32, #tpu.memory_space<vmem>>
      %dma_start3A_1388 = tpu.memref_squeeze %dma_start3A_1387 : memref<1x80x128xf32, #tpu.memory_space<vmem>> -> memref<80x128xf32, #tpu.memory_space<vmem>>
      %dma_start3A_1389 = arith.constant 0 : i32
      %dma_start3A_1390 = tpu.memref_slice %arg8[%dma_start3A_1383, %dma_start3A_1389] : memref<25x80xi32, #tpu.memory_space<vmem>> -> memref<1x80xi32, #tpu.memory_space<vmem>>
      %dma_start3A_1391 = tpu.memref_squeeze %dma_start3A_1390 : memref<1x80xi32, #tpu.memory_space<vmem>> -> memref<80xi32, #tpu.memory_space<vmem>>
      %dma_start3A_1392 = arith.constant 0 : i32
      %dma_start3A_1393 = arith.constant 0 : i32
      %dma_start3A_1394 = tpu.memref_slice %arg2[%dma_start3A_1392, %dma_start3A_1393] : memref<10000x128xf32, #tpu.memory_space<hbm>> -> memref<10000x128xf32, #tpu.memory_space<hbm>>
      tpu.enqueue_indirect_dma source(%dma_start3A_1394 : memref<10000x128xf32, #tpu.memory_space<hbm>>) target(%dma_start3A_1388 : memref<80x128xf32, #tpu.memory_space<vmem>>) offsets(%dma_start3A_1391 : memref<80xi32, #tpu.memory_space<vmem>>) semaphore(%arg12 : memref<!tpu.dma_semaphore, #tpu.memory_space<semaphore_mem>>)
      %get3A_1395 = arith.constant 20 : i32
      %get3A_1396 = arith.index_cast %get3A_1395 : i32 to index
      %get3A_1397 = arith.constant 0 : index
      %get3A_1398 = tpu.vector_load %arg9[%get3A_1396, %get3A_1397] {strides = array<i32>} : memref<25x80xi32, #tpu.memory_space<vmem>>, vector<16xi32>,
      tpu.vector_store_idx %arg11[%get3A_1398], %broadcast_in_dim3A_9 {add = true} : memref<10240xf32, #tpu.memory_space<vmem>>[vector<16xi32>], vector<16xf32>,
      %get3A_1399 = arith.constant 20 : i32
      %get3A_1400 = arith.index_cast %get3A_1399 : i32 to index
      %get3A_1401 = arith.constant 16 : index
      %get3A_1402 = tpu.vector_load %arg9[%get3A_1400, %get3A_1401] {strides = array<i32>} : memref<25x80xi32, #tpu.memory_space<vmem>>, vector<16xi32>,
      tpu.vector_store_idx %arg11[%get3A_1402], %broadcast_in_dim3A_9 {add = true} : memref<10240xf32, #tpu.memory_space<vmem>>[vector<16xi32>], vector<16xf32>,
      %get3A_1403 = arith.constant 20 : i32
      %get3A_1404 = arith.index_cast %get3A_1403 : i32 to index
      %get3A_1405 = arith.constant 32 : index
      %get3A_1406 = tpu.vector_load %arg9[%get3A_1404, %get3A_1405] {strides = array<i32>} : memref<25x80xi32, #tpu.memory_space<vmem>>, vector<16xi32>,
      tpu.vector_store_idx %arg11[%get3A_1406], %broadcast_in_dim3A_9 {add = true} : memref<10240xf32, #tpu.memory_space<vmem>>[vector<16xi32>], vector<16xf32>,
      %get3A_1407 = arith.constant 20 : i32
      %get3A_1408 = arith.index_cast %get3A_1407 : i32 to index
      %get3A_1409 = arith.constant 48 : index
      %get3A_1410 = tpu.vector_load %arg9[%get3A_1408, %get3A_1409] {strides = array<i32>} : memref<25x80xi32, #tpu.memory_space<vmem>>, vector<16xi32>,
      tpu.vector_store_idx %arg11[%get3A_1410], %broadcast_in_dim3A_9 {add = true} : memref<10240xf32, #tpu.memory_space<vmem>>[vector<16xi32>], vector<16xf32>,
      %get3A_1411 = arith.constant 20 : i32
      %get3A_1412 = arith.index_cast %get3A_1411 : i32 to index
      %get3A_1413 = arith.constant 64 : index
      %get3A_1414 = tpu.vector_load %arg9[%get3A_1412, %get3A_1413] {strides = array<i32>} : memref<25x80xi32, #tpu.memory_space<vmem>>, vector<16xi32>,
      tpu.vector_store_idx %arg11[%get3A_1414], %broadcast_in_dim3A_9 {add = true} : memref<10240xf32, #tpu.memory_space<vmem>>[vector<16xi32>], vector<16xf32>,
      %dma_wait3A_1415 = arith.constant 20 : i32
      %dma_wait3A_1416 = arith.constant 2 : i32
      %dma_wait3A_1417 = arith.constant 0 : i32
      %dma_wait3A_1418 = arith.constant 0 : i32
      %dma_wait3A_1419 = tpu.memref_slice %arg10[%dma_wait3A_1416, %dma_wait3A_1417, %dma_wait3A_1418] : memref<3x80x128xf32, #tpu.memory_space<vmem>> -> memref<1x80x128xf32, #tpu.memory_space<vmem>>
      %dma_wait3A_1420 = tpu.memref_squeeze %dma_wait3A_1419 : memref<1x80x128xf32, #tpu.memory_space<vmem>> -> memref<80x128xf32, #tpu.memory_space<vmem>>
      %dma_wait3A_1421 = arith.constant 0 : i32
      %dma_wait3A_1422 = tpu.memref_slice %arg8[%dma_wait3A_1415, %dma_wait3A_1421] : memref<25x80xi32, #tpu.memory_space<vmem>> -> memref<1x80xi32, #tpu.memory_space<vmem>>
      %dma_wait3A_1423 = tpu.memref_squeeze %dma_wait3A_1422 : memref<1x80xi32, #tpu.memory_space<vmem>> -> memref<80xi32, #tpu.memory_space<vmem>>
      %dma_wait3A_1424 = arith.constant 0 : i32
      %dma_wait3A_1425 = arith.constant 0 : i32
      %dma_wait3A_1426 = tpu.memref_slice %arg2[%dma_wait3A_1424, %dma_wait3A_1425] : memref<10000x128xf32, #tpu.memory_space<hbm>> -> memref<10000x128xf32, #tpu.memory_space<hbm>>
      tpu.wait_indirect_dma semaphore(%arg14 : memref<!tpu.dma_semaphore, #tpu.memory_space<semaphore_mem>>) src(%dma_wait3A_1426 : memref<10000x128xf32, #tpu.memory_space<hbm>>) dst(%dma_wait3A_1420 : memref<80x128xf32, #tpu.memory_space<vmem>>)
      %dma_start3A_1427 = arith.constant 2 : i32
      %dma_start3A_1428 = arith.constant 20 : i32
      %dma_start3A_1429 = arith.constant 0 : i32
      %dma_start3A_1430 = arith.constant 0 : i32
      %dma_start3A_1431 = tpu.memref_slice %arg10[%dma_start3A_1427, %dma_start3A_1429, %dma_start3A_1430] : memref<3x80x128xf32, #tpu.memory_space<vmem>> -> memref<1x80x128xf32, #tpu.memory_space<vmem>>
      %dma_start3A_1432 = tpu.memref_squeeze %dma_start3A_1431 : memref<1x80x128xf32, #tpu.memory_space<vmem>> -> memref<80x128xf32, #tpu.memory_space<vmem>>
      %dma_start3A_1433 = arith.constant 0 : i32
      %dma_start3A_1434 = tpu.memref_slice %arg9[%dma_start3A_1428, %dma_start3A_1433] : memref<25x80xi32, #tpu.memory_space<vmem>> -> memref<1x80xi32, #tpu.memory_space<vmem>>
      %dma_start3A_1435 = tpu.memref_squeeze %dma_start3A_1434 : memref<1x80xi32, #tpu.memory_space<vmem>> -> memref<80xi32, #tpu.memory_space<vmem>>
      %dma_start3A_1436 = arith.constant 0 : i32
      %dma_start3A_1437 = arith.constant 0 : i32
      %dma_start3A_1438 = tpu.memref_slice %arg7[%dma_start3A_1436, %dma_start3A_1437] : memref<10240x128xf32, #tpu.memory_space<vmem_shared>> -> memref<10240x128xf32, #tpu.memory_space<vmem_shared>>
      tpu.enqueue_indirect_dma source(%dma_start3A_1432 : memref<80x128xf32, #tpu.memory_space<vmem>>) target(%dma_start3A_1438 : memref<10240x128xf32, #tpu.memory_space<vmem_shared>>) offsets(%dma_start3A_1435 : memref<80xi32, #tpu.memory_space<vmem>>) semaphore(%arg17 : memref<!tpu.dma_semaphore, #tpu.memory_space<semaphore_mem>>) {add = true}
      %dma_wait3A_1439 = arith.constant 1 : i32
      %dma_wait3A_1440 = arith.constant 19 : i32
      %dma_wait3A_1441 = arith.constant 0 : i32
      %dma_wait3A_1442 = arith.constant 0 : i32
      %dma_wait3A_1443 = tpu.memref_slice %arg10[%dma_wait3A_1439, %dma_wait3A_1441, %dma_wait3A_1442] : memref<3x80x128xf32, #tpu.memory_space<vmem>> -> memref<1x80x128xf32, #tpu.memory_space<vmem>>
      %dma_wait3A_1444 = tpu.memref_squeeze %dma_wait3A_1443 : memref<1x80x128xf32, #tpu.memory_space<vmem>> -> memref<80x128xf32, #tpu.memory_space<vmem>>
      %dma_wait3A_1445 = arith.constant 0 : i32
      %dma_wait3A_1446 = tpu.memref_slice %arg9[%dma_wait3A_1440, %dma_wait3A_1445] : memref<25x80xi32, #tpu.memory_space<vmem>> -> memref<1x80xi32, #tpu.memory_space<vmem>>
      %dma_wait3A_1447 = tpu.memref_squeeze %dma_wait3A_1446 : memref<1x80xi32, #tpu.memory_space<vmem>> -> memref<80xi32, #tpu.memory_space<vmem>>
      %dma_wait3A_1448 = arith.constant 0 : i32
      %dma_wait3A_1449 = arith.constant 0 : i32
      %dma_wait3A_1450 = tpu.memref_slice %arg7[%dma_wait3A_1448, %dma_wait3A_1449] : memref<10240x128xf32, #tpu.memory_space<vmem_shared>> -> memref<10240x128xf32, #tpu.memory_space<vmem_shared>>
      tpu.wait_indirect_dma semaphore(%arg16 : memref<!tpu.dma_semaphore, #tpu.memory_space<semaphore_mem>>) src(%dma_wait3A_1444 : memref<80x128xf32, #tpu.memory_space<vmem>>) dst(%dma_wait3A_1450 : memref<10240x128xf32, #tpu.memory_space<vmem_shared>>)
      %dma_start3A_1451 = arith.constant 22 : i32
      %dma_start3A_1452 = arith.constant 1 : i32
      %dma_start3A_1453 = arith.constant 0 : i32
      %dma_start3A_1454 = arith.constant 0 : i32
      %dma_start3A_1455 = tpu.memref_slice %arg10[%dma_start3A_1452, %dma_start3A_1453, %dma_start3A_1454] : memref<3x80x128xf32, #tpu.memory_space<vmem>> -> memref<1x80x128xf32, #tpu.memory_space<vmem>>
      %dma_start3A_1456 = tpu.memref_squeeze %dma_start3A_1455 : memref<1x80x128xf32, #tpu.memory_space<vmem>> -> memref<80x128xf32, #tpu.memory_space<vmem>>
      %dma_start3A_1457 = arith.constant 0 : i32
      %dma_start3A_1458 = tpu.memref_slice %arg8[%dma_start3A_1451, %dma_start3A_1457] : memref<25x80xi32, #tpu.memory_space<vmem>> -> memref<1x80xi32, #tpu.memory_space<vmem>>
      %dma_start3A_1459 = tpu.memref_squeeze %dma_start3A_1458 : memref<1x80xi32, #tpu.memory_space<vmem>> -> memref<80xi32, #tpu.memory_space<vmem>>
      %dma_start3A_1460 = arith.constant 0 : i32
      %dma_start3A_1461 = arith.constant 0 : i32
      %dma_start3A_1462 = tpu.memref_slice %arg2[%dma_start3A_1460, %dma_start3A_1461] : memref<10000x128xf32, #tpu.memory_space<hbm>> -> memref<10000x128xf32, #tpu.memory_space<hbm>>
      tpu.enqueue_indirect_dma source(%dma_start3A_1462 : memref<10000x128xf32, #tpu.memory_space<hbm>>) target(%dma_start3A_1456 : memref<80x128xf32, #tpu.memory_space<vmem>>) offsets(%dma_start3A_1459 : memref<80xi32, #tpu.memory_space<vmem>>) semaphore(%arg13 : memref<!tpu.dma_semaphore, #tpu.memory_space<semaphore_mem>>)
      %get3A_1463 = arith.constant 21 : i32
      %get3A_1464 = arith.index_cast %get3A_1463 : i32 to index
      %get3A_1465 = arith.constant 0 : index
      %get3A_1466 = tpu.vector_load %arg9[%get3A_1464, %get3A_1465] {strides = array<i32>} : memref<25x80xi32, #tpu.memory_space<vmem>>, vector<16xi32>,
      tpu.vector_store_idx %arg11[%get3A_1466], %broadcast_in_dim3A_9 {add = true} : memref<10240xf32, #tpu.memory_space<vmem>>[vector<16xi32>], vector<16xf32>,
      %get3A_1467 = arith.constant 21 : i32
      %get3A_1468 = arith.index_cast %get3A_1467 : i32 to index
      %get3A_1469 = arith.constant 16 : index
      %get3A_1470 = tpu.vector_load %arg9[%get3A_1468, %get3A_1469] {strides = array<i32>} : memref<25x80xi32, #tpu.memory_space<vmem>>, vector<16xi32>,
      tpu.vector_store_idx %arg11[%get3A_1470], %broadcast_in_dim3A_9 {add = true} : memref<10240xf32, #tpu.memory_space<vmem>>[vector<16xi32>], vector<16xf32>,
      %get3A_1471 = arith.constant 21 : i32
      %get3A_1472 = arith.index_cast %get3A_1471 : i32 to index
      %get3A_1473 = arith.constant 32 : index
      %get3A_1474 = tpu.vector_load %arg9[%get3A_1472, %get3A_1473] {strides = array<i32>} : memref<25x80xi32, #tpu.memory_space<vmem>>, vector<16xi32>,
      tpu.vector_store_idx %arg11[%get3A_1474], %broadcast_in_dim3A_9 {add = true} : memref<10240xf32, #tpu.memory_space<vmem>>[vector<16xi32>], vector<16xf32>,
      %get3A_1475 = arith.constant 21 : i32
      %get3A_1476 = arith.index_cast %get3A_1475 : i32 to index
      %get3A_1477 = arith.constant 48 : index
      %get3A_1478 = tpu.vector_load %arg9[%get3A_1476, %get3A_1477] {strides = array<i32>} : memref<25x80xi32, #tpu.memory_space<vmem>>, vector<16xi32>,
      tpu.vector_store_idx %arg11[%get3A_1478], %broadcast_in_dim3A_9 {add = true} : memref<10240xf32, #tpu.memory_space<vmem>>[vector<16xi32>], vector<16xf32>,
      %get3A_1479 = arith.constant 21 : i32
      %get3A_1480 = arith.index_cast %get3A_1479 : i32 to index
      %get3A_1481 = arith.constant 64 : index
      %get3A_1482 = tpu.vector_load %arg9[%get3A_1480, %get3A_1481] {strides = array<i32>} : memref<25x80xi32, #tpu.memory_space<vmem>>, vector<16xi32>,
      tpu.vector_store_idx %arg11[%get3A_1482], %broadcast_in_dim3A_9 {add = true} : memref<10240xf32, #tpu.memory_space<vmem>>[vector<16xi32>], vector<16xf32>,
      %dma_wait3A_1483 = arith.constant 21 : i32
      %dma_wait3A_1484 = arith.constant 0 : i32
      %dma_wait3A_1485 = arith.constant 0 : i32
      %dma_wait3A_1486 = arith.constant 0 : i32
      %dma_wait3A_1487 = tpu.memref_slice %arg10[%dma_wait3A_1484, %dma_wait3A_1485, %dma_wait3A_1486] : memref<3x80x128xf32, #tpu.memory_space<vmem>> -> memref<1x80x128xf32, #tpu.memory_space<vmem>>
      %dma_wait3A_1488 = tpu.memref_squeeze %dma_wait3A_1487 : memref<1x80x128xf32, #tpu.memory_space<vmem>> -> memref<80x128xf32, #tpu.memory_space<vmem>>
      %dma_wait3A_1489 = arith.constant 0 : i32
      %dma_wait3A_1490 = tpu.memref_slice %arg8[%dma_wait3A_1483, %dma_wait3A_1489] : memref<25x80xi32, #tpu.memory_space<vmem>> -> memref<1x80xi32, #tpu.memory_space<vmem>>
      %dma_wait3A_1491 = tpu.memref_squeeze %dma_wait3A_1490 : memref<1x80xi32, #tpu.memory_space<vmem>> -> memref<80xi32, #tpu.memory_space<vmem>>
      %dma_wait3A_1492 = arith.constant 0 : i32
      %dma_wait3A_1493 = arith.constant 0 : i32
      %dma_wait3A_1494 = tpu.memref_slice %arg2[%dma_wait3A_1492, %dma_wait3A_1493] : memref<10000x128xf32, #tpu.memory_space<hbm>> -> memref<10000x128xf32, #tpu.memory_space<hbm>>
      tpu.wait_indirect_dma semaphore(%arg12 : memref<!tpu.dma_semaphore, #tpu.memory_space<semaphore_mem>>) src(%dma_wait3A_1494 : memref<10000x128xf32, #tpu.memory_space<hbm>>) dst(%dma_wait3A_1488 : memref<80x128xf32, #tpu.memory_space<vmem>>)
      %dma_start3A_1495 = arith.constant 0 : i32
      %dma_start3A_1496 = arith.constant 21 : i32
      %dma_start3A_1497 = arith.constant 0 : i32
      %dma_start3A_1498 = arith.constant 0 : i32
      %dma_start3A_1499 = tpu.memref_slice %arg10[%dma_start3A_1495, %dma_start3A_1497, %dma_start3A_1498] : memref<3x80x128xf32, #tpu.memory_space<vmem>> -> memref<1x80x128xf32, #tpu.memory_space<vmem>>
      %dma_start3A_1500 = tpu.memref_squeeze %dma_start3A_1499 : memref<1x80x128xf32, #tpu.memory_space<vmem>> -> memref<80x128xf32, #tpu.memory_space<vmem>>
      %dma_start3A_1501 = arith.constant 0 : i32
      %dma_start3A_1502 = tpu.memref_slice %arg9[%dma_start3A_1496, %dma_start3A_1501] : memref<25x80xi32, #tpu.memory_space<vmem>> -> memref<1x80xi32, #tpu.memory_space<vmem>>
      %dma_start3A_1503 = tpu.memref_squeeze %dma_start3A_1502 : memref<1x80xi32, #tpu.memory_space<vmem>> -> memref<80xi32, #tpu.memory_space<vmem>>
      %dma_start3A_1504 = arith.constant 0 : i32
      %dma_start3A_1505 = arith.constant 0 : i32
      %dma_start3A_1506 = tpu.memref_slice %arg7[%dma_start3A_1504, %dma_start3A_1505] : memref<10240x128xf32, #tpu.memory_space<vmem_shared>> -> memref<10240x128xf32, #tpu.memory_space<vmem_shared>>
      tpu.enqueue_indirect_dma source(%dma_start3A_1500 : memref<80x128xf32, #tpu.memory_space<vmem>>) target(%dma_start3A_1506 : memref<10240x128xf32, #tpu.memory_space<vmem_shared>>) offsets(%dma_start3A_1503 : memref<80xi32, #tpu.memory_space<vmem>>) semaphore(%arg15 : memref<!tpu.dma_semaphore, #tpu.memory_space<semaphore_mem>>) {add = true}
      %dma_wait3A_1507 = arith.constant 2 : i32
      %dma_wait3A_1508 = arith.constant 20 : i32
      %dma_wait3A_1509 = arith.constant 0 : i32
      %dma_wait3A_1510 = arith.constant 0 : i32
      %dma_wait3A_1511 = tpu.memref_slice %arg10[%dma_wait3A_1507, %dma_wait3A_1509, %dma_wait3A_1510] : memref<3x80x128xf32, #tpu.memory_space<vmem>> -> memref<1x80x128xf32, #tpu.memory_space<vmem>>
      %dma_wait3A_1512 = tpu.memref_squeeze %dma_wait3A_1511 : memref<1x80x128xf32, #tpu.memory_space<vmem>> -> memref<80x128xf32, #tpu.memory_space<vmem>>
      %dma_wait3A_1513 = arith.constant 0 : i32
      %dma_wait3A_1514 = tpu.memref_slice %arg9[%dma_wait3A_1508, %dma_wait3A_1513] : memref<25x80xi32, #tpu.memory_space<vmem>> -> memref<1x80xi32, #tpu.memory_space<vmem>>
      %dma_wait3A_1515 = tpu.memref_squeeze %dma_wait3A_1514 : memref<1x80xi32, #tpu.memory_space<vmem>> -> memref<80xi32, #tpu.memory_space<vmem>>
      %dma_wait3A_1516 = arith.constant 0 : i32
      %dma_wait3A_1517 = arith.constant 0 : i32
      %dma_wait3A_1518 = tpu.memref_slice %arg7[%dma_wait3A_1516, %dma_wait3A_1517] : memref<10240x128xf32, #tpu.memory_space<vmem_shared>> -> memref<10240x128xf32, #tpu.memory_space<vmem_shared>>
      tpu.wait_indirect_dma semaphore(%arg17 : memref<!tpu.dma_semaphore, #tpu.memory_space<semaphore_mem>>) src(%dma_wait3A_1512 : memref<80x128xf32, #tpu.memory_space<vmem>>) dst(%dma_wait3A_1518 : memref<10240x128xf32, #tpu.memory_space<vmem_shared>>)
      %dma_start3A_1519 = arith.constant 23 : i32
      %dma_start3A_1520 = arith.constant 2 : i32
      %dma_start3A_1521 = arith.constant 0 : i32
      %dma_start3A_1522 = arith.constant 0 : i32
      %dma_start3A_1523 = tpu.memref_slice %arg10[%dma_start3A_1520, %dma_start3A_1521, %dma_start3A_1522] : memref<3x80x128xf32, #tpu.memory_space<vmem>> -> memref<1x80x128xf32, #tpu.memory_space<vmem>>
      %dma_start3A_1524 = tpu.memref_squeeze %dma_start3A_1523 : memref<1x80x128xf32, #tpu.memory_space<vmem>> -> memref<80x128xf32, #tpu.memory_space<vmem>>
      %dma_start3A_1525 = arith.constant 0 : i32
      %dma_start3A_1526 = tpu.memref_slice %arg8[%dma_start3A_1519, %dma_start3A_1525] : memref<25x80xi32, #tpu.memory_space<vmem>> -> memref<1x80xi32, #tpu.memory_space<vmem>>
      %dma_start3A_1527 = tpu.memref_squeeze %dma_start3A_1526 : memref<1x80xi32, #tpu.memory_space<vmem>> -> memref<80xi32, #tpu.memory_space<vmem>>
      %dma_start3A_1528 = arith.constant 0 : i32
      %dma_start3A_1529 = arith.constant 0 : i32
      %dma_start3A_1530 = tpu.memref_slice %arg2[%dma_start3A_1528, %dma_start3A_1529] : memref<10000x128xf32, #tpu.memory_space<hbm>> -> memref<10000x128xf32, #tpu.memory_space<hbm>>
      tpu.enqueue_indirect_dma source(%dma_start3A_1530 : memref<10000x128xf32, #tpu.memory_space<hbm>>) target(%dma_start3A_1524 : memref<80x128xf32, #tpu.memory_space<vmem>>) offsets(%dma_start3A_1527 : memref<80xi32, #tpu.memory_space<vmem>>) semaphore(%arg14 : memref<!tpu.dma_semaphore, #tpu.memory_space<semaphore_mem>>)
      %get3A_1531 = arith.constant 22 : i32
      %get3A_1532 = arith.index_cast %get3A_1531 : i32 to index
      %get3A_1533 = arith.constant 0 : index
      %get3A_1534 = tpu.vector_load %arg9[%get3A_1532, %get3A_1533] {strides = array<i32>} : memref<25x80xi32, #tpu.memory_space<vmem>>, vector<16xi32>,
      tpu.vector_store_idx %arg11[%get3A_1534], %broadcast_in_dim3A_9 {add = true} : memref<10240xf32, #tpu.memory_space<vmem>>[vector<16xi32>], vector<16xf32>,
      %get3A_1535 = arith.constant 22 : i32
      %get3A_1536 = arith.index_cast %get3A_1535 : i32 to index
      %get3A_1537 = arith.constant 16 : index
      %get3A_1538 = tpu.vector_load %arg9[%get3A_1536, %get3A_1537] {strides = array<i32>} : memref<25x80xi32, #tpu.memory_space<vmem>>, vector<16xi32>,
      tpu.vector_store_idx %arg11[%get3A_1538], %broadcast_in_dim3A_9 {add = true} : memref<10240xf32, #tpu.memory_space<vmem>>[vector<16xi32>], vector<16xf32>,
      %get3A_1539 = arith.constant 22 : i32
      %get3A_1540 = arith.index_cast %get3A_1539 : i32 to index
      %get3A_1541 = arith.constant 32 : index
      %get3A_1542 = tpu.vector_load %arg9[%get3A_1540, %get3A_1541] {strides = array<i32>} : memref<25x80xi32, #tpu.memory_space<vmem>>, vector<16xi32>,
      tpu.vector_store_idx %arg11[%get3A_1542], %broadcast_in_dim3A_9 {add = true} : memref<10240xf32, #tpu.memory_space<vmem>>[vector<16xi32>], vector<16xf32>,
      %get3A_1543 = arith.constant 22 : i32
      %get3A_1544 = arith.index_cast %get3A_1543 : i32 to index
      %get3A_1545 = arith.constant 48 : index
      %get3A_1546 = tpu.vector_load %arg9[%get3A_1544, %get3A_1545] {strides = array<i32>} : memref<25x80xi32, #tpu.memory_space<vmem>>, vector<16xi32>,
      tpu.vector_store_idx %arg11[%get3A_1546], %broadcast_in_dim3A_9 {add = true} : memref<10240xf32, #tpu.memory_space<vmem>>[vector<16xi32>], vector<16xf32>,
      %get3A_1547 = arith.constant 22 : i32
      %get3A_1548 = arith.index_cast %get3A_1547 : i32 to index
      %get3A_1549 = arith.constant 64 : index
      %get3A_1550 = tpu.vector_load %arg9[%get3A_1548, %get3A_1549] {strides = array<i32>} : memref<25x80xi32, #tpu.memory_space<vmem>>, vector<16xi32>,
      tpu.vector_store_idx %arg11[%get3A_1550], %broadcast_in_dim3A_9 {add = true} : memref<10240xf32, #tpu.memory_space<vmem>>[vector<16xi32>], vector<16xf32>,
      %dma_wait3A_1551 = arith.constant 22 : i32
      %dma_wait3A_1552 = arith.constant 1 : i32
      %dma_wait3A_1553 = arith.constant 0 : i32
      %dma_wait3A_1554 = arith.constant 0 : i32
      %dma_wait3A_1555 = tpu.memref_slice %arg10[%dma_wait3A_1552, %dma_wait3A_1553, %dma_wait3A_1554] : memref<3x80x128xf32, #tpu.memory_space<vmem>> -> memref<1x80x128xf32, #tpu.memory_space<vmem>>
      %dma_wait3A_1556 = tpu.memref_squeeze %dma_wait3A_1555 : memref<1x80x128xf32, #tpu.memory_space<vmem>> -> memref<80x128xf32, #tpu.memory_space<vmem>>
      %dma_wait3A_1557 = arith.constant 0 : i32
      %dma_wait3A_1558 = tpu.memref_slice %arg8[%dma_wait3A_1551, %dma_wait3A_1557] : memref<25x80xi32, #tpu.memory_space<vmem>> -> memref<1x80xi32, #tpu.memory_space<vmem>>
      %dma_wait3A_1559 = tpu.memref_squeeze %dma_wait3A_1558 : memref<1x80xi32, #tpu.memory_space<vmem>> -> memref<80xi32, #tpu.memory_space<vmem>>
      %dma_wait3A_1560 = arith.constant 0 : i32
      %dma_wait3A_1561 = arith.constant 0 : i32
      %dma_wait3A_1562 = tpu.memref_slice %arg2[%dma_wait3A_1560, %dma_wait3A_1561] : memref<10000x128xf32, #tpu.memory_space<hbm>> -> memref<10000x128xf32, #tpu.memory_space<hbm>>
      tpu.wait_indirect_dma semaphore(%arg13 : memref<!tpu.dma_semaphore, #tpu.memory_space<semaphore_mem>>) src(%dma_wait3A_1562 : memref<10000x128xf32, #tpu.memory_space<hbm>>) dst(%dma_wait3A_1556 : memref<80x128xf32, #tpu.memory_space<vmem>>)
      %dma_start3A_1563 = arith.constant 1 : i32
      %dma_start3A_1564 = arith.constant 22 : i32
      %dma_start3A_1565 = arith.constant 0 : i32
      %dma_start3A_1566 = arith.constant 0 : i32
      %dma_start3A_1567 = tpu.memref_slice %arg10[%dma_start3A_1563, %dma_start3A_1565, %dma_start3A_1566] : memref<3x80x128xf32, #tpu.memory_space<vmem>> -> memref<1x80x128xf32, #tpu.memory_space<vmem>>
      %dma_start3A_1568 = tpu.memref_squeeze %dma_start3A_1567 : memref<1x80x128xf32, #tpu.memory_space<vmem>> -> memref<80x128xf32, #tpu.memory_space<vmem>>
      %dma_start3A_1569 = arith.constant 0 : i32
      %dma_start3A_1570 = tpu.memref_slice %arg9[%dma_start3A_1564, %dma_start3A_1569] : memref<25x80xi32, #tpu.memory_space<vmem>> -> memref<1x80xi32, #tpu.memory_space<vmem>>
      %dma_start3A_1571 = tpu.memref_squeeze %dma_start3A_1570 : memref<1x80xi32, #tpu.memory_space<vmem>> -> memref<80xi32, #tpu.memory_space<vmem>>
      %dma_start3A_1572 = arith.constant 0 : i32
      %dma_start3A_1573 = arith.constant 0 : i32
      %dma_start3A_1574 = tpu.memref_slice %arg7[%dma_start3A_1572, %dma_start3A_1573] : memref<10240x128xf32, #tpu.memory_space<vmem_shared>> -> memref<10240x128xf32, #tpu.memory_space<vmem_shared>>
      tpu.enqueue_indirect_dma source(%dma_start3A_1568 : memref<80x128xf32, #tpu.memory_space<vmem>>) target(%dma_start3A_1574 : memref<10240x128xf32, #tpu.memory_space<vmem_shared>>) offsets(%dma_start3A_1571 : memref<80xi32, #tpu.memory_space<vmem>>) semaphore(%arg16 : memref<!tpu.dma_semaphore, #tpu.memory_space<semaphore_mem>>) {add = true}
      %dma_wait3A_1575 = arith.constant 0 : i32
      %dma_wait3A_1576 = arith.constant 21 : i32
      %dma_wait3A_1577 = arith.constant 0 : i32
      %dma_wait3A_1578 = arith.constant 0 : i32
      %dma_wait3A_1579 = tpu.memref_slice %arg10[%dma_wait3A_1575, %dma_wait3A_1577, %dma_wait3A_1578] : memref<3x80x128xf32, #tpu.memory_space<vmem>> -> memref<1x80x128xf32, #tpu.memory_space<vmem>>
      %dma_wait3A_1580 = tpu.memref_squeeze %dma_wait3A_1579 : memref<1x80x128xf32, #tpu.memory_space<vmem>> -> memref<80x128xf32, #tpu.memory_space<vmem>>
      %dma_wait3A_1581 = arith.constant 0 : i32
      %dma_wait3A_1582 = tpu.memref_slice %arg9[%dma_wait3A_1576, %dma_wait3A_1581] : memref<25x80xi32, #tpu.memory_space<vmem>> -> memref<1x80xi32, #tpu.memory_space<vmem>>
      %dma_wait3A_1583 = tpu.memref_squeeze %dma_wait3A_1582 : memref<1x80xi32, #tpu.memory_space<vmem>> -> memref<80xi32, #tpu.memory_space<vmem>>
      %dma_wait3A_1584 = arith.constant 0 : i32
      %dma_wait3A_1585 = arith.constant 0 : i32
      %dma_wait3A_1586 = tpu.memref_slice %arg7[%dma_wait3A_1584, %dma_wait3A_1585] : memref<10240x128xf32, #tpu.memory_space<vmem_shared>> -> memref<10240x128xf32, #tpu.memory_space<vmem_shared>>
      tpu.wait_indirect_dma semaphore(%arg15 : memref<!tpu.dma_semaphore, #tpu.memory_space<semaphore_mem>>) src(%dma_wait3A_1580 : memref<80x128xf32, #tpu.memory_space<vmem>>) dst(%dma_wait3A_1586 : memref<10240x128xf32, #tpu.memory_space<vmem_shared>>)
      %dma_start3A_1587 = arith.constant 24 : i32
      %dma_start3A_1588 = arith.constant 0 : i32
      %dma_start3A_1589 = arith.constant 0 : i32
      %dma_start3A_1590 = arith.constant 0 : i32
      %dma_start3A_1591 = tpu.memref_slice %arg10[%dma_start3A_1588, %dma_start3A_1589, %dma_start3A_1590] : memref<3x80x128xf32, #tpu.memory_space<vmem>> -> memref<1x80x128xf32, #tpu.memory_space<vmem>>
      %dma_start3A_1592 = tpu.memref_squeeze %dma_start3A_1591 : memref<1x80x128xf32, #tpu.memory_space<vmem>> -> memref<80x128xf32, #tpu.memory_space<vmem>>
      %dma_start3A_1593 = arith.constant 0 : i32
      %dma_start3A_1594 = tpu.memref_slice %arg8[%dma_start3A_1587, %dma_start3A_1593] : memref<25x80xi32, #tpu.memory_space<vmem>> -> memref<1x80xi32, #tpu.memory_space<vmem>>
      %dma_start3A_1595 = tpu.memref_squeeze %dma_start3A_1594 : memref<1x80xi32, #tpu.memory_space<vmem>> -> memref<80xi32, #tpu.memory_space<vmem>>
      %dma_start3A_1596 = arith.constant 0 : i32
      %dma_start3A_1597 = arith.constant 0 : i32
      %dma_start3A_1598 = tpu.memref_slice %arg2[%dma_start3A_1596, %dma_start3A_1597] : memref<10000x128xf32, #tpu.memory_space<hbm>> -> memref<10000x128xf32, #tpu.memory_space<hbm>>
      tpu.enqueue_indirect_dma source(%dma_start3A_1598 : memref<10000x128xf32, #tpu.memory_space<hbm>>) target(%dma_start3A_1592 : memref<80x128xf32, #tpu.memory_space<vmem>>) offsets(%dma_start3A_1595 : memref<80xi32, #tpu.memory_space<vmem>>) semaphore(%arg12 : memref<!tpu.dma_semaphore, #tpu.memory_space<semaphore_mem>>)
      %get3A_1599 = arith.constant 23 : i32
      %get3A_1600 = arith.index_cast %get3A_1599 : i32 to index
      %get3A_1601 = arith.constant 0 : index
      %get3A_1602 = tpu.vector_load %arg9[%get3A_1600, %get3A_1601] {strides = array<i32>} : memref<25x80xi32, #tpu.memory_space<vmem>>, vector<16xi32>,
      tpu.vector_store_idx %arg11[%get3A_1602], %broadcast_in_dim3A_9 {add = true} : memref<10240xf32, #tpu.memory_space<vmem>>[vector<16xi32>], vector<16xf32>,
      %get3A_1603 = arith.constant 23 : i32
      %get3A_1604 = arith.index_cast %get3A_1603 : i32 to index
      %get3A_1605 = arith.constant 16 : index
      %get3A_1606 = tpu.vector_load %arg9[%get3A_1604, %get3A_1605] {strides = array<i32>} : memref<25x80xi32, #tpu.memory_space<vmem>>, vector<16xi32>,
      tpu.vector_store_idx %arg11[%get3A_1606], %broadcast_in_dim3A_9 {add = true} : memref<10240xf32, #tpu.memory_space<vmem>>[vector<16xi32>], vector<16xf32>,
      %get3A_1607 = arith.constant 23 : i32
      %get3A_1608 = arith.index_cast %get3A_1607 : i32 to index
      %get3A_1609 = arith.constant 32 : index
      %get3A_1610 = tpu.vector_load %arg9[%get3A_1608, %get3A_1609] {strides = array<i32>} : memref<25x80xi32, #tpu.memory_space<vmem>>, vector<16xi32>,
      tpu.vector_store_idx %arg11[%get3A_1610], %broadcast_in_dim3A_9 {add = true} : memref<10240xf32, #tpu.memory_space<vmem>>[vector<16xi32>], vector<16xf32>,
      %get3A_1611 = arith.constant 23 : i32
      %get3A_1612 = arith.index_cast %get3A_1611 : i32 to index
      %get3A_1613 = arith.constant 48 : index
      %get3A_1614 = tpu.vector_load %arg9[%get3A_1612, %get3A_1613] {strides = array<i32>} : memref<25x80xi32, #tpu.memory_space<vmem>>, vector<16xi32>,
      tpu.vector_store_idx %arg11[%get3A_1614], %broadcast_in_dim3A_9 {add = true} : memref<10240xf32, #tpu.memory_space<vmem>>[vector<16xi32>], vector<16xf32>,
      %get3A_1615 = arith.constant 23 : i32
      %get3A_1616 = arith.index_cast %get3A_1615 : i32 to index
      %get3A_1617 = arith.constant 64 : index
      %get3A_1618 = tpu.vector_load %arg9[%get3A_1616, %get3A_1617] {strides = array<i32>} : memref<25x80xi32, #tpu.memory_space<vmem>>, vector<16xi32>,
      tpu.vector_store_idx %arg11[%get3A_1618], %broadcast_in_dim3A_9 {add = true} : memref<10240xf32, #tpu.memory_space<vmem>>[vector<16xi32>], vector<16xf32>,
      %dma_wait3A_1619 = arith.constant 23 : i32
      %dma_wait3A_1620 = arith.constant 2 : i32
      %dma_wait3A_1621 = arith.constant 0 : i32
      %dma_wait3A_1622 = arith.constant 0 : i32
      %dma_wait3A_1623 = tpu.memref_slice %arg10[%dma_wait3A_1620, %dma_wait3A_1621, %dma_wait3A_1622] : memref<3x80x128xf32, #tpu.memory_space<vmem>> -> memref<1x80x128xf32, #tpu.memory_space<vmem>>
      %dma_wait3A_1624 = tpu.memref_squeeze %dma_wait3A_1623 : memref<1x80x128xf32, #tpu.memory_space<vmem>> -> memref<80x128xf32, #tpu.memory_space<vmem>>
      %dma_wait3A_1625 = arith.constant 0 : i32
      %dma_wait3A_1626 = tpu.memref_slice %arg8[%dma_wait3A_1619, %dma_wait3A_1625] : memref<25x80xi32, #tpu.memory_space<vmem>> -> memref<1x80xi32, #tpu.memory_space<vmem>>
      %dma_wait3A_1627 = tpu.memref_squeeze %dma_wait3A_1626 : memref<1x80xi32, #tpu.memory_space<vmem>> -> memref<80xi32, #tpu.memory_space<vmem>>
      %dma_wait3A_1628 = arith.constant 0 : i32
      %dma_wait3A_1629 = arith.constant 0 : i32
      %dma_wait3A_1630 = tpu.memref_slice %arg2[%dma_wait3A_1628, %dma_wait3A_1629] : memref<10000x128xf32, #tpu.memory_space<hbm>> -> memref<10000x128xf32, #tpu.memory_space<hbm>>
      tpu.wait_indirect_dma semaphore(%arg14 : memref<!tpu.dma_semaphore, #tpu.memory_space<semaphore_mem>>) src(%dma_wait3A_1630 : memref<10000x128xf32, #tpu.memory_space<hbm>>) dst(%dma_wait3A_1624 : memref<80x128xf32, #tpu.memory_space<vmem>>)
      %dma_start3A_1631 = arith.constant 2 : i32
      %dma_start3A_1632 = arith.constant 23 : i32
      %dma_start3A_1633 = arith.constant 0 : i32
      %dma_start3A_1634 = arith.constant 0 : i32
      %dma_start3A_1635 = tpu.memref_slice %arg10[%dma_start3A_1631, %dma_start3A_1633, %dma_start3A_1634] : memref<3x80x128xf32, #tpu.memory_space<vmem>> -> memref<1x80x128xf32, #tpu.memory_space<vmem>>
      %dma_start3A_1636 = tpu.memref_squeeze %dma_start3A_1635 : memref<1x80x128xf32, #tpu.memory_space<vmem>> -> memref<80x128xf32, #tpu.memory_space<vmem>>
      %dma_start3A_1637 = arith.constant 0 : i32
      %dma_start3A_1638 = tpu.memref_slice %arg9[%dma_start3A_1632, %dma_start3A_1637] : memref<25x80xi32, #tpu.memory_space<vmem>> -> memref<1x80xi32, #tpu.memory_space<vmem>>
      %dma_start3A_1639 = tpu.memref_squeeze %dma_start3A_1638 : memref<1x80xi32, #tpu.memory_space<vmem>> -> memref<80xi32, #tpu.memory_space<vmem>>
      %dma_start3A_1640 = arith.constant 0 : i32
      %dma_start3A_1641 = arith.constant 0 : i32
      %dma_start3A_1642 = tpu.memref_slice %arg7[%dma_start3A_1640, %dma_start3A_1641] : memref<10240x128xf32, #tpu.memory_space<vmem_shared>> -> memref<10240x128xf32, #tpu.memory_space<vmem_shared>>
      tpu.enqueue_indirect_dma source(%dma_start3A_1636 : memref<80x128xf32, #tpu.memory_space<vmem>>) target(%dma_start3A_1642 : memref<10240x128xf32, #tpu.memory_space<vmem_shared>>) offsets(%dma_start3A_1639 : memref<80xi32, #tpu.memory_space<vmem>>) semaphore(%arg17 : memref<!tpu.dma_semaphore, #tpu.memory_space<semaphore_mem>>) {add = true}
      %get3A_1643 = arith.constant 24 : i32
      %get3A_1644 = arith.index_cast %get3A_1643 : i32 to index
      %get3A_1645 = arith.constant 0 : index
      %get3A_1646 = tpu.vector_load %arg9[%get3A_1644, %get3A_1645] {strides = array<i32>} : memref<25x80xi32, #tpu.memory_space<vmem>>, vector<16xi32>,
      tpu.vector_store_idx %arg11[%get3A_1646], %broadcast_in_dim3A_9 {add = true} : memref<10240xf32, #tpu.memory_space<vmem>>[vector<16xi32>], vector<16xf32>,
      %get3A_1647 = arith.constant 24 : i32
      %get3A_1648 = arith.index_cast %get3A_1647 : i32 to index
      %get3A_1649 = arith.constant 16 : index
      %get3A_1650 = tpu.vector_load %arg9[%get3A_1648, %get3A_1649] {strides = array<i32>} : memref<25x80xi32, #tpu.memory_space<vmem>>, vector<16xi32>,
      tpu.vector_store_idx %arg11[%get3A_1650], %broadcast_in_dim3A_9 {add = true} : memref<10240xf32, #tpu.memory_space<vmem>>[vector<16xi32>], vector<16xf32>,
      %get3A_1651 = arith.constant 24 : i32
      %get3A_1652 = arith.index_cast %get3A_1651 : i32 to index
      %get3A_1653 = arith.constant 32 : index
      %get3A_1654 = tpu.vector_load %arg9[%get3A_1652, %get3A_1653] {strides = array<i32>} : memref<25x80xi32, #tpu.memory_space<vmem>>, vector<16xi32>,
      tpu.vector_store_idx %arg11[%get3A_1654], %broadcast_in_dim3A_9 {add = true} : memref<10240xf32, #tpu.memory_space<vmem>>[vector<16xi32>], vector<16xf32>,
      %get3A_1655 = arith.constant 24 : i32
      %get3A_1656 = arith.index_cast %get3A_1655 : i32 to index
      %get3A_1657 = arith.constant 48 : index
      %get3A_1658 = tpu.vector_load %arg9[%get3A_1656, %get3A_1657] {strides = array<i32>} : memref<25x80xi32, #tpu.memory_space<vmem>>, vector<16xi32>,
      tpu.vector_store_idx %arg11[%get3A_1658], %broadcast_in_dim3A_9 {add = true} : memref<10240xf32, #tpu.memory_space<vmem>>[vector<16xi32>], vector<16xf32>,
      %get3A_1659 = arith.constant 24 : i32
      %get3A_1660 = arith.index_cast %get3A_1659 : i32 to index
      %get3A_1661 = arith.constant 64 : index
      %get3A_1662 = tpu.vector_load %arg9[%get3A_1660, %get3A_1661] {strides = array<i32>} : memref<25x80xi32, #tpu.memory_space<vmem>>, vector<16xi32>,
      tpu.vector_store_idx %arg11[%get3A_1662], %broadcast_in_dim3A_9 {add = true} : memref<10240xf32, #tpu.memory_space<vmem>>[vector<16xi32>], vector<16xf32>,
      %dma_wait3A_1663 = arith.constant 24 : i32
      %dma_wait3A_1664 = arith.constant 0 : i32
      %dma_wait3A_1665 = arith.constant 0 : i32
      %dma_wait3A_1666 = arith.constant 0 : i32
      %dma_wait3A_1667 = tpu.memref_slice %arg10[%dma_wait3A_1664, %dma_wait3A_1665, %dma_wait3A_1666] : memref<3x80x128xf32, #tpu.memory_space<vmem>> -> memref<1x80x128xf32, #tpu.memory_space<vmem>>
      %dma_wait3A_1668 = tpu.memref_squeeze %dma_wait3A_1667 : memref<1x80x128xf32, #tpu.memory_space<vmem>> -> memref<80x128xf32, #tpu.memory_space<vmem>>
      %dma_wait3A_1669 = arith.constant 0 : i32
      %dma_wait3A_1670 = tpu.memref_slice %arg8[%dma_wait3A_1663, %dma_wait3A_1669] : memref<25x80xi32, #tpu.memory_space<vmem>> -> memref<1x80xi32, #tpu.memory_space<vmem>>
      %dma_wait3A_1671 = tpu.memref_squeeze %dma_wait3A_1670 : memref<1x80xi32, #tpu.memory_space<vmem>> -> memref<80xi32, #tpu.memory_space<vmem>>
      %dma_wait3A_1672 = arith.constant 0 : i32
      %dma_wait3A_1673 = arith.constant 0 : i32
      %dma_wait3A_1674 = tpu.memref_slice %arg2[%dma_wait3A_1672, %dma_wait3A_1673] : memref<10000x128xf32, #tpu.memory_space<hbm>> -> memref<10000x128xf32, #tpu.memory_space<hbm>>
      tpu.wait_indirect_dma semaphore(%arg12 : memref<!tpu.dma_semaphore, #tpu.memory_space<semaphore_mem>>) src(%dma_wait3A_1674 : memref<10000x128xf32, #tpu.memory_space<hbm>>) dst(%dma_wait3A_1668 : memref<80x128xf32, #tpu.memory_space<vmem>>)
      %dma_start3A_1675 = arith.constant 0 : i32
      %dma_start3A_1676 = arith.constant 24 : i32
      %dma_start3A_1677 = arith.constant 0 : i32
      %dma_start3A_1678 = arith.constant 0 : i32
      %dma_start3A_1679 = tpu.memref_slice %arg10[%dma_start3A_1675, %dma_start3A_1677, %dma_start3A_1678] : memref<3x80x128xf32, #tpu.memory_space<vmem>> -> memref<1x80x128xf32, #tpu.memory_space<vmem>>
      %dma_start3A_1680 = tpu.memref_squeeze %dma_start3A_1679 : memref<1x80x128xf32, #tpu.memory_space<vmem>> -> memref<80x128xf32, #tpu.memory_space<vmem>>
      %dma_start3A_1681 = arith.constant 0 : i32
      %dma_start3A_1682 = tpu.memref_slice %arg9[%dma_start3A_1676, %dma_start3A_1681] : memref<25x80xi32, #tpu.memory_space<vmem>> -> memref<1x80xi32, #tpu.memory_space<vmem>>
      %dma_start3A_1683 = tpu.memref_squeeze %dma_start3A_1682 : memref<1x80xi32, #tpu.memory_space<vmem>> -> memref<80xi32, #tpu.memory_space<vmem>>
      %dma_start3A_1684 = arith.constant 0 : i32
      %dma_start3A_1685 = arith.constant 0 : i32
      %dma_start3A_1686 = tpu.memref_slice %arg7[%dma_start3A_1684, %dma_start3A_1685] : memref<10240x128xf32, #tpu.memory_space<vmem_shared>> -> memref<10240x128xf32, #tpu.memory_space<vmem_shared>>
      tpu.enqueue_indirect_dma source(%dma_start3A_1680 : memref<80x128xf32, #tpu.memory_space<vmem>>) target(%dma_start3A_1686 : memref<10240x128xf32, #tpu.memory_space<vmem_shared>>) offsets(%dma_start3A_1683 : memref<80xi32, #tpu.memory_space<vmem>>) semaphore(%arg15 : memref<!tpu.dma_semaphore, #tpu.memory_space<semaphore_mem>>) {add = true}
      %dma_wait3A_1687 = arith.constant 1 : i32
      %dma_wait3A_1688 = arith.constant 22 : i32
      %dma_wait3A_1689 = arith.constant 0 : i32
      %dma_wait3A_1690 = arith.constant 0 : i32
      %dma_wait3A_1691 = tpu.memref_slice %arg10[%dma_wait3A_1687, %dma_wait3A_1689, %dma_wait3A_1690] : memref<3x80x128xf32, #tpu.memory_space<vmem>> -> memref<1x80x128xf32, #tpu.memory_space<vmem>>
      %dma_wait3A_1692 = tpu.memref_squeeze %dma_wait3A_1691 : memref<1x80x128xf32, #tpu.memory_space<vmem>> -> memref<80x128xf32, #tpu.memory_space<vmem>>
      %dma_wait3A_1693 = arith.constant 0 : i32
      %dma_wait3A_1694 = tpu.memref_slice %arg9[%dma_wait3A_1688, %dma_wait3A_1693] : memref<25x80xi32, #tpu.memory_space<vmem>> -> memref<1x80xi32, #tpu.memory_space<vmem>>
      %dma_wait3A_1695 = tpu.memref_squeeze %dma_wait3A_1694 : memref<1x80xi32, #tpu.memory_space<vmem>> -> memref<80xi32, #tpu.memory_space<vmem>>
      %dma_wait3A_1696 = arith.constant 0 : i32
      %dma_wait3A_1697 = arith.constant 0 : i32
      %dma_wait3A_1698 = tpu.memref_slice %arg7[%dma_wait3A_1696, %dma_wait3A_1697] : memref<10240x128xf32, #tpu.memory_space<vmem_shared>> -> memref<10240x128xf32, #tpu.memory_space<vmem_shared>>
      tpu.wait_indirect_dma semaphore(%arg16 : memref<!tpu.dma_semaphore, #tpu.memory_space<semaphore_mem>>) src(%dma_wait3A_1692 : memref<80x128xf32, #tpu.memory_space<vmem>>) dst(%dma_wait3A_1698 : memref<10240x128xf32, #tpu.memory_space<vmem_shared>>)
      %dma_wait3A_1699 = arith.constant 2 : i32
      %dma_wait3A_1700 = arith.constant 23 : i32
      %dma_wait3A_1701 = arith.constant 0 : i32
      %dma_wait3A_1702 = arith.constant 0 : i32
      %dma_wait3A_1703 = tpu.memref_slice %arg10[%dma_wait3A_1699, %dma_wait3A_1701, %dma_wait3A_1702] : memref<3x80x128xf32, #tpu.memory_space<vmem>> -> memref<1x80x128xf32, #tpu.memory_space<vmem>>
      %dma_wait3A_1704 = tpu.memref_squeeze %dma_wait3A_1703 : memref<1x80x128xf32, #tpu.memory_space<vmem>> -> memref<80x128xf32, #tpu.memory_space<vmem>>
      %dma_wait3A_1705 = arith.constant 0 : i32
      %dma_wait3A_1706 = tpu.memref_slice %arg9[%dma_wait3A_1700, %dma_wait3A_1705] : memref<25x80xi32, #tpu.memory_space<vmem>> -> memref<1x80xi32, #tpu.memory_space<vmem>>
      %dma_wait3A_1707 = tpu.memref_squeeze %dma_wait3A_1706 : memref<1x80xi32, #tpu.memory_space<vmem>> -> memref<80xi32, #tpu.memory_space<vmem>>
      %dma_wait3A_1708 = arith.constant 0 : i32
      %dma_wait3A_1709 = arith.constant 0 : i32
      %dma_wait3A_1710 = tpu.memref_slice %arg7[%dma_wait3A_1708, %dma_wait3A_1709] : memref<10240x128xf32, #tpu.memory_space<vmem_shared>> -> memref<10240x128xf32, #tpu.memory_space<vmem_shared>>
      tpu.wait_indirect_dma semaphore(%arg17 : memref<!tpu.dma_semaphore, #tpu.memory_space<semaphore_mem>>) src(%dma_wait3A_1704 : memref<80x128xf32, #tpu.memory_space<vmem>>) dst(%dma_wait3A_1710 : memref<10240x128xf32, #tpu.memory_space<vmem_shared>>)
      %dma_wait3A_1711 = arith.constant 0 : i32
      %dma_wait3A_1712 = arith.constant 24 : i32
      %dma_wait3A_1713 = arith.constant 0 : i32
      %dma_wait3A_1714 = arith.constant 0 : i32
      %dma_wait3A_1715 = tpu.memref_slice %arg10[%dma_wait3A_1711, %dma_wait3A_1713, %dma_wait3A_1714] : memref<3x80x128xf32, #tpu.memory_space<vmem>> -> memref<1x80x128xf32, #tpu.memory_space<vmem>>
      %dma_wait3A_1716 = tpu.memref_squeeze %dma_wait3A_1715 : memref<1x80x128xf32, #tpu.memory_space<vmem>> -> memref<80x128xf32, #tpu.memory_space<vmem>>
      %dma_wait3A_1717 = arith.constant 0 : i32
      %dma_wait3A_1718 = tpu.memref_slice %arg9[%dma_wait3A_1712, %dma_wait3A_1717] : memref<25x80xi32, #tpu.memory_space<vmem>> -> memref<1x80xi32, #tpu.memory_space<vmem>>
      %dma_wait3A_1719 = tpu.memref_squeeze %dma_wait3A_1718 : memref<1x80xi32, #tpu.memory_space<vmem>> -> memref<80xi32, #tpu.memory_space<vmem>>
      %dma_wait3A_1720 = arith.constant 0 : i32
      %dma_wait3A_1721 = arith.constant 0 : i32
      %dma_wait3A_1722 = tpu.memref_slice %arg7[%dma_wait3A_1720, %dma_wait3A_1721] : memref<10240x128xf32, #tpu.memory_space<vmem_shared>> -> memref<10240x128xf32, #tpu.memory_space<vmem_shared>>
      tpu.wait_indirect_dma semaphore(%arg15 : memref<!tpu.dma_semaphore, #tpu.memory_space<semaphore_mem>>) src(%dma_wait3A_1716 : memref<80x128xf32, #tpu.memory_space<vmem>>) dst(%dma_wait3A_1722 : memref<10240x128xf32, #tpu.memory_space<vmem_shared>>)
    }
    %scan3A_14 = arith.constant 5 : i32
    "tpu.region"() ({
      %run_scoped3A = tpu.sem_alloc : memref<!tpu.dma_semaphore, #tpu.memory_space<semaphore_mem>>
      %dma_start3A = arith.constant 0 : i32
      %dma_start3A_20 = tpu.memref_slice %arg6[%add3A, %dma_start3A] : memref<32x10240xf32, #tpu.memory_space<hbm>> -> memref<1x10240xf32, #tpu.memory_space<hbm>>
      %dma_start3A_21 = tpu.memref_squeeze %dma_start3A_20 : memref<1x10240xf32, #tpu.memory_space<hbm>> -> memref<10240xf32, #tpu.memory_space<hbm>>
      %dma_start3A_22 = arith.constant 0 : i32
      %dma_start3A_23 = tpu.memref_slice %arg6[%add3A, %dma_start3A_22] : memref<32x10240xf32, #tpu.memory_space<hbm>> -> memref<1x10240xf32, #tpu.memory_space<hbm>>
      %dma_start3A_24 = tpu.memref_squeeze %dma_start3A_23 : memref<1x10240xf32, #tpu.memory_space<hbm>> -> memref<10240xf32, #tpu.memory_space<hbm>>
      tpu.enqueue_dma source(%arg11 : memref<10240xf32, #tpu.memory_space<vmem>>) target(%dma_start3A_24 : memref<10240xf32, #tpu.memory_space<hbm>>) target_semaphore(%run_scoped3A : memref<!tpu.dma_semaphore, #tpu.memory_space<semaphore_mem>>)
      %dma_wait3A = arith.constant 0 : i32
      %dma_wait3A_25 = tpu.memref_slice %arg6[%add3A, %dma_wait3A] : memref<32x10240xf32, #tpu.memory_space<hbm>> -> memref<1x10240xf32, #tpu.memory_space<hbm>>
      %dma_wait3A_26 = tpu.memref_squeeze %dma_wait3A_25 : memref<1x10240xf32, #tpu.memory_space<hbm>> -> memref<10240xf32, #tpu.memory_space<hbm>>
      %dma_wait3A_27 = arith.constant 0 : i32
      %dma_wait3A_28 = tpu.memref_slice %arg6[%add3A, %dma_wait3A_27] : memref<32x10240xf32, #tpu.memory_space<hbm>> -> memref<1x10240xf32, #tpu.memory_space<hbm>>
      %dma_wait3A_29 = tpu.memref_squeeze %dma_wait3A_28 : memref<1x10240xf32, #tpu.memory_space<hbm>> -> memref<10240xf32, #tpu.memory_space<hbm>>
      tpu.wait_dma2 semaphore(%run_scoped3A : memref<!tpu.dma_semaphore, #tpu.memory_space<semaphore_mem>>) src(%arg11 : memref<10240xf32, #tpu.memory_space<vmem>>) dst(%dma_wait3A_29 : memref<10240xf32, #tpu.memory_space<hbm>>)
      tpu.yield
    }) : () -> ()
    %barrier3A_15 = arith.constant 0 : index
    tpu.barrier barrier_id(%barrier3A_15)
    %mul3A_16 = arith.constant 640 : i32
    %mul3A_17 = arith.muli %arg1, %mul3A_16 : i32
    %mul3A_18 = arith.constant 640 : i32
    %mul3A_19 = arith.muli %arg1, %mul3A_18 : i32
    "tpu.region"() ({
      %run_scoped3A = tpu.sem_alloc : memref<!tpu.dma_semaphore, #tpu.memory_space<semaphore_mem>>
      %dma_start3A = arith.constant 0 : i32
      %dma_start3A_20 = tpu.memref_slice %arg5[%arg0, %mul3A_19, %dma_start3A] : memref<2x10240x128xf32, #tpu.memory_space<hbm>> -> memref<1x640x128xf32, #tpu.memory_space<hbm>>
      %dma_start3A_21 = tpu.memref_squeeze %dma_start3A_20 : memref<1x640x128xf32, #tpu.memory_space<hbm>> -> memref<640x128xf32, #tpu.memory_space<hbm>>
      %dma_start3A_22 = arith.constant 0 : i32
      %dma_start3A_23 = tpu.memref_slice %arg7[%mul3A_17, %dma_start3A_22] : memref<10240x128xf32, #tpu.memory_space<vmem_shared>> -> memref<640x128xf32, #tpu.memory_space<vmem_shared>>
      tpu.enqueue_dma source(%dma_start3A_23 : memref<640x128xf32, #tpu.memory_space<vmem_shared>>) target(%dma_start3A_21 : memref<640x128xf32, #tpu.memory_space<hbm>>) target_semaphore(%run_scoped3A : memref<!tpu.dma_semaphore, #tpu.memory_space<semaphore_mem>>)
      %dma_wait3A = arith.constant 0 : i32
      %dma_wait3A_24 = tpu.memref_slice %arg5[%arg0, %mul3A_19, %dma_wait3A] : memref<2x10240x128xf32, #tpu.memory_space<hbm>> -> memref<1x640x128xf32, #tpu.memory_space<hbm>>
      %dma_wait3A_25 = tpu.memref_squeeze %dma_wait3A_24 : memref<1x640x128xf32, #tpu.memory_space<hbm>> -> memref<640x128xf32, #tpu.memory_space<hbm>>
      %dma_wait3A_26 = arith.constant 0 : i32
      %dma_wait3A_27 = tpu.memref_slice %arg7[%mul3A_17, %dma_wait3A_26] : memref<10240x128xf32, #tpu.memory_space<vmem_shared>> -> memref<640x128xf32, #tpu.memory_space<vmem_shared>>
      tpu.wait_dma2 semaphore(%run_scoped3A : memref<!tpu.dma_semaphore, #tpu.memory_space<semaphore_mem>>) src(%dma_wait3A_27 : memref<640x128xf32, #tpu.memory_space<vmem_shared>>) dst(%dma_wait3A_25 : memref<640x128xf32, #tpu.memory_space<hbm>>)
      tpu.yield
    }) : () -> ()
    return
  }
}

module attributes {stable_mosaic.version = 14 : i64} {
  func.func @body(%arg0: memref<2x10240x128xf32, #tpu.memory_space<vmem>>, %arg1: memref<32x10240xf32, #tpu.memory_space<vmem>>, %arg2: memref<10000x128xf32, #tpu.memory_space<vmem>>, %arg3: memref<256x128xf32, #tpu.memory_space<vmem>>, %arg4: memref<1x128xf32, #tpu.memory_space<vmem>>, %arg5: memref<10000x128xf32, #tpu.memory_space<vmem>>) attributes {dimension_semantics = [], scalar_prefetch = 0 : i64, scratch_operands = 0 : i64, tpu.core_type = #tpu.core_type<tc>} {
    %get3A = arith.constant 0 : index
    %get3A_0 = arith.constant 0 : index
    %get3A_1 = arith.constant 0 : index
    %get3A_2 = vector.load %arg0[%get3A, %get3A_0, %get3A_1] : memref<2x10240x128xf32, #tpu.memory_space<vmem>>, vector<1x10000x128xf32>
    %get3A_3 = vector.shape_cast %get3A_2 : vector<1x10000x128xf32> to vector<10000x128xf32>
    %get3A_4 = arith.constant 1 : index
    %get3A_5 = arith.constant 0 : index
    %get3A_6 = arith.constant 0 : index
    %get3A_7 = vector.load %arg0[%get3A_4, %get3A_5, %get3A_6] : memref<2x10240x128xf32, #tpu.memory_space<vmem>>, vector<1x10000x128xf32>
    %get3A_8 = vector.shape_cast %get3A_7 : vector<1x10000x128xf32> to vector<10000x128xf32>
    %add3A = arith.addf %get3A_3, %get3A_8 : vector<10000x128xf32>
    %broadcast_in_dim3A = arith.constant 1.000000e+00 : f32
    %broadcast_in_dim3A_9 = vector.broadcast %broadcast_in_dim3A : f32 to vector<32x1xf32>
    %get3A_10 = arith.constant 0 : index
    %get3A_11 = arith.constant 0 : index
    %get3A_12 = vector.load %arg1[%get3A_10, %get3A_11] : memref<32x10240xf32, #tpu.memory_space<vmem>>, vector<32x10240xf32>
    %dot_general3A = arith.constant dense<0.000000e+00> : vector<10240x1xf32>
    %dot_general3A_13 = tpu.matmul %get3A_12, %broadcast_in_dim3A_9, %dot_general3A {dimension_numbers = #tpu.dot_dimension_numbers<[0], [0], [1], [1], [0, 1, 1, 1], [], []>, precision = #tpu.contract_precision<fp32>, transpose_lhs_hint = false} : vector<32x10240xf32>, vector<32x1xf32>, vector<10240x1xf32> -> vector<10240x1xf32>
    %slice3A = vector.extract_strided_slice %dot_general3A_13 {offsets = [0, 0], sizes = [10000, 1], strides = [1, 1]} : vector<10240x1xf32> to vector<10000x1xf32>
    %max3A = arith.constant 1.000000e+00 : f32
    %max3A_14 = vector.broadcast %max3A : f32 to vector<10000x1xf32>
    %max3A_15 = arith.maximumf %slice3A, %max3A_14 : vector<10000x1xf32>
    %div3A = vector.broadcast %max3A_15 : vector<10000x1xf32> to vector<10000x128xf32>
    %div3A_16 = arith.divf %add3A, %div3A : vector<10000x128xf32>
    %get3A_17 = arith.constant 0 : index
    %get3A_18 = arith.constant 0 : index
    %get3A_19 = vector.load %arg3[%get3A_17, %get3A_18] : memref<256x128xf32, #tpu.memory_space<vmem>>, vector<128x128xf32>
    %dot_general3A_20 = arith.constant dense<0.000000e+00> : vector<10000x128xf32>
    %dot_general3A_21 = tpu.matmul %div3A_16, %get3A_19, %dot_general3A_20 {dimension_numbers = #tpu.dot_dimension_numbers<[1], [0], [0], [1], [0, 0, 1, 1], [], []>, transpose_lhs_hint = false} : vector<10000x128xf32>, vector<128x128xf32>, vector<10000x128xf32> -> vector<10000x128xf32>
    %get3A_22 = arith.constant 0 : index
    %get3A_23 = arith.constant 0 : index
    %get3A_24 = vector.load %arg2[%get3A_22, %get3A_23] : memref<10000x128xf32, #tpu.memory_space<vmem>>, vector<10000x128xf32>
    %get3A_25 = arith.constant 128 : index
    %get3A_26 = arith.constant 0 : index
    %get3A_27 = vector.load %arg3[%get3A_25, %get3A_26] : memref<256x128xf32, #tpu.memory_space<vmem>>, vector<128x128xf32>
    %dot_general3A_28 = arith.constant dense<0.000000e+00> : vector<10000x128xf32>
    %dot_general3A_29 = tpu.matmul %get3A_24, %get3A_27, %dot_general3A_28 {dimension_numbers = #tpu.dot_dimension_numbers<[1], [0], [0], [1], [0, 0, 1, 1], [], []>, transpose_lhs_hint = false} : vector<10000x128xf32>, vector<128x128xf32>, vector<10000x128xf32> -> vector<10000x128xf32>
    %add3A_30 = arith.addf %dot_general3A_21, %dot_general3A_29 : vector<10000x128xf32>
    %get3A_31 = arith.constant 0 : index
    %get3A_32 = arith.constant 0 : index
    %get3A_33 = vector.load %arg4[%get3A_31, %get3A_32] : memref<1x128xf32, #tpu.memory_space<vmem>>, vector<1x128xf32>
    %add3A_34 = vector.broadcast %get3A_33 : vector<1x128xf32> to vector<10000x128xf32>
    %add3A_35 = arith.addf %add3A_30, %add3A_34 : vector<10000x128xf32>
    %mul3A = arith.mulf %add3A_35, %add3A_35 : vector<10000x128xf32>
    %reduce_sum3A = arith.constant dense<0.000000e+00> : vector<10000xf32>
    %reduce_sum3A_36 = vector.multi_reduction <add>, %mul3A, %reduce_sum3A [1] : vector<10000x128xf32> to vector<10000xf32>
    %broadcast_in_dim3A_37 = vector.shape_cast %reduce_sum3A_36 : vector<10000xf32> to vector<10000x1xf32>
    %max3A_38 = arith.constant 1.000000e-24 : f32
    %max3A_39 = vector.broadcast %max3A_38 : f32 to vector<10000x1xf32>
    %max3A_40 = arith.maximumf %broadcast_in_dim3A_37, %max3A_39 : vector<10000x1xf32>
    %rsqrt3A = math.rsqrt %max3A_40 : vector<10000x1xf32>
    %mul3A_41 = vector.broadcast %rsqrt3A : vector<10000x1xf32> to vector<10000x128xf32>
    %mul3A_42 = arith.mulf %add3A_35, %mul3A_41 : vector<10000x128xf32>
    %swap3A = arith.constant 0 : index
    %swap3A_43 = arith.constant 0 : index
    %swap3A_44 = vector.load %arg5[%swap3A, %swap3A_43] : memref<10000x128xf32, #tpu.memory_space<vmem>>, vector<10000x128xf32>
    tpu.vector_store %arg5[%swap3A, %swap3A_43], %mul3A_42 {strides = array<i32>} : memref<10000x128xf32, #tpu.memory_space<vmem>>, vector<10000x128xf32>,
    return
  }
}

</mosaic_0001>

<sc_bundles>
// kernel: kernel.4.cloned.1.call-start
scs
__scs_entry_jumppad:
0x0: {  	(pc) =	sbr.rel $0x88, $3  }
0x1: {  	(tag) =	ssettag $0x0;
	lr =	simm.s32 $0x1  }
0x2: {  	[smem:$0x3F9D] =	sst lr;
	_ =	strace $0xD0000000  }
0x3: {  	_ = 	snop  }
0x4: {  	_ = 	snop  }
0x5: {  	_ = 	snop  }
0x6: {  	_ = 	snop  }
0x7: {  	_ = 	snop  }
__scs_overlays_trampoline_lowered:
0x8: {  	[smem:$0x3FAC] =	sst s0  }
0x9: {  	[smem:$0x3FAD] =	sst s1  }
0xa: {  	[smem:$0x3FAE] =	sst s2  }
0xb: {  	[smem:$0x3FAF] =	sst s3  }
0xc: {  	[smem:$0x3FB0] =	sst s4  }
0xd: {  	[smem:$0x3FB1] =	sst s5  }
0xe: {  	[smem:$0x3FB2] =	sst s6  }
0xf: {  	[smem:$0x3FB3] =	sst s7  }
0x10: {  	[smem:$0x3FB4] =	sst s8  }
0x11: {  	[smem:$0x3FB5] =	sst s9;
	s0 =	simm.s32 @!p0 $0x0  }
0x12: {  	s1 =	sld [smem:$0x3F9B];
	s0 =	simm.s32 @p0 $0x1  }
0x13: {  	[smem:$0x3FB6] =	sst s0;
	s0 =	simm.s32 @!p1 $0x0  }
0x14: {  	s2 =	sld [smem:$0x3F9A];
	s0 =	simm.s32 @p1 $0x1  }
0x15: {  	[smem:$0x3FB7] =	sst s0;
	s0 =	simm.s32 @!p2 $0x0  }
0x16: {  	s3 =	sld [smem:$0x3FDB];
	s0 =	simm.s32 @p2 $0x1  }
0x17: {  	s4 =	simm.s32 $0x1BF5;
	[smem:$0x3FB9] =	sst s0  }
0x18: {  	s0 =	sld [smem:$0x3F9C];
	_ =	swait.ge [sflag:s4], $0x0  }
0x19: {  	s7 =	sld [smem:$0x3F9D]  }
0x1a: {  	s8 =	sadd.s32 $0xFFFFE003, lr  }
0x1b: {  	s9 =	sadd.s32 $0xFFFFFEF7, lr;
	s5 =	simm.s32 $0xFFFFFFFF;
	p2 =	slt.u32 s8, $0xFFFFF086  }
0x1c: {  	p1 =	slt.u32 s9, $0xF7A;
	s5 =	simm.s32 @!p2 $0x0  }
0x1d: {  	s5 =	simm.s32 @p1 $0x1;
	p0 =	seq.s32 s7, s2  }
0x1e: {  	s7 =	smul.u32 @!p0 $0xF7A, s2;
	p2 =	seq.s32 @!p0 s5, $0x0  }
0x1f: {  	s9 =	smul.u32 $0xF7A, s1;
	s8 =	simm.s32 @!p0 $0x1BF5;
	p2 =	por !p2, p0  }
0x20: {  	[sflag:s8] =	ssyncset.s32 @!p0 $0xFFFFF086;
	s6 =	sadd.s32 @!p0 s3, s7;
	s7 =	simm.s32 @!p0 $0x108  }
0x21: {  	s3 =	sadd.s32 s3, s9;
	s6 =	sadd.s32 @!p0 $0x88, s6;
	s7 =	simm.s32 @p2 $0x1082  }
0x22: {  	[simem:s7], [sflag:s8] =	dma.local @!p0 [hbm:s6], $0xF7A  }
0x23: {  	s9 =	sor.u32 $0xD0000000, s2;
	s6 =	simm.s32 $0x108;
	_ =	swait.ge @!p0 [sflag:s8], $0x0  }
0x24: {  	s3 =	sadd.s32 $0x88, s3;
	s6 =	simm.s32 @!p1 $0x1082;
	[sflag:s4] =	ssyncset.s32 $0xFFFFF086  }
0x25: {  	[simem:s6], [sflag:s4] =	dma.local [hbm:s3], $0xF7A  }
0x26: {  	[smem:$0x3F9D] =	sst s1;
	(tag) =	ssettag s2;
	_ =	strace s9  }
0x27: {  	s1 =	sld [smem:$0x3FAD]  }
0x28: {  	s2 =	sld [smem:$0x3FAE]  }
0x29: {  	s4 =	sld [smem:$0x3FB0]  }
0x2a: {  	p0 =	seq.s32 s5, $0x0;
	s5 =	sld [smem:$0x3FB1]  }
0x2b: {  	s6 =	sld [smem:$0x3FB2]  }
0x2c: {  	s7 =	sld [smem:$0x3FB3]  }
0x2d: {  	s3 =	simm.s32 $0x108;
	s8 =	sld [smem:$0x3FB4]  }
0x2e: {  	s3 =	simm.s32 @!p0 $0x1082;
	s9 =	sld [smem:$0x3FB5]  }
0x2f: {  	lr =	sadd.s32 s0, s3;
	s0 =	sld [smem:$0x3FAC]  }
0x30: {  	s3 =	sld [smem:$0x3FAF]  }
0x31: {  	[smem:$0x3FB8] =	sst s10  }
0x32: {  	s10 =	sld [smem:$0x3FB6];
	_ =	sdelay $0x3  }
0x33: {  	p0 =	seq.s32 s10, $0x1;
	s10 =	sld [smem:$0x3FB8];
	_ =	sdelay $0x3  }
0x34: {  	[smem:$0x3FB8] =	sst s10  }
0x35: {  	s10 =	sld [smem:$0x3FB7];
	_ =	sdelay $0x3  }
0x36: {  	p1 =	seq.s32 s10, $0x1;
	s10 =	sld [smem:$0x3FB8];
	_ =	sdelay $0x3  }
0x37: {  	[smem:$0x3FB8] =	sst s10  }
0x38: {  	s10 =	sld [smem:$0x3FB9]  }
0x39: {  	_ = 	snop;
	(pc) =	sbr.ind lr, $3  }
0x3a: {  	_ = 	snop  }
0x3b: {  	_ = 	snop  }
0x3c: {  	p2 =	seq.s32 s10, $0x1;
	s10 =	sld [smem:$0x3FB8]  }
0x3d: {  	_ =	shalt  }
0x3e: {  	_ =	shalt  }
0x3f: {  	_ =	shalt  }
0x40: {  	_ =	shalt  }
0x41: {  	_ =	shalt  }
0x42: {  	_ =	shalt  }
0x43: {  	_ =	shalt  }
0x44: {  	_ =	shalt  }
0x45: {  	_ =	shalt  }
0x46: {  	_ =	shalt  }
0x47: {  	_ =	shalt  }
0x48: {  	_ =	shalt  }
0x49: {  	_ =	shalt  }
0x4a: {  	_ =	shalt  }
0x4b: {  	_ =	shalt  }
0x4c: {  	_ =	shalt  }
0x4d: {  	_ =	shalt  }
0x4e: {  	_ =	shalt  }
0x4f: {  	_ =	shalt  }
0x50: {  	_ =	shalt  }
0x51: {  	_ =	shalt  }
0x52: {  	_ =	shalt  }
0x53: {  	_ =	shalt  }
0x54: {  	_ =	shalt  }
0x55: {  	_ =	shalt  }
0x56: {  	_ =	shalt  }
0x57: {  	_ =	shalt  }
0x58: {  	_ =	shalt  }
0x59: {  	_ =	shalt  }
0x5a: {  	_ =	shalt  }
0x5b: {  	_ =	shalt  }
0x5c: {  	_ =	shalt  }
0x5d: {  	_ =	shalt  }
0x5e: {  	_ =	shalt  }
0x5f: {  	_ =	shalt  }
0x60: {  	_ =	shalt  }
0x61: {  	_ =	shalt  }
0x62: {  	_ =	shalt  }
0x63: {  	_ =	shalt  }
0x64: {  	_ =	shalt  }
0x65: {  	_ =	shalt  }
0x66: {  	_ =	shalt  }
0x67: {  	_ =	shalt  }
0x68: {  	_ =	shalt  }
0x69: {  	_ =	shalt  }
0x6a: {  	_ =	shalt  }
0x6b: {  	_ =	shalt  }
0x6c: {  	_ =	shalt  }
0x6d: {  	_ =	shalt  }
0x6e: {  	_ =	shalt  }
0x6f: {  	_ =	shalt  }
0x70: {  	_ =	shalt  }
0x71: {  	_ =	shalt  }
0x72: {  	_ =	shalt  }
0x73: {  	_ =	shalt  }
0x74: {  	_ =	shalt  }
0x75: {  	_ =	shalt  }
0x76: {  	_ =	shalt  }
0x77: {  	_ =	shalt  }
0x78: {  	_ =	shalt  }
0x79: {  	_ =	shalt  }
0x7a: {  	_ =	shalt  }
0x7b: {  	_ =	shalt  }
0x7c: {  	_ =	shalt  }
0x7d: {  	_ =	shalt  }
0x7e: {  	_ =	shalt  }
0x7f: {  	_ =	shalt  }
0x80: {  	_ =	shalt  }
0x81: {  	_ =	shalt  }
0x82: {  	_ =	shalt  }
0x83: {  	_ =	shalt  }
0x84: {  	_ =	shalt  }
0x85: {  	_ =	shalt  }
0x86: {  	_ =	shalt  }
0x87: {  	_ =	shalt  }
.Lfunc_end0:
.L_simem_size_0:
called_computation_lowered:
.L_overlay_start_0:
0x88: {  	s2 =	sld [smem:$0x3FD9]  }
0x89: {  	s3 =	sld [smem:$0x3FFE];
	_ =	sdelay $0x1  }
0x8a: {  	s1 =	srdreg.scid  }
0x8b: {  	s0 =	sand.u32 $0x1, s1  }
0x8c: {  	s17 =	sshll.u32 s0, $0xA;
	s2 =	sadd.s32 s3, s2  }
0x8d: {  	s2 =	sadd.s32 s2, s17  }
0x8e: {  	[smem:$0x3FC4] =	sst s2  }
0x8f: {  	_ = 	snop  }
0x90: {  	s2 =	sld [smem:$0x3FC9]  }
0x91: {  	s18 =	sld [smem:$0x3FD0];
	(tm) =	ssettm $0x1  }
0x92: {  	s4 =	sld [smem:$0x3FFB];
	_ =	sdelay $0x3  }
0x93: {  	_ =	strace s4  }
0x94: {  	s4 =	sld [smem:$0x3FFC];
	_ =	sdelay $0x3  }
0x95: {  	_ =	strace s4  }
0x96: {  	s4 =	sld [smem:$0x3FFD];
	_ =	sdelay $0x3  }
0x97: {  	_ =	strace s4  }
0x98: {  	_ =	strace $0x8FFFFFFF  }
0x99: {  	s19 =	sld [smem:$0x3FDB];
	_ =	sdelay $0x1  }
0x9a: {  	s5 =	simm.s32 $_scs_section_size  }
0x9b: {  	s6 =	simm.s32 $_size__tile_overlayer_lowered;
	s7 =	simm.s32 $_tile_overlayer_lowered  }
0x9c: {  	s22 =	simm.s32 $0x1BFF;
	s21 =	sshll.u32 s7, $0x1;
	s4 =	sadd.s32 s5, s19  }
0x9d: {  	s8 =	simm.s32 $0x0;
	s20 =	sshll.u32 s6, $0x1;
	s6 =	sadd.s32 s21, s4  }
0x9e: {  	[timem:s8], [sflag:s22] =	dma.local [hbm:s6], s20  }
0x9f: {  	_ =	swait.ge [sflag:s22], s20  }
0xa0: {  	s5 =	ssub.s32 $0x0, s20;
	[sflag:s22] =	ssyncset.done $0x0  }
0xa1: {  	[sflag:s22] =	ssyncadd.s32 s5;
	_ =	sdelay $0x1  }
0xa2: {  	s23 =	simm.s32 $0x1B8B  }
0xa3: {  	_ =	swait.ge [sflag:s23], $0x1  }
0xa4: {  	[sflag:s23] =	ssyncset.done $0x0  }
0xa5: {  	s25 =	simm.s32 $0x1B8E;
	s24 =	sld [smem:$0x3FFE];
	[sflag:s23] =	ssyncadd.s32 $0xFFFFFFFF  }
0xa6: {  	s26 =	simm.s32 $execute0_lowered;
	[smem:$0x3FD2] =	sst s25  }
0xa7: {  	s6 =	sshll.u32 s26, $0x1;
	_ =	strace $0x80000046;
	[dreg:$0x1] =	wrdreg $0xFFFFFFFF  }
0xa8: {  	s28 =	simm.s32 $_size_execute0_lowered;
	s4 =	sadd.s32 s4, s6;
	[dreg:$0x0] =	wrdreg $0x0  }
0xa9: {  	s6 =	sshll.u32 s28, $0x1;
	[dreg:$0x2] =	wrdreg s4  }
0xaa: {  	[dreg:$0x3] =	wrdreg s6  }
0xab: {  	[dreg:$0x4] =	wrdreg $0xC0  }
0xac: {  	_ =	task [dreg:s8], $0x5FFFF  }
0xad: {  	[dreg:$0x1] =	wrdreg $0xFFFFFFFF  }
0xae: {  	[dreg:$0x0] =	wrdreg $0x60  }
0xaf: {  	[dreg:$0x2] =	wrdreg s2  }
0xb0: {  	[dreg:$0x3] =	wrdreg s24  }
0xb1: {  	[dreg:$0x4] =	wrdreg s18  }
0xb2: {  	[dreg:$0x5] =	wrdreg $0x0  }
0xb3: {  	[dreg:$0x6] =	wrdreg $0x9  }
0xb4: {  	_ =	task.clear_ibuf [dreg:s8], $0x7FFFF;
	_ =	strace $0x90000046  }
0xb5: {  	s29 =	simm.s32 $0x9;
	_ =	strace $0x80000048  }
0xb6: {  	_ =	swait.ge [sflag:s29], $0x1  }
0xb7: {  	[sflag:s29] =	ssyncadd.s32 $0xFFFFFFFF  }
0xb8: {  	_ =	strace $0x90000048  }
0xb9: {  	_ =	sfence  }
0xba: {  	s30 =	sld [smem:$0x0];
	_ =	sdelay $0x2  }
0xbb: {  	s31 =	sshll.u32 s1, $0xD;
	s1 =	sshrl.u32 s1, $0x2  }
0xbc: {  	s3 =	sand.u32 $0x4000, s31;
	s1 =	sadd.s32 s1, s30  }
0xbd: {  	s0 =	sor.u32 s3, s0;
	s1 =	sshll.u32 s1, $0x11  }
0xbe: {  	s0 =	sor.u32 s1, s0  }
0xbf: {  	s0 =	sadd.s32 $0x8F2B, s0  }
0xc0: {  	[sflag:s0] =	ssyncadd.remote.s32 $0x1  }
0xc1: {  	_ =	sfence.sel $0xFFFF  }
0xc2: {  	[dreg:$0x0] =	wrdreg $0xFFFFFFFF;
	(pc) =	sbr.abs _section_cstart, $3  }
0xc3: {  	[dreg:$0x1] =	wrdreg $0xFFFFFFFF  }
0xc4: {  	_ =	task.clear_ibuf [dreg:s8], $0x2FFFF;
	_ =	strace $0x9FFFFFFF  }
0xc5: {  	(tm) =	ssettm $0x7FFFFFFF  }
tec
execute0_lowered:
.L_overlay_start_1:
0x0: {  	(tag) =	ssettag $0x1  }
0x1: {  	s0 =	srdreg.scid;
	s10 =	stileid.u32  }
0x2: {  	s1 =	rddreg [dreg:$0x0];
	s2 =	sand.u32 $0x1, s0;
	s6 =	smul.u32 $0x5000, s10  }
0x3: {  	s5 =	rddreg [dreg:$0x1];
	s4 =	smul.u32 $0x50000, s2  }
0x4: {  	s3 =	rddreg [dreg:$0x3]  }
0x5: {  	s0 =	rddreg [dreg:$0x2];
	s6 =	sadd.s32 s6, s4;
	s4 =	simm.s32 $0x0  }
0x6: {  	s18 =	sadd.s32 $0x29800, s5;
	[smem:$0x7FF] =	sst s4  }
0x7: {  	s17 =	simm.s32 $0x14080;
	_ =	strace $0x80000047;
	[smem:$0x7EB] =	sst s18  }
0x8: {  	s19 =	simm.s32 $0x14100;
	[dreg:$0x7] =	wrdreg s17  }
0x9: {  	s20 =	simm.s32 $0x15080;
	[dreg:$0x8] =	wrdreg s19  }
0xa: {  	s21 =	simm.s32 $0x14180;
	s22 =	simm.s32 $0x15100;
	[dreg:$0x9] =	wrdreg s20  }
0xb: {  	s24 =	simm.s32 $0x14200;
	s26 =	simm.s32 $0x15180;
	[dreg:$0xa] =	wrdreg s21  }
0xc: {  	s12 =	simm.s32 $0x14300;
	s13 =	simm.s32 $0x15280;
	[dreg:$0xb] =	wrdreg s22  }
0xd: {  	s14 =	simm.s32 $0x14380;
	s15 =	simm.s32 $0x15300;
	[dreg:$0xc] =	wrdreg s24  }
0xe: {  	s28 =	simm.s32 $0x15A00;
	s29 =	simm.s32 $0x14B00;
	[dreg:$0xd] =	wrdreg s26  }
0xf: {  	s30 =	simm.s32 $0x15A80;
	s31 =	simm.s32 $0x14B80;
	[dreg:$0x10] =	wrdreg s12  }
0x10: {  	s8 =	sadd.s32 $0x1800, s5;
	s16 =	smul.u32 $0x14000, s10;
	[dreg:$0x11] =	wrdreg s13  }
0x11: {  	s7 =	sadd.s32 $0xA0000, s6;
	s6 =	sshrl.u32 s6, $0x3;
	[dreg:$0x12] =	wrdreg s14  }
0x12: {  	s11 =	smul.u32 $0x50000, s10;
	s6 =	sadd.s32 s6, s8;
	[dreg:$0x13] =	wrdreg s15  }
0x13: {  	s9 =	smul.u32 $0x140000, s2;
	s17 =	simm.s32 $0x14400;
	[dreg:$0x6] =	wrdreg s6  }
0x14: {  	s23 =	ssub.s32 $0x2, s2;
	s18 =	simm.s32 $0x15380;
	[dreg:$0x14] =	wrdreg s17  }
0x15: {  	s2 =	sshll.u32 s2, $0x4;
	s19 =	simm.s32 $0x14480;
	[dreg:$0x15] =	wrdreg s18  }
0x16: {  	s25 =	sshrl.u32 s23, $0x1;
	s20 =	simm.s32 $0x15400;
	[dreg:$0x16] =	wrdreg s19  }
0x17: {  	s2 =	sor.u32 s10, s2;
	s22 =	simm.s32 $0x14500;
	[dreg:$0x17] =	wrdreg s20  }
0x18: {  	s2 =	sshrl.u32 s2, $0x3;
	s24 =	simm.s32 $0x14580;
	[dreg:$0x18] =	wrdreg s22  }
0x19: {  	s2 =	smul.u32 $0x14000, s2;
	s26 =	simm.s32 $0x14600;
	[dreg:$0x1a] =	wrdreg s24  }
0x1a: {  	s7 =	sshrl.u32 s7, $0x3;
	s12 =	simm.s32 $0x14680;
	[dreg:$0x1c] =	wrdreg s26  }
0x1b: {  	s21 =	sshll.u32 s10, $0x7;
	s13 =	simm.s32 $0x15600;
	[dreg:$0x1e] =	wrdreg s12  }
0x1c: {  	s14 =	simm.s32 $0x14700;
	s15 =	simm.s32 $0x15680;
	[dreg:$0x1f] =	wrdreg s13  }
0x1d: {  	s7 =	sadd.s32 s7, s8;
	s8 =	simm.s32 $0x14280;
	[smem:$0x7EF] =	sst s14  }
0x1e: {  	s12 =	simm.s32 $0x14000;
	s13 =	simm.s32 $0x15000;
	[smem:$0x7F0] =	sst s15  }
0x1f: {  	s14 =	simm.s32 $0x50;
	s17 =	simm.s32 $0x15700;
	s15 =	simm.s32 $0x16000  }
0x20: {  	s18 =	simm.s32 $0x14800;
	s19 =	simm.s32 $0x15780;
	[dreg:$0x5] =	wrdreg s7  }
0x21: {  	s20 =	simm.s32 $0x14880;
	s22 =	simm.s32 $0x14900;
	[dreg:$0xe] =	wrdreg s8  }
0x22: {  	s24 =	simm.s32 $0x14980;
	s26 =	simm.s32 $0x14A00;
	[smem:$0x7F2] =	sst s17  }
0x23: {  	s7 =	sadd.s32 s16, s9;
	s9 =	simm.s32 $0x15200;
	[smem:$0x7F3] =	sst s18  }
0x24: {  	s8 =	sshrl.u32 s11, $0x2;
	s16 =	sshll.u32 s10, $0x6;
	[smem:$0x7F4] =	sst s19  }
0x25: {  	s10 =	simm.s32 $0x15580;
	s17 =	simm.s32 $0x1D800;
	[smem:$0x7F5] =	sst s20  }
0x26: {  	s18 =	simm.s32 $0x1;
	s19 =	simm.s32 $0x1B000;
	[smem:$0x7F7] =	sst s22  }
0x27: {  	s20 =	simm.s32 $0x2;
	s22 =	simm.s32 $0x3;
	[smem:$0x7F9] =	sst s24  }
0x28: {  	s24 =	simm.s32 $0x6;
	[smem:$0x7FB] =	sst s26;
	s26 =	simm.s32 $0x14A80  }
0x29: {  	s7 =	sshrl.u32 s7, $0x3;
	[dreg:$0xf] =	wrdreg s9;
	s8 =	sadd.s32 s8, s3  }
0x2a: {  	s11 =	sor.u32 $0x1C07, s16;
	s9 =	sand.u32 $0x380, s21;
	[dreg:$0x1d] =	wrdreg s10  }
0x2b: {  	s16 =	simm.s32 $0x14780;
	s21 =	simm.s32 $0x15800;
	s5 =	sadd.s32 s7, s5  }
0x2c: {  	s7 =	ssub.s32 s23, s25;
	s23 =	simm.s32 $0x15480;
	[smem:$0x7F1] =	sst s16  }
0x2d: {  	s2 =	sor.u32 s9, s2;
	s9 =	smov.u32 s11;
	[smem:$0x7F6] =	sst s21  }
0x2e: {  	s25 =	simm.s32 $0x15500;
	s10 =	sshrl.u32 s8, $0x3;
	[dreg:$0x19] =	wrdreg s23  }
0x2f: {  	s16 =	simm.s32 $0x18800;
	s21 =	simm.s32 $0x4;
	[dreg:$0x1b] =	wrdreg s25  }
0x30: {  	s8 =	simm.s32 $0x0;
	s2 =	sshrl.u32 s2, $0x3;
	[smem:$0x7FC] =	sst s9  }
0x31: {  	s6 =	sadd.s32 $0x2C000, s5;
	s11 =	smax.u32 s7, $0x1;
	[smem:$0x7FD] =	sst s10  }
0x32: {  	s23 =	simm.s32 $0x15880;
	s25 =	simm.s32 $0x15900;
	[smem:$0x7ED] =	sst s6  }
0x33: {  	s5 =	simm.s32 $0x15B80;
	s7 =	simm.s32 $0x15C00;
	[smem:$0x7EE] =	sst s11  }
0x34: {  	s0 =	sadd.s32 s0, s2;
	s11 =	simm.s32 $0x7;
	[smem:$0x7F8] =	sst s23  }
0x35: {  	s23 =	simm.s32 $0x5;
	[smem:$0x7FA] =	sst s25;
	s25 =	simm.s32 $0x15980  }
0x36: {  	v0 =	vimm.f32 $0.0e+00;
	v1 =	vimm.f32 $1.000000000e+00;
	s2 =	simm.s32 $0x15B00;
	[smem:$0x7EC] =	sst s0;
	s0 =	simm.s32 $0x14C00  }
.LBB2_1:
0x37: {  	s6 =	sld [smem:$0x7EB];
	_ =	sdelay $0x2  }
0x38: {  	[spmem:s10], [sflag:s9] =	dma.local [hbm:s6], $0x2800  }
0x39: {  	_ =	swait.ge [sflag:s11], $0x2800  }
0x3a: {  	[sflag:s11] =	ssyncset.done $0x0  }
0x3b: {  	s9 =	simm.s32 $0x40;
	s6 =	simm.s32 $0x0;
	[sflag:s11] =	ssyncadd.s32 $0xFFFFD800  }
.LBB2_2:
0x3c: {  	p0 =	sne.s32 s9, $0x9FC0;
	[tilespmem:s6+$0x1D800] =	vst v0;
	s6 =	smov.u32 s9;
	s9 =	sadd.s32 $0x40, s9  }
.Ltmp0:
0x3d: {  	(pc) =	sbr.rel @p0 .LBB2_2-.Ltmp0, $2  }
0x3e: {  	_ =	sdelay $0x2  }
0x3f: {  	s6 =	sshra.s32 s6, $0x2  }
0x40: {  	[tilespmem:s6+$0x1D800] =	vst v0  }
0x41: {  	s9 =	simm.s32 $0x0;
	[bflag:$0x0] =	sbarrier.arrive $0xFFFF  }
.LBB2_4:
0x42: {  	s6 =	rddreg [dreg:$0x6]  }
0x43: {  	s6 =	sadd.s32 s9, s6  }
0x44: {  	[tilespmem:s12], [sflag:$0x7] =	stream.linear.gather [hbm4b:s6+s4], $0xC80, $0x38;
	v63 =	vld [tilespmem:$0x0]  }
0x45: {  	_ =	swait.ge [sflag:s11], $0xC80  }
0x46: {  	s10 =	rddreg [dreg:$0x5];
	[sflag:s11] =	ssyncset.done $0x0  }
0x47: {  	[sflag:s11] =	ssyncadd.s32 $0xFFFFF380;
	s6 =	sadd.s32 s9, s10  }
0x48: {  	[tilespmem:s13], [sflag:$0x7] =	stream.linear.gather [hbm4b:s6+s4], $0xC80, $0x38;
	v63 =	vld [tilespmem:$0x0]  }
0x49: {  	_ =	swait.ge [sflag:s11], $0xC80  }
0x4a: {  	[sflag:s11] =	ssyncset.done $0x0  }
0x4b: {  	[sflag:s11] =	ssyncadd.s32 $0xFFFFF380  }
0x4c: {  	[tilespmem:s15], [sflag:$0x1] =	stream.indirect.gather [hbm4b:s1+s14], $0x80, s12, s14, $0xb8;
	v63 =	vld [tilespmem:$0x0]  }
0x4d: {  	s10 =	rddreg [dreg:$0x7]  }
0x4e: {  	[tilespmem:s16], [sflag:$0x2] =	stream.indirect.gather [hbm4b:s1+s14], $0x80, s10, s14, $0xb8;
	v63 =	vld [tilespmem:$0x0]  }
0x4f: {  	v2 =	vld [tilespmem:$0x15000];
	_ =	sdelay $0x7  }
0x50: {  	[tilespmem:v2+s17+$0x0] =	vst.idx.add.f32.msk $0xffff, v1  }
0x51: {  	v2 =	vld [tilespmem:$0x15010];
	_ =	sdelay $0x7  }
0x52: {  	[tilespmem:v2+s17+$0x0] =	vst.idx.add.f32.msk $0xffff, v1  }
0x53: {  	v2 =	vld [tilespmem:$0x15020];
	_ =	sdelay $0x7  }
0x54: {  	[tilespmem:v2+s17+$0x0] =	vst.idx.add.f32.msk $0xffff, v1  }
0x55: {  	v2 =	vld [tilespmem:$0x15030];
	_ =	sdelay $0x7  }
0x56: {  	[tilespmem:v2+s17+$0x0] =	vst.idx.add.f32.msk $0xffff, v1  }
0x57: {  	v2 =	vld [tilespmem:$0x15040];
	_ =	sdelay $0x7  }
0x58: {  	[tilespmem:v2+s17+$0x0] =	vst.idx.add.f32.msk $0xffff, v1  }
0x59: {  	_ =	swait.ge [sflag:s18], $0x2800  }
0x5a: {  	[sflag:s18] =	ssyncset.done $0x0  }
0x5b: {  	[sflag:s18] =	ssyncadd.s32 $0xFFFFD800  }
0x5c: {  	[spmem:s3] =	stream.indirect.scatter.add.f32 [tilespmem:s15], [sflag:$0x4], $0x80, s13, s14, $0xb8;
	v63 =	vld [tilespmem:$0x0]  }
0x5d: {  	s10 =	rddreg [dreg:$0x8]  }
0x5e: {  	[tilespmem:s19], [sflag:$0x3] =	stream.indirect.gather [hbm4b:s1+s14], $0x80, s10, s14, $0xb8;
	v63 =	vld [tilespmem:$0x0]  }
0x5f: {  	v2 =	vld [tilespmem:$0x15080];
	_ =	sdelay $0x7  }
0x60: {  	[tilespmem:v2+s17+$0x0] =	vst.idx.add.f32.msk $0xffff, v1  }
0x61: {  	v2 =	vld [tilespmem:$0x15090];
	_ =	sdelay $0x7  }
0x62: {  	[tilespmem:v2+s17+$0x0] =	vst.idx.add.f32.msk $0xffff, v1  }
0x63: {  	v2 =	vld [tilespmem:$0x150A0];
	_ =	sdelay $0x7  }
0x64: {  	[tilespmem:v2+s17+$0x0] =	vst.idx.add.f32.msk $0xffff, v1  }
0x65: {  	v2 =	vld [tilespmem:$0x150B0];
	_ =	sdelay $0x7  }
0x66: {  	[tilespmem:v2+s17+$0x0] =	vst.idx.add.f32.msk $0xffff, v1  }
0x67: {  	v2 =	vld [tilespmem:$0x150C0];
	_ =	sdelay $0x7  }
0x68: {  	[tilespmem:v2+s17+$0x0] =	vst.idx.add.f32.msk $0xffff, v1  }
0x69: {  	_ =	swait.ge [sflag:s20], $0x2800  }
0x6a: {  	[sflag:s20] =	ssyncset.done $0x0  }
0x6b: {  	s10 =	rddreg [dreg:$0x9];
	[sflag:s20] =	ssyncadd.s32 $0xFFFFD800  }
0x6c: {  	[spmem:s3] =	stream.indirect.scatter.add.f32 [tilespmem:s16], [sflag:$0x5], $0x80, s10, s14, $0xb8;
	v63 =	vld [tilespmem:$0x0]  }
0x6d: {  	_ =	swait.ge [sflag:s21], $0x2800  }
0x6e: {  	[sflag:s21] =	ssyncset.done $0x0  }
0x6f: {  	s10 =	rddreg [dreg:$0xa];
	[sflag:s21] =	ssyncadd.s32 $0xFFFFD800  }
0x70: {  	[tilespmem:s15], [sflag:$0x1] =	stream.indirect.gather [hbm4b:s1+s14], $0x80, s10, s14, $0xb8;
	v63 =	vld [tilespmem:$0x0]  }
0x71: {  	v2 =	vld [tilespmem:$0x15100];
	_ =	sdelay $0x7  }
0x72: {  	[tilespmem:v2+s17+$0x0] =	vst.idx.add.f32.msk $0xffff, v1  }
0x73: {  	v2 =	vld [tilespmem:$0x15110];
	_ =	sdelay $0x7  }
0x74: {  	[tilespmem:v2+s17+$0x0] =	vst.idx.add.f32.msk $0xffff, v1  }
0x75: {  	v2 =	vld [tilespmem:$0x15120];
	_ =	sdelay $0x7  }
0x76: {  	[tilespmem:v2+s17+$0x0] =	vst.idx.add.f32.msk $0xffff, v1  }
0x77: {  	v2 =	vld [tilespmem:$0x15130];
	_ =	sdelay $0x7  }
0x78: {  	[tilespmem:v2+s17+$0x0] =	vst.idx.add.f32.msk $0xffff, v1  }
0x79: {  	v2 =	vld [tilespmem:$0x15140];
	_ =	sdelay $0x7  }
0x7a: {  	[tilespmem:v2+s17+$0x0] =	vst.idx.add.f32.msk $0xffff, v1  }
0x7b: {  	_ =	swait.ge [sflag:s22], $0x2800  }
0x7c: {  	[sflag:s22] =	ssyncset.done $0x0  }
0x7d: {  	s10 =	rddreg [dreg:$0xb];
	[sflag:s22] =	ssyncadd.s32 $0xFFFFD800  }
0x7e: {  	[spmem:s3] =	stream.indirect.scatter.add.f32 [tilespmem:s19], [sflag:$0x6], $0x80, s10, s14, $0xb8;
	v63 =	vld [tilespmem:$0x0]  }
0x7f: {  	_ =	swait.ge [sflag:s23], $0x2800  }
0x80: {  	[sflag:s23] =	ssyncset.done $0x0  }
0x81: {  	s10 =	rddreg [dreg:$0xc];
	[sflag:s23] =	ssyncadd.s32 $0xFFFFD800  }
0x82: {  	[tilespmem:s16], [sflag:$0x2] =	stream.indirect.gather [hbm4b:s1+s14], $0x80, s10, s14, $0xb8;
	v63 =	vld [tilespmem:$0x0]  }
0x83: {  	v2 =	vld [tilespmem:$0x15180];
	_ =	sdelay $0x7  }
0x84: {  	[tilespmem:v2+s17+$0x0] =	vst.idx.add.f32.msk $0xffff, v1  }
0x85: {  	v2 =	vld [tilespmem:$0x15190];
	_ =	sdelay $0x7  }
0x86: {  	[tilespmem:v2+s17+$0x0] =	vst.idx.add.f32.msk $0xffff, v1  }
0x87: {  	v2 =	vld [tilespmem:$0x151A0];
	_ =	sdelay $0x7  }
0x88: {  	[tilespmem:v2+s17+$0x0] =	vst.idx.add.f32.msk $0xffff, v1  }
0x89: {  	v2 =	vld [tilespmem:$0x151B0];
	_ =	sdelay $0x7  }
0x8a: {  	[tilespmem:v2+s17+$0x0] =	vst.idx.add.f32.msk $0xffff, v1  }
0x8b: {  	v2 =	vld [tilespmem:$0x151C0];
	_ =	sdelay $0x7  }
0x8c: {  	[tilespmem:v2+s17+$0x0] =	vst.idx.add.f32.msk $0xffff, v1  }
0x8d: {  	_ =	swait.ge [sflag:s18], $0x2800  }
0x8e: {  	[sflag:s18] =	ssyncset.done $0x0  }
0x8f: {  	s10 =	rddreg [dreg:$0xd];
	[sflag:s18] =	ssyncadd.s32 $0xFFFFD800  }
0x90: {  	[spmem:s3] =	stream.indirect.scatter.add.f32 [tilespmem:s15], [sflag:$0x4], $0x80, s10, s14, $0xb8;
	v63 =	vld [tilespmem:$0x0]  }
0x91: {  	_ =	swait.ge [sflag:s24], $0x2800  }
0x92: {  	[sflag:s24] =	ssyncset.done $0x0  }
0x93: {  	s10 =	rddreg [dreg:$0xe];
	[sflag:s24] =	ssyncadd.s32 $0xFFFFD800  }
0x94: {  	[tilespmem:s19], [sflag:$0x3] =	stream.indirect.gather [hbm4b:s1+s14], $0x80, s10, s14, $0xb8;
	v63 =	vld [tilespmem:$0x0]  }
0x95: {  	v2 =	vld [tilespmem:$0x15200];
	_ =	sdelay $0x7  }
0x96: {  	[tilespmem:v2+s17+$0x0] =	vst.idx.add.f32.msk $0xffff, v1  }
0x97: {  	v2 =	vld [tilespmem:$0x15210];
	_ =	sdelay $0x7  }
0x98: {  	[tilespmem:v2+s17+$0x0] =	vst.idx.add.f32.msk $0xffff, v1  }
0x99: {  	v2 =	vld [tilespmem:$0x15220];
	_ =	sdelay $0x7  }
0x9a: {  	[tilespmem:v2+s17+$0x0] =	vst.idx.add.f32.msk $0xffff, v1  }
0x9b: {  	v2 =	vld [tilespmem:$0x15230];
	_ =	sdelay $0x7  }
0x9c: {  	[tilespmem:v2+s17+$0x0] =	vst.idx.add.f32.msk $0xffff, v1  }
0x9d: {  	v2 =	vld [tilespmem:$0x15240];
	_ =	sdelay $0x7  }
0x9e: {  	[tilespmem:v2+s17+$0x0] =	vst.idx.add.f32.msk $0xffff, v1  }
0x9f: {  	_ =	swait.ge [sflag:s20], $0x2800  }
0xa0: {  	[sflag:s20] =	ssyncset.done $0x0  }
0xa1: {  	s10 =	rddreg [dreg:$0xf];
	[sflag:s20] =	ssyncadd.s32 $0xFFFFD800  }
0xa2: {  	[spmem:s3] =	stream.indirect.scatter.add.f32 [tilespmem:s16], [sflag:$0x5], $0x80, s10, s14, $0xb8;
	v63 =	vld [tilespmem:$0x0]  }
0xa3: {  	_ =	swait.ge [sflag:s21], $0x2800  }
0xa4: {  	[sflag:s21] =	ssyncset.done $0x0  }
0xa5: {  	s10 =	rddreg [dreg:$0x10];
	[sflag:s21] =	ssyncadd.s32 $0xFFFFD800  }
0xa6: {  	[tilespmem:s15], [sflag:$0x1] =	stream.indirect.gather [hbm4b:s1+s14], $0x80, s10, s14, $0xb8;
	v63 =	vld [tilespmem:$0x0]  }
0xa7: {  	v2 =	vld [tilespmem:$0x15280];
	_ =	sdelay $0x7  }
0xa8: {  	[tilespmem:v2+s17+$0x0] =	vst.idx.add.f32.msk $0xffff, v1  }
0xa9: {  	v2 =	vld [tilespmem:$0x15290];
	_ =	sdelay $0x7  }
0xaa: {  	[tilespmem:v2+s17+$0x0] =	vst.idx.add.f32.msk $0xffff, v1  }
0xab: {  	v2 =	vld [tilespmem:$0x152A0];
	_ =	sdelay $0x7  }
0xac: {  	[tilespmem:v2+s17+$0x0] =	vst.idx.add.f32.msk $0xffff, v1  }
0xad: {  	v2 =	vld [tilespmem:$0x152B0];
	_ =	sdelay $0x7  }
0xae: {  	[tilespmem:v2+s17+$0x0] =	vst.idx.add.f32.msk $0xffff, v1  }
0xaf: {  	v2 =	vld [tilespmem:$0x152C0];
	_ =	sdelay $0x7  }
0xb0: {  	[tilespmem:v2+s17+$0x0] =	vst.idx.add.f32.msk $0xffff, v1  }
0xb1: {  	_ =	swait.ge [sflag:s22], $0x2800  }
0xb2: {  	[sflag:s22] =	ssyncset.done $0x0  }
0xb3: {  	s10 =	rddreg [dreg:$0x11];
	[sflag:s22] =	ssyncadd.s32 $0xFFFFD800  }
0xb4: {  	[spmem:s3] =	stream.indirect.scatter.add.f32 [tilespmem:s19], [sflag:$0x6], $0x80, s10, s14, $0xb8;
	v63 =	vld [tilespmem:$0x0]  }
0xb5: {  	_ =	swait.ge [sflag:s23], $0x2800  }
0xb6: {  	[sflag:s23] =	ssyncset.done $0x0  }
0xb7: {  	s10 =	rddreg [dreg:$0x12];
	[sflag:s23] =	ssyncadd.s32 $0xFFFFD800  }
0xb8: {  	[tilespmem:s16], [sflag:$0x2] =	stream.indirect.gather [hbm4b:s1+s14], $0x80, s10, s14, $0xb8;
	v63 =	vld [tilespmem:$0x0]  }
0xb9: {  	v2 =	vld [tilespmem:$0x15300];
	_ =	sdelay $0x7  }
0xba: {  	[tilespmem:v2+s17+$0x0] =	vst.idx.add.f32.msk $0xffff, v1  }
0xbb: {  	v2 =	vld [tilespmem:$0x15310];
	_ =	sdelay $0x7  }
0xbc: {  	[tilespmem:v2+s17+$0x0] =	vst.idx.add.f32.msk $0xffff, v1  }
0xbd: {  	v2 =	vld [tilespmem:$0x15320];
	_ =	sdelay $0x7  }
0xbe: {  	[tilespmem:v2+s17+$0x0] =	vst.idx.add.f32.msk $0xffff, v1  }
0xbf: {  	v2 =	vld [tilespmem:$0x15330];
	_ =	sdelay $0x7  }
0xc0: {  	[tilespmem:v2+s17+$0x0] =	vst.idx.add.f32.msk $0xffff, v1  }
0xc1: {  	v2 =	vld [tilespmem:$0x15340];
	_ =	sdelay $0x7  }
0xc2: {  	[tilespmem:v2+s17+$0x0] =	vst.idx.add.f32.msk $0xffff, v1  }
0xc3: {  	_ =	swait.ge [sflag:s18], $0x2800  }
0xc4: {  	[sflag:s18] =	ssyncset.done $0x0  }
0xc5: {  	s10 =	rddreg [dreg:$0x13];
	[sflag:s18] =	ssyncadd.s32 $0xFFFFD800  }
0xc6: {  	[spmem:s3] =	stream.indirect.scatter.add.f32 [tilespmem:s15], [sflag:$0x4], $0x80, s10, s14, $0xb8;
	v63 =	vld [tilespmem:$0x0]  }
0xc7: {  	_ =	swait.ge [sflag:s24], $0x2800  }
0xc8: {  	[sflag:s24] =	ssyncset.done $0x0  }
0xc9: {  	s10 =	rddreg [dreg:$0x14];
	[sflag:s24] =	ssyncadd.s32 $0xFFFFD800  }
0xca: {  	[tilespmem:s19], [sflag:$0x3] =	stream.indirect.gather [hbm4b:s1+s14], $0x80, s10, s14, $0xb8;
	v63 =	vld [tilespmem:$0x0]  }
0xcb: {  	v2 =	vld [tilespmem:$0x15380];
	_ =	sdelay $0x7  }
0xcc: {  	[tilespmem:v2+s17+$0x0] =	vst.idx.add.f32.msk $0xffff, v1  }
0xcd: {  	v2 =	vld [tilespmem:$0x15390];
	_ =	sdelay $0x7  }
0xce: {  	[tilespmem:v2+s17+$0x0] =	vst.idx.add.f32.msk $0xffff, v1  }
0xcf: {  	v2 =	vld [tilespmem:$0x153A0];
	_ =	sdelay $0x7  }
0xd0: {  	[tilespmem:v2+s17+$0x0] =	vst.idx.add.f32.msk $0xffff, v1  }
0xd1: {  	v2 =	vld [tilespmem:$0x153B0];
	_ =	sdelay $0x7  }
0xd2: {  	[tilespmem:v2+s17+$0x0] =	vst.idx.add.f32.msk $0xffff, v1  }
0xd3: {  	v2 =	vld [tilespmem:$0x153C0];
	_ =	sdelay $0x7  }
0xd4: {  	[tilespmem:v2+s17+$0x0] =	vst.idx.add.f32.msk $0xffff, v1  }
0xd5: {  	_ =	swait.ge [sflag:s20], $0x2800  }
0xd6: {  	[sflag:s20] =	ssyncset.done $0x0  }
0xd7: {  	s10 =	rddreg [dreg:$0x15];
	[sflag:s20] =	ssyncadd.s32 $0xFFFFD800  }
0xd8: {  	[spmem:s3] =	stream.indirect.scatter.add.f32 [tilespmem:s16], [sflag:$0x5], $0x80, s10, s14, $0xb8;
	v63 =	vld [tilespmem:$0x0]  }
0xd9: {  	_ =	swait.ge [sflag:s21], $0x2800  }
0xda: {  	[sflag:s21] =	ssyncset.done $0x0  }
0xdb: {  	s10 =	rddreg [dreg:$0x16];
	[sflag:s21] =	ssyncadd.s32 $0xFFFFD800  }
0xdc: {  	[tilespmem:s15], [sflag:$0x1] =	stream.indirect.gather [hbm4b:s1+s14], $0x80, s10, s14, $0xb8;
	v63 =	vld [tilespmem:$0x0]  }
0xdd: {  	v2 =	vld [tilespmem:$0x15400];
	_ =	sdelay $0x7  }
0xde: {  	[tilespmem:v2+s17+$0x0] =	vst.idx.add.f32.msk $0xffff, v1  }
0xdf: {  	v2 =	vld [tilespmem:$0x15410];
	_ =	sdelay $0x7  }
0xe0: {  	[tilespmem:v2+s17+$0x0] =	vst.idx.add.f32.msk $0xffff, v1  }
0xe1: {  	v2 =	vld [tilespmem:$0x15420];
	_ =	sdelay $0x7  }
0xe2: {  	[tilespmem:v2+s17+$0x0] =	vst.idx.add.f32.msk $0xffff, v1  }
0xe3: {  	v2 =	vld [tilespmem:$0x15430];
	_ =	sdelay $0x7  }
0xe4: {  	[tilespmem:v2+s17+$0x0] =	vst.idx.add.f32.msk $0xffff, v1  }
0xe5: {  	v2 =	vld [tilespmem:$0x15440];
	_ =	sdelay $0x7  }
0xe6: {  	[tilespmem:v2+s17+$0x0] =	vst.idx.add.f32.msk $0xffff, v1  }
0xe7: {  	_ =	swait.ge [sflag:s22], $0x2800  }
0xe8: {  	[sflag:s22] =	ssyncset.done $0x0  }
0xe9: {  	s10 =	rddreg [dreg:$0x17];
	[sflag:s22] =	ssyncadd.s32 $0xFFFFD800  }
0xea: {  	[spmem:s3] =	stream.indirect.scatter.add.f32 [tilespmem:s19], [sflag:$0x6], $0x80, s10, s14, $0xb8;
	v63 =	vld [tilespmem:$0x0]  }
0xeb: {  	_ =	swait.ge [sflag:s23], $0x2800  }
0xec: {  	[sflag:s23] =	ssyncset.done $0x0  }
0xed: {  	s10 =	rddreg [dreg:$0x18];
	[sflag:s23] =	ssyncadd.s32 $0xFFFFD800  }
0xee: {  	[tilespmem:s16], [sflag:$0x2] =	stream.indirect.gather [hbm4b:s1+s14], $0x80, s10, s14, $0xb8;
	v63 =	vld [tilespmem:$0x0]  }
0xef: {  	v2 =	vld [tilespmem:$0x15480];
	_ =	sdelay $0x7  }
0xf0: {  	[tilespmem:v2+s17+$0x0] =	vst.idx.add.f32.msk $0xffff, v1  }
0xf1: {  	v2 =	vld [tilespmem:$0x15490];
	_ =	sdelay $0x7  }
0xf2: {  	[tilespmem:v2+s17+$0x0] =	vst.idx.add.f32.msk $0xffff, v1  }
0xf3: {  	v2 =	vld [tilespmem:$0x154A0];
	_ =	sdelay $0x7  }
0xf4: {  	[tilespmem:v2+s17+$0x0] =	vst.idx.add.f32.msk $0xffff, v1  }
0xf5: {  	v2 =	vld [tilespmem:$0x154B0];
	_ =	sdelay $0x7  }
0xf6: {  	[tilespmem:v2+s17+$0x0] =	vst.idx.add.f32.msk $0xffff, v1  }
0xf7: {  	v2 =	vld [tilespmem:$0x154C0];
	_ =	sdelay $0x7  }
0xf8: {  	[tilespmem:v2+s17+$0x0] =	vst.idx.add.f32.msk $0xffff, v1  }
0xf9: {  	_ =	swait.ge [sflag:s18], $0x2800  }
0xfa: {  	[sflag:s18] =	ssyncset.done $0x0  }
0xfb: {  	s10 =	rddreg [dreg:$0x19];
	[sflag:s18] =	ssyncadd.s32 $0xFFFFD800  }
0xfc: {  	[spmem:s3] =	stream.indirect.scatter.add.f32 [tilespmem:s15], [sflag:$0x4], $0x80, s10, s14, $0xb8;
	v63 =	vld [tilespmem:$0x0]  }
0xfd: {  	_ =	swait.ge [sflag:s24], $0x2800  }
0xfe: {  	[sflag:s24] =	ssyncset.done $0x0  }
0xff: {  	s10 =	rddreg [dreg:$0x1a];
	[sflag:s24] =	ssyncadd.s32 $0xFFFFD800  }
0x100: {  	[tilespmem:s19], [sflag:$0x3] =	stream.indirect.gather [hbm4b:s1+s14], $0x80, s10, s14, $0xb8;
	v63 =	vld [tilespmem:$0x0]  }
0x101: {  	v2 =	vld [tilespmem:$0x15500];
	_ =	sdelay $0x7  }
0x102: {  	[tilespmem:v2+s17+$0x0] =	vst.idx.add.f32.msk $0xffff, v1  }
0x103: {  	v2 =	vld [tilespmem:$0x15510];
	_ =	sdelay $0x7  }
0x104: {  	[tilespmem:v2+s17+$0x0] =	vst.idx.add.f32.msk $0xffff, v1  }
0x105: {  	v2 =	vld [tilespmem:$0x15520];
	_ =	sdelay $0x7  }
0x106: {  	[tilespmem:v2+s17+$0x0] =	vst.idx.add.f32.msk $0xffff, v1  }
0x107: {  	v2 =	vld [tilespmem:$0x15530];
	_ =	sdelay $0x7  }
0x108: {  	[tilespmem:v2+s17+$0x0] =	vst.idx.add.f32.msk $0xffff, v1  }
0x109: {  	v2 =	vld [tilespmem:$0x15540];
	_ =	sdelay $0x7  }
0x10a: {  	[tilespmem:v2+s17+$0x0] =	vst.idx.add.f32.msk $0xffff, v1  }
0x10b: {  	_ =	swait.ge [sflag:s20], $0x2800  }
0x10c: {  	[sflag:s20] =	ssyncset.done $0x0  }
0x10d: {  	s10 =	rddreg [dreg:$0x1b];
	[sflag:s20] =	ssyncadd.s32 $0xFFFFD800  }
0x10e: {  	[spmem:s3] =	stream.indirect.scatter.add.f32 [tilespmem:s16], [sflag:$0x5], $0x80, s10, s14, $0xb8;
	v63 =	vld [tilespmem:$0x0]  }
0x10f: {  	_ =	swait.ge [sflag:s21], $0x2800  }
0x110: {  	[sflag:s21] =	ssyncset.done $0x0  }
0x111: {  	s10 =	rddreg [dreg:$0x1c];
	[sflag:s21] =	ssyncadd.s32 $0xFFFFD800  }
0x112: {  	[tilespmem:s15], [sflag:$0x1] =	stream.indirect.gather [hbm4b:s1+s14], $0x80, s10, s14, $0xb8;
	v63 =	vld [tilespmem:$0x0]  }
0x113: {  	v2 =	vld [tilespmem:$0x15580];
	_ =	sdelay $0x7  }
0x114: {  	[tilespmem:v2+s17+$0x0] =	vst.idx.add.f32.msk $0xffff, v1  }
0x115: {  	v2 =	vld [tilespmem:$0x15590];
	_ =	sdelay $0x7  }
0x116: {  	[tilespmem:v2+s17+$0x0] =	vst.idx.add.f32.msk $0xffff, v1  }
0x117: {  	v2 =	vld [tilespmem:$0x155A0];
	_ =	sdelay $0x7  }
0x118: {  	[tilespmem:v2+s17+$0x0] =	vst.idx.add.f32.msk $0xffff, v1  }
0x119: {  	v2 =	vld [tilespmem:$0x155B0];
	_ =	sdelay $0x7  }
0x11a: {  	[tilespmem:v2+s17+$0x0] =	vst.idx.add.f32.msk $0xffff, v1  }
0x11b: {  	v2 =	vld [tilespmem:$0x155C0];
	_ =	sdelay $0x7  }
0x11c: {  	[tilespmem:v2+s17+$0x0] =	vst.idx.add.f32.msk $0xffff, v1  }
0x11d: {  	_ =	swait.ge [sflag:s22], $0x2800  }
0x11e: {  	[sflag:s22] =	ssyncset.done $0x0  }
0x11f: {  	s10 =	rddreg [dreg:$0x1d];
	[sflag:s22] =	ssyncadd.s32 $0xFFFFD800  }
0x120: {  	[spmem:s3] =	stream.indirect.scatter.add.f32 [tilespmem:s19], [sflag:$0x6], $0x80, s10, s14, $0xb8;
	v63 =	vld [tilespmem:$0x0]  }
0x121: {  	_ =	swait.ge [sflag:s23], $0x2800  }
0x122: {  	[sflag:s23] =	ssyncset.done $0x0  }
0x123: {  	s10 =	rddreg [dreg:$0x1e];
	[sflag:s23] =	ssyncadd.s32 $0xFFFFD800  }
0x124: {  	[tilespmem:s16], [sflag:$0x2] =	stream.indirect.gather [hbm4b:s1+s14], $0x80, s10, s14, $0xb8;
	v63 =	vld [tilespmem:$0x0]  }
0x125: {  	v2 =	vld [tilespmem:$0x15600];
	_ =	sdelay $0x7  }
0x126: {  	[tilespmem:v2+s17+$0x0] =	vst.idx.add.f32.msk $0xffff, v1  }
0x127: {  	v2 =	vld [tilespmem:$0x15610];
	_ =	sdelay $0x7  }
0x128: {  	[tilespmem:v2+s17+$0x0] =	vst.idx.add.f32.msk $0xffff, v1  }
0x129: {  	v2 =	vld [tilespmem:$0x15620];
	_ =	sdelay $0x7  }
0x12a: {  	[tilespmem:v2+s17+$0x0] =	vst.idx.add.f32.msk $0xffff, v1  }
0x12b: {  	v2 =	vld [tilespmem:$0x15630];
	_ =	sdelay $0x7  }
0x12c: {  	[tilespmem:v2+s17+$0x0] =	vst.idx.add.f32.msk $0xffff, v1  }
0x12d: {  	v2 =	vld [tilespmem:$0x15640];
	_ =	sdelay $0x7  }
0x12e: {  	[tilespmem:v2+s17+$0x0] =	vst.idx.add.f32.msk $0xffff, v1  }
0x12f: {  	_ =	swait.ge [sflag:s18], $0x2800  }
0x130: {  	[sflag:s18] =	ssyncset.done $0x0  }
0x131: {  	s10 =	rddreg [dreg:$0x1f];
	[sflag:s18] =	ssyncadd.s32 $0xFFFFD800  }
0x132: {  	[spmem:s3] =	stream.indirect.scatter.add.f32 [tilespmem:s15], [sflag:$0x4], $0x80, s10, s14, $0xb8;
	v63 =	vld [tilespmem:$0x0]  }
0x133: {  	_ =	swait.ge [sflag:s24], $0x2800  }
0x134: {  	s10 =	sld [smem:$0x7EF]  }
0x135: {  	[sflag:s24] =	ssyncset.done $0x0  }
0x136: {  	[sflag:s24] =	ssyncadd.s32 $0xFFFFD800  }
0x137: {  	[tilespmem:s19], [sflag:$0x3] =	stream.indirect.gather [hbm4b:s1+s14], $0x80, s10, s14, $0xb8;
	v63 =	vld [tilespmem:$0x0]  }
0x138: {  	v2 =	vld [tilespmem:$0x15680];
	_ =	sdelay $0x7  }
0x139: {  	[tilespmem:v2+s17+$0x0] =	vst.idx.add.f32.msk $0xffff, v1  }
0x13a: {  	v2 =	vld [tilespmem:$0x15690];
	_ =	sdelay $0x7  }
0x13b: {  	[tilespmem:v2+s17+$0x0] =	vst.idx.add.f32.msk $0xffff, v1  }
0x13c: {  	v2 =	vld [tilespmem:$0x156A0];
	_ =	sdelay $0x7  }
0x13d: {  	[tilespmem:v2+s17+$0x0] =	vst.idx.add.f32.msk $0xffff, v1  }
0x13e: {  	v2 =	vld [tilespmem:$0x156B0];
	_ =	sdelay $0x7  }
0x13f: {  	[tilespmem:v2+s17+$0x0] =	vst.idx.add.f32.msk $0xffff, v1  }
0x140: {  	v2 =	vld [tilespmem:$0x156C0];
	_ =	sdelay $0x7  }
0x141: {  	[tilespmem:v2+s17+$0x0] =	vst.idx.add.f32.msk $0xffff, v1  }
0x142: {  	_ =	swait.ge [sflag:s20], $0x2800  }
0x143: {  	s10 =	sld [smem:$0x7F0]  }
0x144: {  	[sflag:s20] =	ssyncset.done $0x0  }
0x145: {  	[sflag:s20] =	ssyncadd.s32 $0xFFFFD800  }
0x146: {  	[spmem:s3] =	stream.indirect.scatter.add.f32 [tilespmem:s16], [sflag:$0x5], $0x80, s10, s14, $0xb8;
	v63 =	vld [tilespmem:$0x0]  }
0x147: {  	_ =	swait.ge [sflag:s21], $0x2800  }
0x148: {  	s10 =	sld [smem:$0x7F1]  }
0x149: {  	[sflag:s21] =	ssyncset.done $0x0  }
0x14a: {  	[sflag:s21] =	ssyncadd.s32 $0xFFFFD800  }
0x14b: {  	[tilespmem:s15], [sflag:$0x1] =	stream.indirect.gather [hbm4b:s1+s14], $0x80, s10, s14, $0xb8;
	v63 =	vld [tilespmem:$0x0]  }
0x14c: {  	v2 =	vld [tilespmem:$0x15700];
	_ =	sdelay $0x7  }
0x14d: {  	[tilespmem:v2+s17+$0x0] =	vst.idx.add.f32.msk $0xffff, v1  }
0x14e: {  	v2 =	vld [tilespmem:$0x15710];
	_ =	sdelay $0x7  }
0x14f: {  	[tilespmem:v2+s17+$0x0] =	vst.idx.add.f32.msk $0xffff, v1  }
0x150: {  	v2 =	vld [tilespmem:$0x15720];
	_ =	sdelay $0x7  }
0x151: {  	[tilespmem:v2+s17+$0x0] =	vst.idx.add.f32.msk $0xffff, v1  }
0x152: {  	v2 =	vld [tilespmem:$0x15730];
	_ =	sdelay $0x7  }
0x153: {  	[tilespmem:v2+s17+$0x0] =	vst.idx.add.f32.msk $0xffff, v1  }
0x154: {  	v2 =	vld [tilespmem:$0x15740];
	_ =	sdelay $0x7  }
0x155: {  	[tilespmem:v2+s17+$0x0] =	vst.idx.add.f32.msk $0xffff, v1  }
0x156: {  	_ =	swait.ge [sflag:s22], $0x2800  }
0x157: {  	s10 =	sld [smem:$0x7F2]  }
0x158: {  	[sflag:s22] =	ssyncset.done $0x0  }
0x159: {  	[sflag:s22] =	ssyncadd.s32 $0xFFFFD800  }
0x15a: {  	[spmem:s3] =	stream.indirect.scatter.add.f32 [tilespmem:s19], [sflag:$0x6], $0x80, s10, s14, $0xb8;
	v63 =	vld [tilespmem:$0x0]  }
0x15b: {  	_ =	swait.ge [sflag:s23], $0x2800  }
0x15c: {  	s10 =	sld [smem:$0x7F3]  }
0x15d: {  	[sflag:s23] =	ssyncset.done $0x0  }
0x15e: {  	[sflag:s23] =	ssyncadd.s32 $0xFFFFD800  }
0x15f: {  	[tilespmem:s16], [sflag:$0x2] =	stream.indirect.gather [hbm4b:s1+s14], $0x80, s10, s14, $0xb8;
	v63 =	vld [tilespmem:$0x0]  }
0x160: {  	v2 =	vld [tilespmem:$0x15780];
	_ =	sdelay $0x7  }
0x161: {  	[tilespmem:v2+s17+$0x0] =	vst.idx.add.f32.msk $0xffff, v1  }
0x162: {  	v2 =	vld [tilespmem:$0x15790];
	_ =	sdelay $0x7  }
0x163: {  	[tilespmem:v2+s17+$0x0] =	vst.idx.add.f32.msk $0xffff, v1  }
0x164: {  	v2 =	vld [tilespmem:$0x157A0];
	_ =	sdelay $0x7  }
0x165: {  	[tilespmem:v2+s17+$0x0] =	vst.idx.add.f32.msk $0xffff, v1  }
0x166: {  	v2 =	vld [tilespmem:$0x157B0];
	_ =	sdelay $0x7  }
0x167: {  	[tilespmem:v2+s17+$0x0] =	vst.idx.add.f32.msk $0xffff, v1  }
0x168: {  	v2 =	vld [tilespmem:$0x157C0];
	_ =	sdelay $0x7  }
0x169: {  	[tilespmem:v2+s17+$0x0] =	vst.idx.add.f32.msk $0xffff, v1  }
0x16a: {  	_ =	swait.ge [sflag:s18], $0x2800  }
0x16b: {  	s10 =	sld [smem:$0x7F4]  }
0x16c: {  	[sflag:s18] =	ssyncset.done $0x0  }
0x16d: {  	[sflag:s18] =	ssyncadd.s32 $0xFFFFD800  }
0x16e: {  	[spmem:s3] =	stream.indirect.scatter.add.f32 [tilespmem:s15], [sflag:$0x4], $0x80, s10, s14, $0xb8;
	v63 =	vld [tilespmem:$0x0]  }
0x16f: {  	_ =	swait.ge [sflag:s24], $0x2800  }
0x170: {  	s10 =	sld [smem:$0x7F5]  }
0x171: {  	[sflag:s24] =	ssyncset.done $0x0  }
0x172: {  	[sflag:s24] =	ssyncadd.s32 $0xFFFFD800  }
0x173: {  	[tilespmem:s19], [sflag:$0x3] =	stream.indirect.gather [hbm4b:s1+s14], $0x80, s10, s14, $0xb8;
	v63 =	vld [tilespmem:$0x0]  }
0x174: {  	v2 =	vld [tilespmem:$0x15800];
	_ =	sdelay $0x7  }
0x175: {  	[tilespmem:v2+s17+$0x0] =	vst.idx.add.f32.msk $0xffff, v1  }
0x176: {  	v2 =	vld [tilespmem:$0x15810];
	_ =	sdelay $0x7  }
0x177: {  	[tilespmem:v2+s17+$0x0] =	vst.idx.add.f32.msk $0xffff, v1  }
0x178: {  	v2 =	vld [tilespmem:$0x15820];
	_ =	sdelay $0x7  }
0x179: {  	[tilespmem:v2+s17+$0x0] =	vst.idx.add.f32.msk $0xffff, v1  }
0x17a: {  	v2 =	vld [tilespmem:$0x15830];
	_ =	sdelay $0x7  }
0x17b: {  	[tilespmem:v2+s17+$0x0] =	vst.idx.add.f32.msk $0xffff, v1  }
0x17c: {  	v2 =	vld [tilespmem:$0x15840];
	_ =	sdelay $0x7  }
0x17d: {  	[tilespmem:v2+s17+$0x0] =	vst.idx.add.f32.msk $0xffff, v1  }
0x17e: {  	_ =	swait.ge [sflag:s20], $0x2800  }
0x17f: {  	s10 =	sld [smem:$0x7F6]  }
0x180: {  	[sflag:s20] =	ssyncset.done $0x0  }
0x181: {  	[sflag:s20] =	ssyncadd.s32 $0xFFFFD800  }
0x182: {  	[spmem:s3] =	stream.indirect.scatter.add.f32 [tilespmem:s16], [sflag:$0x5], $0x80, s10, s14, $0xb8;
	v63 =	vld [tilespmem:$0x0]  }
0x183: {  	_ =	swait.ge [sflag:s21], $0x2800  }
0x184: {  	s10 =	sld [smem:$0x7F7]  }
0x185: {  	[sflag:s21] =	ssyncset.done $0x0  }
0x186: {  	[sflag:s21] =	ssyncadd.s32 $0xFFFFD800  }
0x187: {  	[tilespmem:s15], [sflag:$0x1] =	stream.indirect.gather [hbm4b:s1+s14], $0x80, s10, s14, $0xb8;
	v63 =	vld [tilespmem:$0x0]  }
0x188: {  	v2 =	vld [tilespmem:$0x15880];
	_ =	sdelay $0x7  }
0x189: {  	[tilespmem:v2+s17+$0x0] =	vst.idx.add.f32.msk $0xffff, v1  }
0x18a: {  	v2 =	vld [tilespmem:$0x15890];
	_ =	sdelay $0x7  }
0x18b: {  	[tilespmem:v2+s17+$0x0] =	vst.idx.add.f32.msk $0xffff, v1  }
0x18c: {  	v2 =	vld [tilespmem:$0x158A0];
	_ =	sdelay $0x7  }
0x18d: {  	[tilespmem:v2+s17+$0x0] =	vst.idx.add.f32.msk $0xffff, v1  }
0x18e: {  	v2 =	vld [tilespmem:$0x158B0];
	_ =	sdelay $0x7  }
0x18f: {  	[tilespmem:v2+s17+$0x0] =	vst.idx.add.f32.msk $0xffff, v1  }
0x190: {  	v2 =	vld [tilespmem:$0x158C0];
	_ =	sdelay $0x7  }
0x191: {  	[tilespmem:v2+s17+$0x0] =	vst.idx.add.f32.msk $0xffff, v1  }
0x192: {  	_ =	swait.ge [sflag:s22], $0x2800  }
0x193: {  	s10 =	sld [smem:$0x7F8]  }
0x194: {  	[sflag:s22] =	ssyncset.done $0x0  }
0x195: {  	[sflag:s22] =	ssyncadd.s32 $0xFFFFD800  }
0x196: {  	[spmem:s3] =	stream.indirect.scatter.add.f32 [tilespmem:s19], [sflag:$0x6], $0x80, s10, s14, $0xb8;
	v63 =	vld [tilespmem:$0x0]  }
0x197: {  	_ =	swait.ge [sflag:s23], $0x2800  }
0x198: {  	s10 =	sld [smem:$0x7F9]  }
0x199: {  	[sflag:s23] =	ssyncset.done $0x0  }
0x19a: {  	[sflag:s23] =	ssyncadd.s32 $0xFFFFD800  }
0x19b: {  	[tilespmem:s16], [sflag:$0x2] =	stream.indirect.gather [hbm4b:s1+s14], $0x80, s10, s14, $0xb8;
	v63 =	vld [tilespmem:$0x0]  }
0x19c: {  	v2 =	vld [tilespmem:$0x15900];
	_ =	sdelay $0x7  }
0x19d: {  	[tilespmem:v2+s17+$0x0] =	vst.idx.add.f32.msk $0xffff, v1  }
0x19e: {  	v2 =	vld [tilespmem:$0x15910];
	_ =	sdelay $0x7  }
0x19f: {  	[tilespmem:v2+s17+$0x0] =	vst.idx.add.f32.msk $0xffff, v1  }
0x1a0: {  	v2 =	vld [tilespmem:$0x15920];
	_ =	sdelay $0x7  }
0x1a1: {  	[tilespmem:v2+s17+$0x0] =	vst.idx.add.f32.msk $0xffff, v1  }
0x1a2: {  	v2 =	vld [tilespmem:$0x15930];
	_ =	sdelay $0x7  }
0x1a3: {  	[tilespmem:v2+s17+$0x0] =	vst.idx.add.f32.msk $0xffff, v1  }
0x1a4: {  	v2 =	vld [tilespmem:$0x15940];
	_ =	sdelay $0x7  }
0x1a5: {  	[tilespmem:v2+s17+$0x0] =	vst.idx.add.f32.msk $0xffff, v1  }
0x1a6: {  	_ =	swait.ge [sflag:s18], $0x2800  }
0x1a7: {  	s10 =	sld [smem:$0x7FA]  }
0x1a8: {  	[sflag:s18] =	ssyncset.done $0x0  }
0x1a9: {  	[sflag:s18] =	ssyncadd.s32 $0xFFFFD800  }
0x1aa: {  	[spmem:s3] =	stream.indirect.scatter.add.f32 [tilespmem:s15], [sflag:$0x4], $0x80, s10, s14, $0xb8;
	v63 =	vld [tilespmem:$0x0]  }
0x1ab: {  	_ =	swait.ge [sflag:s24], $0x2800  }
0x1ac: {  	s10 =	sld [smem:$0x7FB]  }
0x1ad: {  	[sflag:s24] =	ssyncset.done $0x0  }
0x1ae: {  	[sflag:s24] =	ssyncadd.s32 $0xFFFFD800  }
0x1af: {  	[tilespmem:s19], [sflag:$0x3] =	stream.indirect.gather [hbm4b:s1+s14], $0x80, s10, s14, $0xb8;
	v63 =	vld [tilespmem:$0x0]  }
0x1b0: {  	v2 =	vld [tilespmem:$0x15980];
	_ =	sdelay $0x7  }
0x1b1: {  	[tilespmem:v2+s17+$0x0] =	vst.idx.add.f32.msk $0xffff, v1  }
0x1b2: {  	v2 =	vld [tilespmem:$0x15990];
	_ =	sdelay $0x7  }
0x1b3: {  	[tilespmem:v2+s17+$0x0] =	vst.idx.add.f32.msk $0xffff, v1  }
0x1b4: {  	v2 =	vld [tilespmem:$0x159A0];
	_ =	sdelay $0x7  }
0x1b5: {  	[tilespmem:v2+s17+$0x0] =	vst.idx.add.f32.msk $0xffff, v1  }
0x1b6: {  	v2 =	vld [tilespmem:$0x159B0];
	_ =	sdelay $0x7  }
0x1b7: {  	[tilespmem:v2+s17+$0x0] =	vst.idx.add.f32.msk $0xffff, v1  }
0x1b8: {  	v2 =	vld [tilespmem:$0x159C0];
	_ =	sdelay $0x7  }
0x1b9: {  	[tilespmem:v2+s17+$0x0] =	vst.idx.add.f32.msk $0xffff, v1  }
0x1ba: {  	_ =	swait.ge [sflag:s20], $0x2800  }
0x1bb: {  	[sflag:s20] =	ssyncset.done $0x0  }
0x1bc: {  	[sflag:s20] =	ssyncadd.s32 $0xFFFFD800  }
0x1bd: {  	[spmem:s3] =	stream.indirect.scatter.add.f32 [tilespmem:s16], [sflag:$0x5], $0x80, s25, s14, $0xb8;
	v63 =	vld [tilespmem:$0x0]  }
0x1be: {  	_ =	swait.ge [sflag:s21], $0x2800  }
0x1bf: {  	[sflag:s21] =	ssyncset.done $0x0  }
0x1c0: {  	[sflag:s21] =	ssyncadd.s32 $0xFFFFD800  }
0x1c1: {  	[tilespmem:s15], [sflag:$0x1] =	stream.indirect.gather [hbm4b:s1+s14], $0x80, s26, s14, $0xb8;
	v63 =	vld [tilespmem:$0x0]  }
0x1c2: {  	v2 =	vld [tilespmem:$0x15A00];
	_ =	sdelay $0x7  }
0x1c3: {  	[tilespmem:v2+s17+$0x0] =	vst.idx.add.f32.msk $0xffff, v1  }
0x1c4: {  	v2 =	vld [tilespmem:$0x15A10];
	_ =	sdelay $0x7  }
0x1c5: {  	[tilespmem:v2+s17+$0x0] =	vst.idx.add.f32.msk $0xffff, v1  }
0x1c6: {  	v2 =	vld [tilespmem:$0x15A20];
	_ =	sdelay $0x7  }
0x1c7: {  	[tilespmem:v2+s17+$0x0] =	vst.idx.add.f32.msk $0xffff, v1  }
0x1c8: {  	v2 =	vld [tilespmem:$0x15A30];
	_ =	sdelay $0x7  }
0x1c9: {  	[tilespmem:v2+s17+$0x0] =	vst.idx.add.f32.msk $0xffff, v1  }
0x1ca: {  	v2 =	vld [tilespmem:$0x15A40];
	_ =	sdelay $0x7  }
0x1cb: {  	[tilespmem:v2+s17+$0x0] =	vst.idx.add.f32.msk $0xffff, v1  }
0x1cc: {  	_ =	swait.ge [sflag:s22], $0x2800  }
0x1cd: {  	[sflag:s22] =	ssyncset.done $0x0  }
0x1ce: {  	[sflag:s22] =	ssyncadd.s32 $0xFFFFD800  }
0x1cf: {  	[spmem:s3] =	stream.indirect.scatter.add.f32 [tilespmem:s19], [sflag:$0x6], $0x80, s28, s14, $0xb8;
	v63 =	vld [tilespmem:$0x0]  }
0x1d0: {  	_ =	swait.ge [sflag:s23], $0x2800  }
0x1d1: {  	[sflag:s23] =	ssyncset.done $0x0  }
0x1d2: {  	[sflag:s23] =	ssyncadd.s32 $0xFFFFD800  }
0x1d3: {  	[tilespmem:s16], [sflag:$0x2] =	stream.indirect.gather [hbm4b:s1+s14], $0x80, s29, s14, $0xb8;
	v63 =	vld [tilespmem:$0x0]  }
0x1d4: {  	v2 =	vld [tilespmem:$0x15A80];
	_ =	sdelay $0x7  }
0x1d5: {  	[tilespmem:v2+s17+$0x0] =	vst.idx.add.f32.msk $0xffff, v1  }
0x1d6: {  	v2 =	vld [tilespmem:$0x15A90];
	_ =	sdelay $0x7  }
0x1d7: {  	[tilespmem:v2+s17+$0x0] =	vst.idx.add.f32.msk $0xffff, v1  }
0x1d8: {  	v2 =	vld [tilespmem:$0x15AA0];
	_ =	sdelay $0x7  }
0x1d9: {  	[tilespmem:v2+s17+$0x0] =	vst.idx.add.f32.msk $0xffff, v1  }
0x1da: {  	v2 =	vld [tilespmem:$0x15AB0];
	_ =	sdelay $0x7  }
0x1db: {  	[tilespmem:v2+s17+$0x0] =	vst.idx.add.f32.msk $0xffff, v1  }
0x1dc: {  	v2 =	vld [tilespmem:$0x15AC0];
	_ =	sdelay $0x7  }
0x1dd: {  	[tilespmem:v2+s17+$0x0] =	vst.idx.add.f32.msk $0xffff, v1  }
0x1de: {  	_ =	swait.ge [sflag:s18], $0x2800  }
0x1df: {  	[sflag:s18] =	ssyncset.done $0x0  }
0x1e0: {  	[sflag:s18] =	ssyncadd.s32 $0xFFFFD800  }
0x1e1: {  	[spmem:s3] =	stream.indirect.scatter.add.f32 [tilespmem:s15], [sflag:$0x4], $0x80, s30, s14, $0xb8;
	v63 =	vld [tilespmem:$0x0]  }
0x1e2: {  	_ =	swait.ge [sflag:s24], $0x2800  }
0x1e3: {  	[sflag:s24] =	ssyncset.done $0x0  }
0x1e4: {  	[sflag:s24] =	ssyncadd.s32 $0xFFFFD800  }
0x1e5: {  	[tilespmem:s19], [sflag:$0x3] =	stream.indirect.gather [hbm4b:s1+s14], $0x80, s31, s14, $0xb8;
	v63 =	vld [tilespmem:$0x0]  }
0x1e6: {  	v2 =	vld [tilespmem:$0x15B00];
	_ =	sdelay $0x7  }
0x1e7: {  	[tilespmem:v2+s17+$0x0] =	vst.idx.add.f32.msk $0xffff, v1  }
0x1e8: {  	v2 =	vld [tilespmem:$0x15B10];
	_ =	sdelay $0x7  }
0x1e9: {  	[tilespmem:v2+s17+$0x0] =	vst.idx.add.f32.msk $0xffff, v1  }
0x1ea: {  	v2 =	vld [tilespmem:$0x15B20];
	_ =	sdelay $0x7  }
0x1eb: {  	[tilespmem:v2+s17+$0x0] =	vst.idx.add.f32.msk $0xffff, v1  }
0x1ec: {  	v2 =	vld [tilespmem:$0x15B30];
	_ =	sdelay $0x7  }
0x1ed: {  	[tilespmem:v2+s17+$0x0] =	vst.idx.add.f32.msk $0xffff, v1  }
0x1ee: {  	v2 =	vld [tilespmem:$0x15B40];
	_ =	sdelay $0x7  }
0x1ef: {  	[tilespmem:v2+s17+$0x0] =	vst.idx.add.f32.msk $0xffff, v1  }
0x1f0: {  	_ =	swait.ge [sflag:s20], $0x2800  }
0x1f1: {  	[sflag:s20] =	ssyncset.done $0x0  }
0x1f2: {  	[sflag:s20] =	ssyncadd.s32 $0xFFFFD800  }
0x1f3: {  	[spmem:s3] =	stream.indirect.scatter.add.f32 [tilespmem:s16], [sflag:$0x5], $0x80, s2, s14, $0xb8;
	v63 =	vld [tilespmem:$0x0]  }
0x1f4: {  	_ =	swait.ge [sflag:s21], $0x2800  }
0x1f5: {  	[sflag:s21] =	ssyncset.done $0x0  }
0x1f6: {  	[sflag:s21] =	ssyncadd.s32 $0xFFFFD800  }
0x1f7: {  	[tilespmem:s15], [sflag:$0x1] =	stream.indirect.gather [hbm4b:s1+s14], $0x80, s0, s14, $0xb8;
	v63 =	vld [tilespmem:$0x0]  }
0x1f8: {  	v2 =	vld [tilespmem:$0x15B80];
	_ =	sdelay $0x7  }
0x1f9: {  	[tilespmem:v2+s17+$0x0] =	vst.idx.add.f32.msk $0xffff, v1  }
0x1fa: {  	v2 =	vld [tilespmem:$0x15B90];
	_ =	sdelay $0x7  }
0x1fb: {  	[tilespmem:v2+s17+$0x0] =	vst.idx.add.f32.msk $0xffff, v1  }
0x1fc: {  	v2 =	vld [tilespmem:$0x15BA0];
	_ =	sdelay $0x7  }
0x1fd: {  	[tilespmem:v2+s17+$0x0] =	vst.idx.add.f32.msk $0xffff, v1  }
0x1fe: {  	v2 =	vld [tilespmem:$0x15BB0];
	_ =	sdelay $0x7  }
0x1ff: {  	[tilespmem:v2+s17+$0x0] =	vst.idx.add.f32.msk $0xffff, v1  }
0x200: {  	v2 =	vld [tilespmem:$0x15BC0];
	_ =	sdelay $0x7  }
0x201: {  	[tilespmem:v2+s17+$0x0] =	vst.idx.add.f32.msk $0xffff, v1  }
0x202: {  	_ =	swait.ge [sflag:s22], $0x2800  }
0x203: {  	[sflag:s22] =	ssyncset.done $0x0  }
0x204: {  	[sflag:s22] =	ssyncadd.s32 $0xFFFFD800  }
0x205: {  	[spmem:s3] =	stream.indirect.scatter.add.f32 [tilespmem:s19], [sflag:$0x6], $0x80, s5, s14, $0xb8;
	v63 =	vld [tilespmem:$0x0]  }
0x206: {  	v2 =	vld [tilespmem:$0x15C00];
	_ =	sdelay $0x7  }
0x207: {  	[tilespmem:v2+s17+$0x0] =	vst.idx.add.f32.msk $0xffff, v1  }
0x208: {  	v2 =	vld [tilespmem:$0x15C10];
	_ =	sdelay $0x7  }
0x209: {  	[tilespmem:v2+s17+$0x0] =	vst.idx.add.f32.msk $0xffff, v1  }
0x20a: {  	v2 =	vld [tilespmem:$0x15C20];
	_ =	sdelay $0x7  }
0x20b: {  	[tilespmem:v2+s17+$0x0] =	vst.idx.add.f32.msk $0xffff, v1  }
0x20c: {  	v2 =	vld [tilespmem:$0x15C30];
	_ =	sdelay $0x7  }
0x20d: {  	[tilespmem:v2+s17+$0x0] =	vst.idx.add.f32.msk $0xffff, v1  }
0x20e: {  	v2 =	vld [tilespmem:$0x15C40];
	_ =	sdelay $0x7  }
0x20f: {  	[tilespmem:v2+s17+$0x0] =	vst.idx.add.f32.msk $0xffff, v1  }
0x210: {  	_ =	swait.ge [sflag:s18], $0x2800  }
0x211: {  	[sflag:s18] =	ssyncset.done $0x0  }
0x212: {  	[sflag:s18] =	ssyncadd.s32 $0xFFFFD800  }
0x213: {  	[spmem:s3] =	stream.indirect.scatter.add.f32 [tilespmem:s15], [sflag:$0x4], $0x80, s7, s14, $0xb8;
	v63 =	vld [tilespmem:$0x0]  }
0x214: {  	_ =	swait.ge [sflag:s23], $0x2800  }
0x215: {  	[sflag:s23] =	ssyncset.done $0x0  }
0x216: {  	[sflag:s23] =	ssyncadd.s32 $0xFFFFD800  }
0x217: {  	p0 =	sne.s32 s9, $0x800;
	_ =	swait.ge [sflag:s24], $0x2800  }
.Ltmp1:
0x218: {  	[sflag:s24] =	ssyncset.done $0x0;
	(pc) =	sbr.rel @p0 .LBB2_4-.Ltmp1, $4  }
0x219: {  	[sflag:s24] =	ssyncadd.s32 $0xFFFFD800  }
0x21a: {  	_ =	swait.ge [sflag:s21], $0x2800  }
0x21b: {  	[sflag:s21] =	ssyncset.done $0x0  }
0x21c: {  	s9 =	sadd.s32 $0x200, s9;
	[sflag:s21] =	ssyncadd.s32 $0xFFFFD800  }
0x21d: {  	s6 =	sld [smem:$0x7EC];
	_ =	sdelay $0x1  }
0x21e: {  	s9 =	simm.s32 $0x80;
	s10 =	simm.s32 $0x400  }
0x21f: {  	[hbm4b:s6+s9] =	stream.strided.scatter [tilespmem:s17], [sflag:$0x7], $0x2800, s10, s9, $0x38;
	v63 =	vld [tilespmem:$0x0]  }
0x220: {  	_ =	swait.ge [sflag:s11], $0x2800  }
0x221: {  	[sflag:s11] =	ssyncset.done $0x0  }
0x222: {  	[sflag:s11] =	ssyncadd.s32 $0xFFFFD800  }
0x223: {  	[bflag:$0x0] =	sbarrier.arrive $0xFFFF  }
0x224: {  	s9 =	sld [smem:$0x7FC]  }
0x225: {  	s6 =	sld [smem:$0x7ED]  }
0x226: {  	s10 =	sld [smem:$0x7FD];
	_ =	sdelay $0x2  }
0x227: {  	[hbm:s6], [sflag:s9] =	dma.local [spmem:s10], $0x2800  }
0x228: {  	_ =	swait.ge [sflag:s11], $0x2800  }
0x229: {  	s6 =	sld [smem:$0x7EE];
	_ =	sdelay $0x1  }
0x22a: {  	s8 =	sadd.s32 $0x1, s8  }
0x22b: {  	p0 =	sne.s32 s8, s6  }
.Ltmp2:
0x22c: {  	_ = 	snop;
	(pc) =	sbr.rel @p0 .LBB2_1-.Ltmp2, $3  }
0x22d: {  	_ =	sdelay $0x1  }
0x22e: {  	[sflag:s11] =	ssyncset.done $0x0  }
0x22f: {  	[sflag:s11] =	ssyncadd.s32 $0xFFFFD800  }
0x230: {  	_ =	sfence.sel $0x180000  }
0x231: {  	[bflag:$0x0] =	sbarrier.arrive $0xFFFF  }
0x232: {  	_ =	strace $0x90000047  }
0x233: {  	s0 =	stileid.u32;
	[bflag:$0x2] =	sbarrier.arrive $0xFFFF  }
0x234: {  	p0 =	sne.s32 s0, $0x0;
	s0 =	rddreg [dreg:$0x4]  }
0x235: {  	s0 =	sadd.s32 @!p0 $0x100000, s0  }
0x236: {  	[sflag:s0] =	ssyncadd.tile.s32 @!p0 $0x1;
	_ =	shalt  }
.Lfunc_end2:
_tile_overlayer_lowered:
.L_overlay_start_2:
0x237: {  	(tag) =	ssettag $0x2  }
0x238: {  	s0 =	rddreg [dreg:$0x0];
	s2 =	stileid.u32  }
0x239: {  	s1 =	rddreg [dreg:$0x1];
	p0 =	sne.s32 s2, $0x0  }
0x23a: {  	s3 =	rddreg [dreg:$0x2];
	[bflag:$0x3] =	sbarrier.arrive $0xFFFF;
	s2 =	simm.s32 @!p0 $0x1C07  }
0x23b: {  	[timem:s3], [sflag:s2] =	dma.local @!p0 [hbm:s0], s1  }
0x23c: {  	s0 =	simm.s32 @!p0 $0x7  }
0x23d: {  	_ =	swait.ge @!p0 [sflag:s0], s1  }
0x23e: {  	s1 =	ssub.s32 @!p0 $0x0, s1;
	[sflag:s0] =	ssyncset.done @!p0 $0x0  }
0x23f: {  	[sflag:s0] =	ssyncadd.s32 @!p0 s1  }
0x240: {  	[bflag:$0x3] =	sbarrier.arrive $0xFFFF  }
0x241: {  	_ =	shalt  }

</sc_bundles>
